<compile_context>
chip_gen: v7x
topology: tpu7x:2x2x1
jax: 0.10.2.dev20260603
libtpu: 0.0.44.dev20260713+nightly
codegen_flags: <defaults>
</compile_context>

<pallas_src>
import jax
import jax.numpy as jnp
from jax import lax
from jax.experimental import pallas as pl
from jax.experimental.pallas import tpu as pltpu
from jax.experimental.pallas import tpu_sc as plsc

NC = 2
NS = 16
NW = NC * NS
K = 128
F32 = jnp.float32


def _mesh():
    return plsc.VectorSubcoreMesh(core_axis_name="c", subcore_axis_name="s",
                                  num_cores=NC, num_subcores=NS)


def _cdiv(a, b):
    return -(-a // b)


def _round_up(a, b):
    return _cdiv(a, b) * b


def _sc_degree(ei, n_pad, d):
    c_chunks = ei.shape[2]
    rps = n_pad // NS

    def body(ei_hbm, out_hbm, zeros_v, ones_s, ones_d, idxa, idxb, acc_sh,
             semi):
        cid = lax.axis_index("c")
        sid = lax.axis_index("s")

        @pl.loop(0, 32)
        def _(i):
            @pl.loop(0, d // 16)
            def _(j):
                zeros_v[i, pl.ds(j * 16, 16)] = jnp.zeros((16,), F32)

        @pl.loop(0, K)
        def _(i):
            @pl.loop(0, d // 16)
            def _(j):
                ones_s[i, pl.ds(j * 16, 16)] = jnp.zeros((16,), F32)
                ones_d[i, pl.ds(j * 16, 16)] = jnp.zeros((16,), F32)
            ones_s[i, pl.ds(0, 16)] = jnp.ones((16,), F32)
            ones_d[i, pl.ds(16, 16)] = jnp.ones((16,), F32)

        base = sid * rps

        @pl.loop(0, rps // 32)
        def _(t):
            pltpu.sync_copy(zeros_v, acc_sh.at[pl.ds(base + t * 32, 32)])

        plsc.subcore_barrier()

        pltpu.sync_copy(ei_hbm.at[cid, sid, 0], idxa)

        @pl.loop(0, c_chunks // 2)
        def _(h):
            c0 = h * 2
            cb = pltpu.async_copy(ei_hbm.at[cid, sid, c0 + 1], idxb, semi)
            pltpu.sync_copy(ones_s, acc_sh.at[idxa.at[0]], add=True)
            pltpu.sync_copy(ones_d, acc_sh.at[idxa.at[1]], add=True)
            cb.wait()
            c2 = jnp.minimum(c0 + 2, c_chunks - 1)
            ca = pltpu.async_copy(ei_hbm.at[cid, sid, c2], idxa, semi)
            pltpu.sync_copy(ones_s, acc_sh.at[idxb.at[0]], add=True)
            pltpu.sync_copy(ones_d, acc_sh.at[idxb.at[1]], add=True)
            ca.wait()

        plsc.subcore_barrier()
        pltpu.sync_copy(acc_sh.at[pl.ds(base, rps)],
                        out_hbm.at[cid, pl.ds(base, rps)])

    return pl.kernel(
        body,
        out_type=jax.ShapeDtypeStruct((NC, n_pad, d), F32),
        mesh=_mesh(),
        scratch_types=[
            pltpu.VMEM((32, d), F32),
            pltpu.VMEM((K, d), F32),
            pltpu.VMEM((K, d), F32),
            pltpu.VMEM((2, K), jnp.int32),
            pltpu.VMEM((2, K), jnp.int32),
            pltpu.VMEM_SHARED((n_pad, d), F32),
            pltpu.SemaphoreType.DMA,
        ],
    )(ei)


def _sc_prop(z, ei, n_pad):
    c_chunks = ei.shape[2]
    kk = ei.shape[4]
    nbuf = 2
    n_groups = c_chunks // nbuf
    d = z.shape[1]
    rps = n_pad // NS

    def body(z_hbm, ei_hbm, out_hbm,
             zeros_v, idxa, idxb, r0, r1, acc_sh,
             semi, s0, s1):
        cid = lax.axis_index("c")
        sid = lax.axis_index("s")
        rows = [r0, r1]
        sems = [s0, s1]

        @pl.loop(0, 32)
        def _(i):
            @pl.loop(0, d // 16)
            def _(j):
                zeros_v[i, pl.ds(j * 16, 16)] = jnp.zeros((16,), F32)

        base = sid * rps

        @pl.loop(0, rps // 32)
        def _(t):
            pltpu.sync_copy(zeros_v, acc_sh.at[pl.ds(base + t * 32, 32)])

        plsc.subcore_barrier()

        pltpu.sync_copy(ei_hbm.at[cid, sid, pl.ds(0, nbuf)], idxa)

        def do_group(idx_v):
            descs = [pltpu.async_copy(z_hbm.at[idx_v.at[b, 0]], rows[b],
                                      sems[b]) for b in range(nbuf)]
            for b in range(nbuf):
                descs[b].wait()
                pltpu.sync_copy(rows[b], acc_sh.at[idx_v.at[b, 1]], add=True)

        @pl.loop(0, n_groups // 2)
        def _(h):
            g0 = h * 2
            cb = pltpu.async_copy(
                ei_hbm.at[cid, sid, pl.ds((g0 + 1) * nbuf, nbuf)], idxb, semi)
            do_group(idxa)
            cb.wait()
            g2 = jnp.minimum(g0 + 2, n_groups - 1)
            ca = pltpu.async_copy(
                ei_hbm.at[cid, sid, pl.ds(g2 * nbuf, nbuf)], idxa, semi)
            do_group(idxb)
            ca.wait()

        plsc.subcore_barrier()
        pltpu.sync_copy(acc_sh.at[pl.ds(base, rps)],
                        out_hbm.at[cid, pl.ds(base, rps)])

    return pl.kernel(
        body,
        out_type=jax.ShapeDtypeStruct((NC, n_pad, d), F32),
        mesh=_mesh(),
        scratch_types=[
            pltpu.VMEM((32, d), F32),
            pltpu.VMEM((nbuf, 2, kk), jnp.int32),
            pltpu.VMEM((nbuf, 2, kk), jnp.int32),
            pltpu.VMEM((kk, d), F32),
            pltpu.VMEM((kk, d), F32),
            pltpu.VMEM_SHARED((n_pad, d), F32),
            pltpu.SemaphoreType.DMA,
            pltpu.SemaphoreType.DMA,
            pltpu.SemaphoreType.DMA,
        ],
    )(z, ei)


def _bcast_lanes(v16, d):
    return jnp.concatenate([v16] * (d // 16), axis=1)


def _row_block(n):
    for br in (2000, 1000, 500, 200, 100):
        if n % br == 0 and br % 8 == 0:
            return br
    return n


def _tc_pre(x, dps, n):
    d = x.shape[1]
    br = _row_block(n)

    def body(x_ref, dp_ref, z_ref):
        deg = dp_ref[0] + dp_ref[1]
        nsrc = lax.rsqrt(jnp.maximum(deg, 1.0))
        z_ref[...] = x_ref[...] * _bcast_lanes(nsrc, d)

    return pl.pallas_call(
        body,
        grid=(n // br,),
        in_specs=[
            pl.BlockSpec((br, d), lambda i: (i, 0)),
            pl.BlockSpec((NC, br, 16), lambda i: (0, i, 0)),
        ],
        out_specs=pl.BlockSpec((br, d), lambda i: (i, 0)),
        out_shape=jax.ShapeDtypeStruct((n, d), F32),
    )(x, dps)


def _tc_layer(acc, dps, dpd, w, b, n, scale_src):
    d = w.shape[0]
    br = _row_block(n)

    def body(acc_ref, dps_ref, dpd_ref, w_ref, b_ref, o_ref):
        s = acc_ref[0] + acc_ref[1]
        ndst = lax.rsqrt(jnp.maximum(dpd_ref[0] + dpd_ref[1], 1.0))
        if scale_src:
            nsrc = lax.rsqrt(jnp.maximum(dps_ref[0] + dps_ref[1], 1.0))
            scale = ndst * nsrc
        else:
            scale = ndst
        sm = s * _bcast_lanes(scale, d)
        out = jnp.dot(sm, w_ref[...], preferred_element_type=F32,
                      precision=lax.Precision.HIGHEST)
        if scale_src:
            out = out + _bcast_lanes(nsrc, d) * b_ref[...]
        else:
            out = out + b_ref[...]
        o_ref[...] = out

    return pl.pallas_call(
        body,
        grid=(n // br,),
        in_specs=[
            pl.BlockSpec((NC, br, d), lambda i: (0, i, 0)),
            pl.BlockSpec((NC, br, 16), lambda i: (0, i, 0)),
            pl.BlockSpec((NC, br, 16), lambda i: (0, i, 0)),
            pl.BlockSpec((d, d), lambda i: (0, 0)),
            pl.BlockSpec((1, d), lambda i: (0, 0)),
        ],
        out_specs=pl.BlockSpec((br, d), lambda i: (i, 0)),
        out_shape=jax.ShapeDtypeStruct((n, d), F32),
    )(acc, dps, dpd, w, b)


def kernel(in_feat, edge_index, W1, b1, W2, b2):
    n, d = in_feat.shape
    e = edge_index.shape[1]
    src = edge_index[0]
    dst = edge_index[1]

    c_chunks = _round_up(_cdiv(_cdiv(e, NW), K), 8)
    per_tile = c_chunks * K
    pad = NW * per_tile - e
    n_pad = _round_up(n + 1, NS * 64)
    spare = n_pad - n
    pad_src = n + (jnp.arange(pad, dtype=jnp.int32) % 8)
    pad_dst = n + (jnp.arange(pad, dtype=jnp.int32) % spare)
    srcf = jnp.concatenate([src, pad_src])
    dstf = jnp.concatenate([dst, pad_dst])
    ei = jnp.stack([srcf.reshape(NC, NS, c_chunks, K),
                    dstf.reshape(NC, NS, c_chunks, K)], axis=3)
    zpad = jnp.zeros((8, d), F32)

    dp = _sc_degree(ei, n_pad, d)
    dps = dp[:, :n, 0:16]
    dpd = dp[:, :n, 16:32]
    z = _tc_pre(in_feat, dps, n)
    acc1 = _sc_prop(jnp.concatenate([z, zpad]), ei, n_pad)
    z2 = _tc_layer(acc1[:, :n, :], dps, dpd, W1, b1.reshape(1, d), n,
                   scale_src=True)
    acc2 = _sc_prop(jnp.concatenate([z2, zpad]), ei, n_pad)
    out = _tc_layer(acc2[:, :n, :], dps, dpd, W2, b2.reshape(1, d), n,
                    scale_src=False)
    return out

# --- scband reference (transcript-rebuilt; emitter-appended) ---
"""Pipeline reference for scband-gcn-40415642256053 (READ-ONLY COPY).

The authoritative reference and input builder live on the scoring server;
editing this copy changes nothing except your own understanding.
"""

import jax, jax.numpy as jnp
import numpy as np

N = 10000
E = 320000
D = 128


def setup_inputs(seed: int = 0) -> dict:
    key = jax.random.key(seed)
    k1, k2, k3, k4, k5, k6 = jax.random.split(key, 6)
    x = jax.random.normal(k1, (N, D), dtype=jnp.float32)
    edge_index = jax.random.randint(k2, (2, E), 0, N, dtype=jnp.int32)
    W1 = jax.random.normal(k3, (D, D), dtype=jnp.float32) * 0.05
    b1 = jnp.zeros((D,), dtype=jnp.float32)
    W2 = jax.random.normal(k4, (D, D), dtype=jnp.float32) * 0.05
    b2 = jnp.zeros((D,), dtype=jnp.float32)
    return {"in_feat": x, "edge_index": edge_index, "W1": W1, "b1": b1, "W2": W2, "b2": b2}


def _graph_conv(x, src, dst, W, b):
    # DGL GraphConv with norm='both': D_dst^{-1/2} A D_src^{-1/2} X W + b
    ones = jnp.ones(src.shape[0], dtype=x.dtype)
    deg_out = jax.ops.segment_sum(ones, src, num_segments=N)
    deg_in = jax.ops.segment_sum(ones, dst, num_segments=N)
    norm_src = jnp.power(jnp.clip(deg_out, 1.0, None), -0.5)
    norm_dst = jnp.power(jnp.clip(deg_in, 1.0, None), -0.5)
    h = x * norm_src[:, None]
    msg = jnp.take(h, src, axis=0)
    agg = jax.ops.segment_sum(msg, dst, num_segments=N)
    agg = agg * norm_dst[:, None]
    return agg @ W + b


def reference(in_feat, edge_index, W1, b1, W2, b2):
    src = edge_index[0]
    dst = edge_index[1]
    residual = 0.0
    ori = in_feat
    # prop_step=2, relu=False, norm=False, drop_edge=False, neg_g=None
    h = _graph_conv(in_feat, src, dst, W1, b1) + residual * ori
    h = _graph_conv(h, src, dst, W2, b2) + residual * ori
    return h

if __name__ == "__main__":
    import jax
    _d = setup_inputs()
    print(jax.jit(kernel)(*tuple(_d.values())))

</pallas_src>

<mosaic_0001>
#map = affine_map<(d0, d1) -> (0, 0)>
#map1 = affine_map<(d0, d1) -> (0, 0, 0, 0, 0)>
#map2 = affine_map<(d0, d1) -> (0, 0, 0)>
module attributes {stable_mosaic.version = 14 : i64} {
  func.func @body(%arg0: i32, %arg1: i32, %arg2: memref<10008x128xf32, #tpu.memory_space<hbm>>, %arg3: memref<2x16x80x2x128xi32, #tpu.memory_space<hbm>>, %arg4: memref<2x10240x128xf32, #tpu.memory_space<hbm>>, %arg5: memref<32x128xf32, #tpu.memory_space<vmem>>, %arg6: memref<2x2x128xi32, #tpu.memory_space<vmem>>, %arg7: memref<2x2x128xi32, #tpu.memory_space<vmem>>, %arg8: memref<128x128xf32, #tpu.memory_space<vmem>>, %arg9: memref<128x128xf32, #tpu.memory_space<vmem>>, %arg10: memref<10240x128xf32, #tpu.memory_space<vmem_shared>>, %arg11: memref<!tpu.dma_semaphore, #tpu.memory_space<semaphore_mem>>, %arg12: memref<!tpu.dma_semaphore, #tpu.memory_space<semaphore_mem>>, %arg13: memref<!tpu.dma_semaphore, #tpu.memory_space<semaphore_mem>>) attributes {dimension_semantics = [#tpu.dimension_semantics<core_parallel>, #tpu.dimension_semantics<subcore_parallel>], iteration_bounds = array<i64: 2, 16>, scalar_prefetch = 0 : i64, scratch_operands = 9 : i64, tpu.core_type = #tpu.core_type<sc_vector_subcore>, window_params = [{transform_indices = #map}, {transform_indices = #map1}, {transform_indices = #map2}]} {
    %scan3A = arith.constant 0 : i32
    %scan3A_0 = arith.constant 32 : i32
    %scan3A_1 = arith.addi %scan3A, %scan3A_0 : i32
    %scan3A_2 = arith.constant 1 : i32
    scf.for %scan3A_16 = %scan3A to %scan3A_1 step %scan3A_2  : i32 {
      %mul3A_17 = arith.constant 1 : i32
      %mul3A_18 = arith.muli %scan3A_16, %mul3A_17 : i32
      %add3A = arith.constant 0 : i32
      %add3A_19 = arith.addi %add3A, %mul3A_18 : i32
      %scan3A_20 = arith.constant 0 : i32
      %scan3A_21 = arith.constant 8 : i32
      %scan3A_22 = arith.addi %scan3A_20, %scan3A_21 : i32
      %scan3A_23 = arith.constant 1 : i32
      scf.for %scan3A_25 = %scan3A_20 to %scan3A_22 step %scan3A_23  : i32 {
        %mul3A_26 = arith.constant 1 : i32
        %mul3A_27 = arith.muli %scan3A_25, %mul3A_26 : i32
        %add3A_28 = arith.constant 0 : i32
        %add3A_29 = arith.addi %add3A_28, %mul3A_27 : i32
        %broadcast_in_dim3A = arith.constant 0.000000e+00 : f32
        %broadcast_in_dim3A_30 = vector.broadcast %broadcast_in_dim3A : f32 to vector<16xf32>
        %mul3A_31 = arith.constant 16 : i32
        %mul3A_32 = arith.muli %add3A_29, %mul3A_31 : i32
        %swap3A = arith.index_cast %add3A_19 : i32 to index
        %swap3A_33 = arith.index_cast %mul3A_32 : i32 to index
        %swap3A_34 = tpu.vector_load %arg5[%swap3A, %swap3A_33] {strides = array<i32>} : memref<32x128xf32, #tpu.memory_space<vmem>>, vector<1x16xf32>,
        %swap3A_35 = vector.shape_cast %swap3A_34 : vector<1x16xf32> to vector<16xf32>
        %swap3A_36 = vector.shape_cast %broadcast_in_dim3A_30 : vector<16xf32> to vector<1x16xf32>
        tpu.vector_store %arg5[%swap3A, %swap3A_33], %swap3A_36 {strides = array<i32>} : memref<32x128xf32, #tpu.memory_space<vmem>>, vector<1x16xf32>,
      }
      %scan3A_24 = arith.constant 8 : i32
    }
    %scan3A_3 = arith.constant 32 : i32
    %mul3A = arith.constant 640 : i32
    %mul3A_4 = arith.muli %arg1, %mul3A : i32
    %scan3A_5 = arith.constant 0 : i32
    %scan3A_6 = arith.constant 20 : i32
    %scan3A_7 = arith.addi %scan3A_5, %scan3A_6 : i32
    %scan3A_8 = arith.constant 1 : i32
    scf.for %scan3A_16 = %scan3A_5 to %scan3A_7 step %scan3A_8  : i32 {
      %mul3A_17 = arith.constant 1 : i32
      %mul3A_18 = arith.muli %scan3A_16, %mul3A_17 : i32
      %add3A = arith.constant 0 : i32
      %add3A_19 = arith.addi %add3A, %mul3A_18 : i32
      %mul3A_20 = arith.constant 32 : i32
      %mul3A_21 = arith.muli %add3A_19, %mul3A_20 : i32
      %add3A_22 = arith.addi %mul3A_4, %mul3A_21 : i32
      "tpu.region"() ({
        %run_scoped3A = tpu.sem_alloc : memref<!tpu.dma_semaphore, #tpu.memory_space<semaphore_mem>>
        %dma_start3A = arith.constant 0 : i32
        %dma_start3A_23 = tpu.memref_slice %arg10[%add3A_22, %dma_start3A] : memref<10240x128xf32, #tpu.memory_space<vmem_shared>> -> memref<32x128xf32, #tpu.memory_space<vmem_shared>>
        %dma_start3A_24 = arith.constant 0 : i32
        %dma_start3A_25 = tpu.memref_slice %arg10[%add3A_22, %dma_start3A_24] : memref<10240x128xf32, #tpu.memory_space<vmem_shared>> -> memref<32x128xf32, #tpu.memory_space<vmem_shared>>
        tpu.enqueue_dma source(%arg5 : memref<32x128xf32, #tpu.memory_space<vmem>>) target(%dma_start3A_25 : memref<32x128xf32, #tpu.memory_space<vmem_shared>>) target_semaphore(%run_scoped3A : memref<!tpu.dma_semaphore, #tpu.memory_space<semaphore_mem>>)
        %dma_wait3A = arith.constant 0 : i32
        %dma_wait3A_26 = tpu.memref_slice %arg10[%add3A_22, %dma_wait3A] : memref<10240x128xf32, #tpu.memory_space<vmem_shared>> -> memref<32x128xf32, #tpu.memory_space<vmem_shared>>
        %dma_wait3A_27 = arith.constant 0 : i32
        %dma_wait3A_28 = tpu.memref_slice %arg10[%add3A_22, %dma_wait3A_27] : memref<10240x128xf32, #tpu.memory_space<vmem_shared>> -> memref<32x128xf32, #tpu.memory_space<vmem_shared>>
        tpu.wait_dma2 semaphore(%run_scoped3A : memref<!tpu.dma_semaphore, #tpu.memory_space<semaphore_mem>>) src(%arg5 : memref<32x128xf32, #tpu.memory_space<vmem>>) dst(%dma_wait3A_28 : memref<32x128xf32, #tpu.memory_space<vmem_shared>>)
        tpu.yield
      }) : () -> ()
    }
    %scan3A_9 = arith.constant 20 : i32
    %barrier3A = arith.constant 0 : index
    tpu.barrier barrier_id(%barrier3A)
    "tpu.region"() ({
      %run_scoped3A = tpu.sem_alloc : memref<!tpu.dma_semaphore, #tpu.memory_space<semaphore_mem>>
      %dma_start3A = arith.constant 0 : i32
      %dma_start3A_16 = arith.constant 0 : i32
      %dma_start3A_17 = arith.constant 0 : i32
      %dma_start3A_18 = tpu.memref_slice %arg3[%arg0, %arg1, %dma_start3A, %dma_start3A_16, %dma_start3A_17] : memref<2x16x80x2x128xi32, #tpu.memory_space<hbm>> -> memref<1x1x2x2x128xi32, #tpu.memory_space<hbm>>
      %dma_start3A_19 = tpu.memref_squeeze %dma_start3A_18 : memref<1x1x2x2x128xi32, #tpu.memory_space<hbm>> -> memref<2x2x128xi32, #tpu.memory_space<hbm>>
      %dma_start3A_20 = arith.constant 0 : i32
      %dma_start3A_21 = arith.constant 0 : i32
      %dma_start3A_22 = arith.constant 0 : i32
      %dma_start3A_23 = tpu.memref_slice %arg3[%arg0, %arg1, %dma_start3A_20, %dma_start3A_21, %dma_start3A_22] : memref<2x16x80x2x128xi32, #tpu.memory_space<hbm>> -> memref<1x1x2x2x128xi32, #tpu.memory_space<hbm>>
      %dma_start3A_24 = tpu.memref_squeeze %dma_start3A_23 : memref<1x1x2x2x128xi32, #tpu.memory_space<hbm>> -> memref<2x2x128xi32, #tpu.memory_space<hbm>>
      tpu.enqueue_dma source(%dma_start3A_24 : memref<2x2x128xi32, #tpu.memory_space<hbm>>) target(%arg6 : memref<2x2x128xi32, #tpu.memory_space<vmem>>) target_semaphore(%run_scoped3A : memref<!tpu.dma_semaphore, #tpu.memory_space<semaphore_mem>>)
      %dma_wait3A = arith.constant 0 : i32
      %dma_wait3A_25 = arith.constant 0 : i32
      %dma_wait3A_26 = arith.constant 0 : i32
      %dma_wait3A_27 = tpu.memref_slice %arg3[%arg0, %arg1, %dma_wait3A, %dma_wait3A_25, %dma_wait3A_26] : memref<2x16x80x2x128xi32, #tpu.memory_space<hbm>> -> memref<1x1x2x2x128xi32, #tpu.memory_space<hbm>>
      %dma_wait3A_28 = tpu.memref_squeeze %dma_wait3A_27 : memref<1x1x2x2x128xi32, #tpu.memory_space<hbm>> -> memref<2x2x128xi32, #tpu.memory_space<hbm>>
      %dma_wait3A_29 = arith.constant 0 : i32
      %dma_wait3A_30 = arith.constant 0 : i32
      %dma_wait3A_31 = arith.constant 0 : i32
      %dma_wait3A_32 = tpu.memref_slice %arg3[%arg0, %arg1, %dma_wait3A_29, %dma_wait3A_30, %dma_wait3A_31] : memref<2x16x80x2x128xi32, #tpu.memory_space<hbm>> -> memref<1x1x2x2x128xi32, #tpu.memory_space<hbm>>
      %dma_wait3A_33 = tpu.memref_squeeze %dma_wait3A_32 : memref<1x1x2x2x128xi32, #tpu.memory_space<hbm>> -> memref<2x2x128xi32, #tpu.memory_space<hbm>>
      tpu.wait_dma2 semaphore(%run_scoped3A : memref<!tpu.dma_semaphore, #tpu.memory_space<semaphore_mem>>) src(%dma_wait3A_33 : memref<2x2x128xi32, #tpu.memory_space<hbm>>) dst(%arg6 : memref<2x2x128xi32, #tpu.memory_space<vmem>>)
      tpu.yield
    }) : () -> ()
    %scan3A_10 = arith.constant 0 : i32
    %scan3A_11 = arith.constant 20 : i32
    %scan3A_12 = arith.addi %scan3A_10, %scan3A_11 : i32
    %scan3A_13 = arith.constant 1 : i32
    scf.for %scan3A_16 = %scan3A_10 to %scan3A_12 step %scan3A_13  : i32 {
      %mul3A_17 = arith.constant 1 : i32
      %mul3A_18 = arith.muli %scan3A_16, %mul3A_17 : i32
      %add3A = arith.constant 0 : i32
      %add3A_19 = arith.addi %add3A, %mul3A_18 : i32
      %mul3A_20 = arith.constant 2 : i32
      %mul3A_21 = arith.muli %add3A_19, %mul3A_20 : i32
      %add3A_22 = arith.constant 1 : i32
      %add3A_23 = arith.addi %mul3A_21, %add3A_22 : i32
      %mul3A_24 = arith.constant 2 : i32
      %mul3A_25 = arith.muli %add3A_23, %mul3A_24 : i32
      %dma_start3A = arith.constant 0 : i32
      %dma_start3A_26 = arith.constant 0 : i32
      %dma_start3A_27 = tpu.memref_slice %arg3[%arg0, %arg1, %mul3A_25, %dma_start3A, %dma_start3A_26] : memref<2x16x80x2x128xi32, #tpu.memory_space<hbm>> -> memref<1x1x2x2x128xi32, #tpu.memory_space<hbm>>
      %dma_start3A_28 = tpu.memref_squeeze %dma_start3A_27 : memref<1x1x2x2x128xi32, #tpu.memory_space<hbm>> -> memref<2x2x128xi32, #tpu.memory_space<hbm>>
      %dma_start3A_29 = arith.constant 0 : i32
      %dma_start3A_30 = arith.constant 0 : i32
      %dma_start3A_31 = tpu.memref_slice %arg3[%arg0, %arg1, %mul3A_25, %dma_start3A_29, %dma_start3A_30] : memref<2x16x80x2x128xi32, #tpu.memory_space<hbm>> -> memref<1x1x2x2x128xi32, #tpu.memory_space<hbm>>
      %dma_start3A_32 = tpu.memref_squeeze %dma_start3A_31 : memref<1x1x2x2x128xi32, #tpu.memory_space<hbm>> -> memref<2x2x128xi32, #tpu.memory_space<hbm>>
      tpu.enqueue_dma source(%dma_start3A_32 : memref<2x2x128xi32, #tpu.memory_space<hbm>>) target(%arg7 : memref<2x2x128xi32, #tpu.memory_space<vmem>>) target_semaphore(%arg11 : memref<!tpu.dma_semaphore, #tpu.memory_space<semaphore_mem>>)
      %dma_start3A_33 = arith.constant 0 : i32
      %dma_start3A_34 = arith.constant 0 : i32
      %dma_start3A_35 = arith.constant 0 : i32
      %dma_start3A_36 = tpu.memref_slice %arg6[%dma_start3A_33, %dma_start3A_34, %dma_start3A_35] : memref<2x2x128xi32, #tpu.memory_space<vmem>> -> memref<1x1x128xi32, #tpu.memory_space<vmem>>
      %dma_start3A_37 = tpu.memref_squeeze %dma_start3A_36 : memref<1x1x128xi32, #tpu.memory_space<vmem>> -> memref<128xi32, #tpu.memory_space<vmem>>
      %dma_start3A_38 = arith.constant 0 : i32
      %dma_start3A_39 = arith.constant 0 : i32
      %dma_start3A_40 = tpu.memref_slice %arg2[%dma_start3A_38, %dma_start3A_39] : memref<10008x128xf32, #tpu.memory_space<hbm>> -> memref<10008x128xf32, #tpu.memory_space<hbm>>
      tpu.enqueue_indirect_dma source(%dma_start3A_40 : memref<10008x128xf32, #tpu.memory_space<hbm>>) target(%arg8 : memref<128x128xf32, #tpu.memory_space<vmem>>) offsets(%dma_start3A_37 : memref<128xi32, #tpu.memory_space<vmem>>) semaphore(%arg12 : memref<!tpu.dma_semaphore, #tpu.memory_space<semaphore_mem>>)
      %dma_start3A_41 = arith.constant 1 : i32
      %dma_start3A_42 = arith.constant 0 : i32
      %dma_start3A_43 = arith.constant 0 : i32
      %dma_start3A_44 = tpu.memref_slice %arg6[%dma_start3A_41, %dma_start3A_42, %dma_start3A_43] : memref<2x2x128xi32, #tpu.memory_space<vmem>> -> memref<1x1x128xi32, #tpu.memory_space<vmem>>
      %dma_start3A_45 = tpu.memref_squeeze %dma_start3A_44 : memref<1x1x128xi32, #tpu.memory_space<vmem>> -> memref<128xi32, #tpu.memory_space<vmem>>
      %dma_start3A_46 = arith.constant 0 : i32
      %dma_start3A_47 = arith.constant 0 : i32
      %dma_start3A_48 = tpu.memref_slice %arg2[%dma_start3A_46, %dma_start3A_47] : memref<10008x128xf32, #tpu.memory_space<hbm>> -> memref<10008x128xf32, #tpu.memory_space<hbm>>
      tpu.enqueue_indirect_dma source(%dma_start3A_48 : memref<10008x128xf32, #tpu.memory_space<hbm>>) target(%arg9 : memref<128x128xf32, #tpu.memory_space<vmem>>) offsets(%dma_start3A_45 : memref<128xi32, #tpu.memory_space<vmem>>) semaphore(%arg13 : memref<!tpu.dma_semaphore, #tpu.memory_space<semaphore_mem>>)
      %dma_wait3A = arith.constant 0 : i32
      %dma_wait3A_49 = arith.constant 0 : i32
      %dma_wait3A_50 = arith.constant 0 : i32
      %dma_wait3A_51 = tpu.memref_slice %arg6[%dma_wait3A, %dma_wait3A_49, %dma_wait3A_50] : memref<2x2x128xi32, #tpu.memory_space<vmem>> -> memref<1x1x128xi32, #tpu.memory_space<vmem>>
      %dma_wait3A_52 = tpu.memref_squeeze %dma_wait3A_51 : memref<1x1x128xi32, #tpu.memory_space<vmem>> -> memref<128xi32, #tpu.memory_space<vmem>>
      %dma_wait3A_53 = arith.constant 0 : i32
      %dma_wait3A_54 = arith.constant 0 : i32
      %dma_wait3A_55 = tpu.memref_slice %arg2[%dma_wait3A_53, %dma_wait3A_54] : memref<10008x128xf32, #tpu.memory_space<hbm>> -> memref<10008x128xf32, #tpu.memory_space<hbm>>
      tpu.wait_indirect_dma semaphore(%arg12 : memref<!tpu.dma_semaphore, #tpu.memory_space<semaphore_mem>>) src(%dma_wait3A_55 : memref<10008x128xf32, #tpu.memory_space<hbm>>) dst(%arg8 : memref<128x128xf32, #tpu.memory_space<vmem>>)
      %run_scoped3A = arith.constant 0 : i32
      %run_scoped3A_56 = arith.constant 1 : i32
      "tpu.region"() ({
        %run_scoped3A_132 = tpu.sem_alloc : memref<!tpu.dma_semaphore, #tpu.memory_space<semaphore_mem>>
        %dma_start3A_133 = arith.constant 0 : i32
        %dma_start3A_134 = tpu.memref_slice %arg6[%run_scoped3A, %run_scoped3A_56, %dma_start3A_133] : memref<2x2x128xi32, #tpu.memory_space<vmem>> -> memref<1x1x128xi32, #tpu.memory_space<vmem>>
        %dma_start3A_135 = tpu.memref_squeeze %dma_start3A_134 : memref<1x1x128xi32, #tpu.memory_space<vmem>> -> memref<128xi32, #tpu.memory_space<vmem>>
        %dma_start3A_136 = arith.constant 0 : i32
        %dma_start3A_137 = arith.constant 0 : i32
        %dma_start3A_138 = tpu.memref_slice %arg10[%dma_start3A_136, %dma_start3A_137] : memref<10240x128xf32, #tpu.memory_space<vmem_shared>> -> memref<10240x128xf32, #tpu.memory_space<vmem_shared>>
        tpu.enqueue_indirect_dma source(%arg8 : memref<128x128xf32, #tpu.memory_space<vmem>>) target(%dma_start3A_138 : memref<10240x128xf32, #tpu.memory_space<vmem_shared>>) offsets(%dma_start3A_135 : memref<128xi32, #tpu.memory_space<vmem>>) semaphore(%run_scoped3A_132 : memref<!tpu.dma_semaphore, #tpu.memory_space<semaphore_mem>>) {add = true}
        %dma_wait3A_139 = arith.constant 0 : i32
        %dma_wait3A_140 = tpu.memref_slice %arg6[%run_scoped3A, %run_scoped3A_56, %dma_wait3A_139] : memref<2x2x128xi32, #tpu.memory_space<vmem>> -> memref<1x1x128xi32, #tpu.memory_space<vmem>>
        %dma_wait3A_141 = tpu.memref_squeeze %dma_wait3A_140 : memref<1x1x128xi32, #tpu.memory_space<vmem>> -> memref<128xi32, #tpu.memory_space<vmem>>
        %dma_wait3A_142 = arith.constant 0 : i32
        %dma_wait3A_143 = arith.constant 0 : i32
        %dma_wait3A_144 = tpu.memref_slice %arg10[%dma_wait3A_142, %dma_wait3A_143] : memref<10240x128xf32, #tpu.memory_space<vmem_shared>> -> memref<10240x128xf32, #tpu.memory_space<vmem_shared>>
        tpu.wait_indirect_dma semaphore(%run_scoped3A_132 : memref<!tpu.dma_semaphore, #tpu.memory_space<semaphore_mem>>) src(%arg8 : memref<128x128xf32, #tpu.memory_space<vmem>>) dst(%dma_wait3A_144 : memref<10240x128xf32, #tpu.memory_space<vmem_shared>>)
        tpu.yield
      }) : () -> ()
      %dma_wait3A_57 = arith.constant 1 : i32
      %dma_wait3A_58 = arith.constant 0 : i32
      %dma_wait3A_59 = arith.constant 0 : i32
      %dma_wait3A_60 = tpu.memref_slice %arg6[%dma_wait3A_57, %dma_wait3A_58, %dma_wait3A_59] : memref<2x2x128xi32, #tpu.memory_space<vmem>> -> memref<1x1x128xi32, #tpu.memory_space<vmem>>
      %dma_wait3A_61 = tpu.memref_squeeze %dma_wait3A_60 : memref<1x1x128xi32, #tpu.memory_space<vmem>> -> memref<128xi32, #tpu.memory_space<vmem>>
      %dma_wait3A_62 = arith.constant 0 : i32
      %dma_wait3A_63 = arith.constant 0 : i32
      %dma_wait3A_64 = tpu.memref_slice %arg2[%dma_wait3A_62, %dma_wait3A_63] : memref<10008x128xf32, #tpu.memory_space<hbm>> -> memref<10008x128xf32, #tpu.memory_space<hbm>>
      tpu.wait_indirect_dma semaphore(%arg13 : memref<!tpu.dma_semaphore, #tpu.memory_space<semaphore_mem>>) src(%dma_wait3A_64 : memref<10008x128xf32, #tpu.memory_space<hbm>>) dst(%arg9 : memref<128x128xf32, #tpu.memory_space<vmem>>)
      %run_scoped3A_65 = arith.constant 1 : i32
      %run_scoped3A_66 = arith.constant 1 : i32
      "tpu.region"() ({
        %run_scoped3A_132 = tpu.sem_alloc : memref<!tpu.dma_semaphore, #tpu.memory_space<semaphore_mem>>
        %dma_start3A_133 = arith.constant 0 : i32
        %dma_start3A_134 = tpu.memref_slice %arg6[%run_scoped3A_65, %run_scoped3A_66, %dma_start3A_133] : memref<2x2x128xi32, #tpu.memory_space<vmem>> -> memref<1x1x128xi32, #tpu.memory_space<vmem>>
        %dma_start3A_135 = tpu.memref_squeeze %dma_start3A_134 : memref<1x1x128xi32, #tpu.memory_space<vmem>> -> memref<128xi32, #tpu.memory_space<vmem>>
        %dma_start3A_136 = arith.constant 0 : i32
        %dma_start3A_137 = arith.constant 0 : i32
        %dma_start3A_138 = tpu.memref_slice %arg10[%dma_start3A_136, %dma_start3A_137] : memref<10240x128xf32, #tpu.memory_space<vmem_shared>> -> memref<10240x128xf32, #tpu.memory_space<vmem_shared>>
        tpu.enqueue_indirect_dma source(%arg9 : memref<128x128xf32, #tpu.memory_space<vmem>>) target(%dma_start3A_138 : memref<10240x128xf32, #tpu.memory_space<vmem_shared>>) offsets(%dma_start3A_135 : memref<128xi32, #tpu.memory_space<vmem>>) semaphore(%run_scoped3A_132 : memref<!tpu.dma_semaphore, #tpu.memory_space<semaphore_mem>>) {add = true}
        %dma_wait3A_139 = arith.constant 0 : i32
        %dma_wait3A_140 = tpu.memref_slice %arg6[%run_scoped3A_65, %run_scoped3A_66, %dma_wait3A_139] : memref<2x2x128xi32, #tpu.memory_space<vmem>> -> memref<1x1x128xi32, #tpu.memory_space<vmem>>
        %dma_wait3A_141 = tpu.memref_squeeze %dma_wait3A_140 : memref<1x1x128xi32, #tpu.memory_space<vmem>> -> memref<128xi32, #tpu.memory_space<vmem>>
        %dma_wait3A_142 = arith.constant 0 : i32
        %dma_wait3A_143 = arith.constant 0 : i32
        %dma_wait3A_144 = tpu.memref_slice %arg10[%dma_wait3A_142, %dma_wait3A_143] : memref<10240x128xf32, #tpu.memory_space<vmem_shared>> -> memref<10240x128xf32, #tpu.memory_space<vmem_shared>>
        tpu.wait_indirect_dma semaphore(%run_scoped3A_132 : memref<!tpu.dma_semaphore, #tpu.memory_space<semaphore_mem>>) src(%arg9 : memref<128x128xf32, #tpu.memory_space<vmem>>) dst(%dma_wait3A_144 : memref<10240x128xf32, #tpu.memory_space<vmem_shared>>)
        tpu.yield
      }) : () -> ()
      %dma_wait3A_67 = arith.constant 0 : i32
      %dma_wait3A_68 = arith.constant 0 : i32
      %dma_wait3A_69 = tpu.memref_slice %arg3[%arg0, %arg1, %mul3A_25, %dma_wait3A_67, %dma_wait3A_68] : memref<2x16x80x2x128xi32, #tpu.memory_space<hbm>> -> memref<1x1x2x2x128xi32, #tpu.memory_space<hbm>>
      %dma_wait3A_70 = tpu.memref_squeeze %dma_wait3A_69 : memref<1x1x2x2x128xi32, #tpu.memory_space<hbm>> -> memref<2x2x128xi32, #tpu.memory_space<hbm>>
      %dma_wait3A_71 = arith.constant 0 : i32
      %dma_wait3A_72 = arith.constant 0 : i32
      %dma_wait3A_73 = tpu.memref_slice %arg3[%arg0, %arg1, %mul3A_25, %dma_wait3A_71, %dma_wait3A_72] : memref<2x16x80x2x128xi32, #tpu.memory_space<hbm>> -> memref<1x1x2x2x128xi32, #tpu.memory_space<hbm>>
      %dma_wait3A_74 = tpu.memref_squeeze %dma_wait3A_73 : memref<1x1x2x2x128xi32, #tpu.memory_space<hbm>> -> memref<2x2x128xi32, #tpu.memory_space<hbm>>
      tpu.wait_dma2 semaphore(%arg11 : memref<!tpu.dma_semaphore, #tpu.memory_space<semaphore_mem>>) src(%dma_wait3A_74 : memref<2x2x128xi32, #tpu.memory_space<hbm>>) dst(%arg7 : memref<2x2x128xi32, #tpu.memory_space<vmem>>)
      %add3A_75 = arith.constant 2 : i32
      %add3A_76 = arith.addi %mul3A_21, %add3A_75 : i32
      %min3A = arith.constant 39 : i32
      %min3A_77 = arith.minsi %add3A_76, %min3A : i32
      %mul3A_78 = arith.constant 2 : i32
      %mul3A_79 = arith.muli %min3A_77, %mul3A_78 : i32
      %dma_start3A_80 = arith.constant 0 : i32
      %dma_start3A_81 = arith.constant 0 : i32
      %dma_start3A_82 = tpu.memref_slice %arg3[%arg0, %arg1, %mul3A_79, %dma_start3A_80, %dma_start3A_81] : memref<2x16x80x2x128xi32, #tpu.memory_space<hbm>> -> memref<1x1x2x2x128xi32, #tpu.memory_space<hbm>>
      %dma_start3A_83 = tpu.memref_squeeze %dma_start3A_82 : memref<1x1x2x2x128xi32, #tpu.memory_space<hbm>> -> memref<2x2x128xi32, #tpu.memory_space<hbm>>
      %dma_start3A_84 = arith.constant 0 : i32
      %dma_start3A_85 = arith.constant 0 : i32
      %dma_start3A_86 = tpu.memref_slice %arg3[%arg0, %arg1, %mul3A_79, %dma_start3A_84, %dma_start3A_85] : memref<2x16x80x2x128xi32, #tpu.memory_space<hbm>> -> memref<1x1x2x2x128xi32, #tpu.memory_space<hbm>>
      %dma_start3A_87 = tpu.memref_squeeze %dma_start3A_86 : memref<1x1x2x2x128xi32, #tpu.memory_space<hbm>> -> memref<2x2x128xi32, #tpu.memory_space<hbm>>
      tpu.enqueue_dma source(%dma_start3A_87 : memref<2x2x128xi32, #tpu.memory_space<hbm>>) target(%arg6 : memref<2x2x128xi32, #tpu.memory_space<vmem>>) target_semaphore(%arg11 : memref<!tpu.dma_semaphore, #tpu.memory_space<semaphore_mem>>)
      %dma_start3A_88 = arith.constant 0 : i32
      %dma_start3A_89 = arith.constant 0 : i32
      %dma_start3A_90 = arith.constant 0 : i32
      %dma_start3A_91 = tpu.memref_slice %arg7[%dma_start3A_88, %dma_start3A_89, %dma_start3A_90] : memref<2x2x128xi32, #tpu.memory_space<vmem>> -> memref<1x1x128xi32, #tpu.memory_space<vmem>>
      %dma_start3A_92 = tpu.memref_squeeze %dma_start3A_91 : memref<1x1x128xi32, #tpu.memory_space<vmem>> -> memref<128xi32, #tpu.memory_space<vmem>>
      %dma_start3A_93 = arith.constant 0 : i32
      %dma_start3A_94 = arith.constant 0 : i32
      %dma_start3A_95 = tpu.memref_slice %arg2[%dma_start3A_93, %dma_start3A_94] : memref<10008x128xf32, #tpu.memory_space<hbm>> -> memref<10008x128xf32, #tpu.memory_space<hbm>>
      tpu.enqueue_indirect_dma source(%dma_start3A_95 : memref<10008x128xf32, #tpu.memory_space<hbm>>) target(%arg8 : memref<128x128xf32, #tpu.memory_space<vmem>>) offsets(%dma_start3A_92 : memref<128xi32, #tpu.memory_space<vmem>>) semaphore(%arg12 : memref<!tpu.dma_semaphore, #tpu.memory_space<semaphore_mem>>)
      %dma_start3A_96 = arith.constant 1 : i32
      %dma_start3A_97 = arith.constant 0 : i32
      %dma_start3A_98 = arith.constant 0 : i32
      %dma_start3A_99 = tpu.memref_slice %arg7[%dma_start3A_96, %dma_start3A_97, %dma_start3A_98] : memref<2x2x128xi32, #tpu.memory_space<vmem>> -> memref<1x1x128xi32, #tpu.memory_space<vmem>>
      %dma_start3A_100 = tpu.memref_squeeze %dma_start3A_99 : memref<1x1x128xi32, #tpu.memory_space<vmem>> -> memref<128xi32, #tpu.memory_space<vmem>>
      %dma_start3A_101 = arith.constant 0 : i32
      %dma_start3A_102 = arith.constant 0 : i32
      %dma_start3A_103 = tpu.memref_slice %arg2[%dma_start3A_101, %dma_start3A_102] : memref<10008x128xf32, #tpu.memory_space<hbm>> -> memref<10008x128xf32, #tpu.memory_space<hbm>>
      tpu.enqueue_indirect_dma source(%dma_start3A_103 : memref<10008x128xf32, #tpu.memory_space<hbm>>) target(%arg9 : memref<128x128xf32, #tpu.memory_space<vmem>>) offsets(%dma_start3A_100 : memref<128xi32, #tpu.memory_space<vmem>>) semaphore(%arg13 : memref<!tpu.dma_semaphore, #tpu.memory_space<semaphore_mem>>)
      %dma_wait3A_104 = arith.constant 0 : i32
      %dma_wait3A_105 = arith.constant 0 : i32
      %dma_wait3A_106 = arith.constant 0 : i32
      %dma_wait3A_107 = tpu.memref_slice %arg7[%dma_wait3A_104, %dma_wait3A_105, %dma_wait3A_106] : memref<2x2x128xi32, #tpu.memory_space<vmem>> -> memref<1x1x128xi32, #tpu.memory_space<vmem>>
      %dma_wait3A_108 = tpu.memref_squeeze %dma_wait3A_107 : memref<1x1x128xi32, #tpu.memory_space<vmem>> -> memref<128xi32, #tpu.memory_space<vmem>>
      %dma_wait3A_109 = arith.constant 0 : i32
      %dma_wait3A_110 = arith.constant 0 : i32
      %dma_wait3A_111 = tpu.memref_slice %arg2[%dma_wait3A_109, %dma_wait3A_110] : memref<10008x128xf32, #tpu.memory_space<hbm>> -> memref<10008x128xf32, #tpu.memory_space<hbm>>
      tpu.wait_indirect_dma semaphore(%arg12 : memref<!tpu.dma_semaphore, #tpu.memory_space<semaphore_mem>>) src(%dma_wait3A_111 : memref<10008x128xf32, #tpu.memory_space<hbm>>) dst(%arg8 : memref<128x128xf32, #tpu.memory_space<vmem>>)
      %run_scoped3A_112 = arith.constant 0 : i32
      %run_scoped3A_113 = arith.constant 1 : i32
      "tpu.region"() ({
        %run_scoped3A_132 = tpu.sem_alloc : memref<!tpu.dma_semaphore, #tpu.memory_space<semaphore_mem>>
        %dma_start3A_133 = arith.constant 0 : i32
        %dma_start3A_134 = tpu.memref_slice %arg7[%run_scoped3A_112, %run_scoped3A_113, %dma_start3A_133] : memref<2x2x128xi32, #tpu.memory_space<vmem>> -> memref<1x1x128xi32, #tpu.memory_space<vmem>>
        %dma_start3A_135 = tpu.memref_squeeze %dma_start3A_134 : memref<1x1x128xi32, #tpu.memory_space<vmem>> -> memref<128xi32, #tpu.memory_space<vmem>>
        %dma_start3A_136 = arith.constant 0 : i32
        %dma_start3A_137 = arith.constant 0 : i32
        %dma_start3A_138 = tpu.memref_slice %arg10[%dma_start3A_136, %dma_start3A_137] : memref<10240x128xf32, #tpu.memory_space<vmem_shared>> -> memref<10240x128xf32, #tpu.memory_space<vmem_shared>>
        tpu.enqueue_indirect_dma source(%arg8 : memref<128x128xf32, #tpu.memory_space<vmem>>) target(%dma_start3A_138 : memref<10240x128xf32, #tpu.memory_space<vmem_shared>>) offsets(%dma_start3A_135 : memref<128xi32, #tpu.memory_space<vmem>>) semaphore(%run_scoped3A_132 : memref<!tpu.dma_semaphore, #tpu.memory_space<semaphore_mem>>) {add = true}
        %dma_wait3A_139 = arith.constant 0 : i32
        %dma_wait3A_140 = tpu.memref_slice %arg7[%run_scoped3A_112, %run_scoped3A_113, %dma_wait3A_139] : memref<2x2x128xi32, #tpu.memory_space<vmem>> -> memref<1x1x128xi32, #tpu.memory_space<vmem>>
        %dma_wait3A_141 = tpu.memref_squeeze %dma_wait3A_140 : memref<1x1x128xi32, #tpu.memory_space<vmem>> -> memref<128xi32, #tpu.memory_space<vmem>>
        %dma_wait3A_142 = arith.constant 0 : i32
        %dma_wait3A_143 = arith.constant 0 : i32
        %dma_wait3A_144 = tpu.memref_slice %arg10[%dma_wait3A_142, %dma_wait3A_143] : memref<10240x128xf32, #tpu.memory_space<vmem_shared>> -> memref<10240x128xf32, #tpu.memory_space<vmem_shared>>
        tpu.wait_indirect_dma semaphore(%run_scoped3A_132 : memref<!tpu.dma_semaphore, #tpu.memory_space<semaphore_mem>>) src(%arg8 : memref<128x128xf32, #tpu.memory_space<vmem>>) dst(%dma_wait3A_144 : memref<10240x128xf32, #tpu.memory_space<vmem_shared>>)
        tpu.yield
      }) : () -> ()
      %dma_wait3A_114 = arith.constant 1 : i32
      %dma_wait3A_115 = arith.constant 0 : i32
      %dma_wait3A_116 = arith.constant 0 : i32
      %dma_wait3A_117 = tpu.memref_slice %arg7[%dma_wait3A_114, %dma_wait3A_115, %dma_wait3A_116] : memref<2x2x128xi32, #tpu.memory_space<vmem>> -> memref<1x1x128xi32, #tpu.memory_space<vmem>>
      %dma_wait3A_118 = tpu.memref_squeeze %dma_wait3A_117 : memref<1x1x128xi32, #tpu.memory_space<vmem>> -> memref<128xi32, #tpu.memory_space<vmem>>
      %dma_wait3A_119 = arith.constant 0 : i32
      %dma_wait3A_120 = arith.constant 0 : i32
      %dma_wait3A_121 = tpu.memref_slice %arg2[%dma_wait3A_119, %dma_wait3A_120] : memref<10008x128xf32, #tpu.memory_space<hbm>> -> memref<10008x128xf32, #tpu.memory_space<hbm>>
      tpu.wait_indirect_dma semaphore(%arg13 : memref<!tpu.dma_semaphore, #tpu.memory_space<semaphore_mem>>) src(%dma_wait3A_121 : memref<10008x128xf32, #tpu.memory_space<hbm>>) dst(%arg9 : memref<128x128xf32, #tpu.memory_space<vmem>>)
      %run_scoped3A_122 = arith.constant 1 : i32
      %run_scoped3A_123 = arith.constant 1 : i32
      "tpu.region"() ({
        %run_scoped3A_132 = tpu.sem_alloc : memref<!tpu.dma_semaphore, #tpu.memory_space<semaphore_mem>>
        %dma_start3A_133 = arith.constant 0 : i32
        %dma_start3A_134 = tpu.memref_slice %arg7[%run_scoped3A_122, %run_scoped3A_123, %dma_start3A_133] : memref<2x2x128xi32, #tpu.memory_space<vmem>> -> memref<1x1x128xi32, #tpu.memory_space<vmem>>
        %dma_start3A_135 = tpu.memref_squeeze %dma_start3A_134 : memref<1x1x128xi32, #tpu.memory_space<vmem>> -> memref<128xi32, #tpu.memory_space<vmem>>
        %dma_start3A_136 = arith.constant 0 : i32
        %dma_start3A_137 = arith.constant 0 : i32
        %dma_start3A_138 = tpu.memref_slice %arg10[%dma_start3A_136, %dma_start3A_137] : memref<10240x128xf32, #tpu.memory_space<vmem_shared>> -> memref<10240x128xf32, #tpu.memory_space<vmem_shared>>
        tpu.enqueue_indirect_dma source(%arg9 : memref<128x128xf32, #tpu.memory_space<vmem>>) target(%dma_start3A_138 : memref<10240x128xf32, #tpu.memory_space<vmem_shared>>) offsets(%dma_start3A_135 : memref<128xi32, #tpu.memory_space<vmem>>) semaphore(%run_scoped3A_132 : memref<!tpu.dma_semaphore, #tpu.memory_space<semaphore_mem>>) {add = true}
        %dma_wait3A_139 = arith.constant 0 : i32
        %dma_wait3A_140 = tpu.memref_slice %arg7[%run_scoped3A_122, %run_scoped3A_123, %dma_wait3A_139] : memref<2x2x128xi32, #tpu.memory_space<vmem>> -> memref<1x1x128xi32, #tpu.memory_space<vmem>>
        %dma_wait3A_141 = tpu.memref_squeeze %dma_wait3A_140 : memref<1x1x128xi32, #tpu.memory_space<vmem>> -> memref<128xi32, #tpu.memory_space<vmem>>
        %dma_wait3A_142 = arith.constant 0 : i32
        %dma_wait3A_143 = arith.constant 0 : i32
        %dma_wait3A_144 = tpu.memref_slice %arg10[%dma_wait3A_142, %dma_wait3A_143] : memref<10240x128xf32, #tpu.memory_space<vmem_shared>> -> memref<10240x128xf32, #tpu.memory_space<vmem_shared>>
        tpu.wait_indirect_dma semaphore(%run_scoped3A_132 : memref<!tpu.dma_semaphore, #tpu.memory_space<semaphore_mem>>) src(%arg9 : memref<128x128xf32, #tpu.memory_space<vmem>>) dst(%dma_wait3A_144 : memref<10240x128xf32, #tpu.memory_space<vmem_shared>>)
        tpu.yield
      }) : () -> ()
      %dma_wait3A_124 = arith.constant 0 : i32
      %dma_wait3A_125 = arith.constant 0 : i32
      %dma_wait3A_126 = tpu.memref_slice %arg3[%arg0, %arg1, %mul3A_79, %dma_wait3A_124, %dma_wait3A_125] : memref<2x16x80x2x128xi32, #tpu.memory_space<hbm>> -> memref<1x1x2x2x128xi32, #tpu.memory_space<hbm>>
      %dma_wait3A_127 = tpu.memref_squeeze %dma_wait3A_126 : memref<1x1x2x2x128xi32, #tpu.memory_space<hbm>> -> memref<2x2x128xi32, #tpu.memory_space<hbm>>
      %dma_wait3A_128 = arith.constant 0 : i32
      %dma_wait3A_129 = arith.constant 0 : i32
      %dma_wait3A_130 = tpu.memref_slice %arg3[%arg0, %arg1, %mul3A_79, %dma_wait3A_128, %dma_wait3A_129] : memref<2x16x80x2x128xi32, #tpu.memory_space<hbm>> -> memref<1x1x2x2x128xi32, #tpu.memory_space<hbm>>
      %dma_wait3A_131 = tpu.memref_squeeze %dma_wait3A_130 : memref<1x1x2x2x128xi32, #tpu.memory_space<hbm>> -> memref<2x2x128xi32, #tpu.memory_space<hbm>>
      tpu.wait_dma2 semaphore(%arg11 : memref<!tpu.dma_semaphore, #tpu.memory_space<semaphore_mem>>) src(%dma_wait3A_131 : memref<2x2x128xi32, #tpu.memory_space<hbm>>) dst(%arg6 : memref<2x2x128xi32, #tpu.memory_space<vmem>>)
    }
    %scan3A_14 = arith.constant 20 : i32
    %barrier3A_15 = arith.constant 0 : index
    tpu.barrier barrier_id(%barrier3A_15)
    "tpu.region"() ({
      %run_scoped3A = tpu.sem_alloc : memref<!tpu.dma_semaphore, #tpu.memory_space<semaphore_mem>>
      %dma_start3A = arith.constant 0 : i32
      %dma_start3A_16 = tpu.memref_slice %arg4[%arg0, %mul3A_4, %dma_start3A] : memref<2x10240x128xf32, #tpu.memory_space<hbm>> -> memref<1x640x128xf32, #tpu.memory_space<hbm>>
      %dma_start3A_17 = tpu.memref_squeeze %dma_start3A_16 : memref<1x640x128xf32, #tpu.memory_space<hbm>> -> memref<640x128xf32, #tpu.memory_space<hbm>>
      %dma_start3A_18 = arith.constant 0 : i32
      %dma_start3A_19 = tpu.memref_slice %arg10[%mul3A_4, %dma_start3A_18] : memref<10240x128xf32, #tpu.memory_space<vmem_shared>> -> memref<640x128xf32, #tpu.memory_space<vmem_shared>>
      tpu.enqueue_dma source(%dma_start3A_19 : memref<640x128xf32, #tpu.memory_space<vmem_shared>>) target(%dma_start3A_17 : memref<640x128xf32, #tpu.memory_space<hbm>>) target_semaphore(%run_scoped3A : memref<!tpu.dma_semaphore, #tpu.memory_space<semaphore_mem>>)
      %dma_wait3A = arith.constant 0 : i32
      %dma_wait3A_20 = tpu.memref_slice %arg4[%arg0, %mul3A_4, %dma_wait3A] : memref<2x10240x128xf32, #tpu.memory_space<hbm>> -> memref<1x640x128xf32, #tpu.memory_space<hbm>>
      %dma_wait3A_21 = tpu.memref_squeeze %dma_wait3A_20 : memref<1x640x128xf32, #tpu.memory_space<hbm>> -> memref<640x128xf32, #tpu.memory_space<hbm>>
      %dma_wait3A_22 = arith.constant 0 : i32
      %dma_wait3A_23 = tpu.memref_slice %arg10[%mul3A_4, %dma_wait3A_22] : memref<10240x128xf32, #tpu.memory_space<vmem_shared>> -> memref<640x128xf32, #tpu.memory_space<vmem_shared>>
      tpu.wait_dma2 semaphore(%run_scoped3A : memref<!tpu.dma_semaphore, #tpu.memory_space<semaphore_mem>>) src(%dma_wait3A_23 : memref<640x128xf32, #tpu.memory_space<vmem_shared>>) dst(%dma_wait3A_21 : memref<640x128xf32, #tpu.memory_space<hbm>>)
      tpu.yield
    }) : () -> ()
    return
  }
}

#map = affine_map<(d0, d1) -> (0, 0, 0, 0, 0)>
#map1 = affine_map<(d0, d1) -> (0, 0, 0)>
module attributes {stable_mosaic.version = 14 : i64} {
  func.func @body(%arg0: i32, %arg1: i32, %arg2: memref<2x16x80x2x128xi32, #tpu.memory_space<hbm>>, %arg3: memref<2x10240x128xf32, #tpu.memory_space<hbm>>, %arg4: memref<32x128xf32, #tpu.memory_space<vmem>>, %arg5: memref<128x128xf32, #tpu.memory_space<vmem>>, %arg6: memref<128x128xf32, #tpu.memory_space<vmem>>, %arg7: memref<2x128xi32, #tpu.memory_space<vmem>>, %arg8: memref<2x128xi32, #tpu.memory_space<vmem>>, %arg9: memref<10240x128xf32, #tpu.memory_space<vmem_shared>>, %arg10: memref<!tpu.dma_semaphore, #tpu.memory_space<semaphore_mem>>) attributes {dimension_semantics = [#tpu.dimension_semantics<core_parallel>, #tpu.dimension_semantics<subcore_parallel>], iteration_bounds = array<i64: 2, 16>, scalar_prefetch = 0 : i64, scratch_operands = 7 : i64, tpu.core_type = #tpu.core_type<sc_vector_subcore>, window_params = [{transform_indices = #map}, {transform_indices = #map1}]} {
    %scan3A = arith.constant 0 : i32
    %scan3A_0 = arith.constant 32 : i32
    %scan3A_1 = arith.addi %scan3A, %scan3A_0 : i32
    %scan3A_2 = arith.constant 1 : i32
    scf.for %scan3A_21 = %scan3A to %scan3A_1 step %scan3A_2  : i32 {
      %mul3A_22 = arith.constant 1 : i32
      %mul3A_23 = arith.muli %scan3A_21, %mul3A_22 : i32
      %add3A = arith.constant 0 : i32
      %add3A_24 = arith.addi %add3A, %mul3A_23 : i32
      %scan3A_25 = arith.constant 0 : i32
      %scan3A_26 = arith.constant 8 : i32
      %scan3A_27 = arith.addi %scan3A_25, %scan3A_26 : i32
      %scan3A_28 = arith.constant 1 : i32
      scf.for %scan3A_30 = %scan3A_25 to %scan3A_27 step %scan3A_28  : i32 {
        %mul3A_31 = arith.constant 1 : i32
        %mul3A_32 = arith.muli %scan3A_30, %mul3A_31 : i32
        %add3A_33 = arith.constant 0 : i32
        %add3A_34 = arith.addi %add3A_33, %mul3A_32 : i32
        %broadcast_in_dim3A = arith.constant 0.000000e+00 : f32
        %broadcast_in_dim3A_35 = vector.broadcast %broadcast_in_dim3A : f32 to vector<16xf32>
        %mul3A_36 = arith.constant 16 : i32
        %mul3A_37 = arith.muli %add3A_34, %mul3A_36 : i32
        %swap3A = arith.index_cast %add3A_24 : i32 to index
        %swap3A_38 = arith.index_cast %mul3A_37 : i32 to index
        %swap3A_39 = tpu.vector_load %arg4[%swap3A, %swap3A_38] {strides = array<i32>} : memref<32x128xf32, #tpu.memory_space<vmem>>, vector<1x16xf32>,
        %swap3A_40 = vector.shape_cast %swap3A_39 : vector<1x16xf32> to vector<16xf32>
        %swap3A_41 = vector.shape_cast %broadcast_in_dim3A_35 : vector<16xf32> to vector<1x16xf32>
        tpu.vector_store %arg4[%swap3A, %swap3A_38], %swap3A_41 {strides = array<i32>} : memref<32x128xf32, #tpu.memory_space<vmem>>, vector<1x16xf32>,
      }
      %scan3A_29 = arith.constant 8 : i32
    }
    %scan3A_3 = arith.constant 32 : i32
    %scan3A_4 = arith.constant 0 : i32
    %scan3A_5 = arith.constant 128 : i32
    %scan3A_6 = arith.addi %scan3A_4, %scan3A_5 : i32
    %scan3A_7 = arith.constant 1 : i32
    scf.for %scan3A_21 = %scan3A_4 to %scan3A_6 step %scan3A_7  : i32 {
      %mul3A_22 = arith.constant 1 : i32
      %mul3A_23 = arith.muli %scan3A_21, %mul3A_22 : i32
      %add3A = arith.constant 0 : i32
      %add3A_24 = arith.addi %add3A, %mul3A_23 : i32
      %scan3A_25 = arith.constant 0 : i32
      %scan3A_26 = arith.constant 8 : i32
      %scan3A_27 = arith.addi %scan3A_25, %scan3A_26 : i32
      %scan3A_28 = arith.constant 1 : i32
      scf.for %scan3A_42 = %scan3A_25 to %scan3A_27 step %scan3A_28  : i32 {
        %mul3A_43 = arith.constant 1 : i32
        %mul3A_44 = arith.muli %scan3A_42, %mul3A_43 : i32
        %add3A_45 = arith.constant 0 : i32
        %add3A_46 = arith.addi %add3A_45, %mul3A_44 : i32
        %broadcast_in_dim3A_47 = arith.constant 0.000000e+00 : f32
        %broadcast_in_dim3A_48 = vector.broadcast %broadcast_in_dim3A_47 : f32 to vector<16xf32>
        %mul3A_49 = arith.constant 16 : i32
        %mul3A_50 = arith.muli %add3A_46, %mul3A_49 : i32
        %swap3A_51 = arith.index_cast %add3A_24 : i32 to index
        %swap3A_52 = arith.index_cast %mul3A_50 : i32 to index
        %swap3A_53 = tpu.vector_load %arg5[%swap3A_51, %swap3A_52] {strides = array<i32>} : memref<128x128xf32, #tpu.memory_space<vmem>>, vector<1x16xf32>,
        %swap3A_54 = vector.shape_cast %swap3A_53 : vector<1x16xf32> to vector<16xf32>
        %swap3A_55 = vector.shape_cast %broadcast_in_dim3A_48 : vector<16xf32> to vector<1x16xf32>
        tpu.vector_store %arg5[%swap3A_51, %swap3A_52], %swap3A_55 {strides = array<i32>} : memref<128x128xf32, #tpu.memory_space<vmem>>, vector<1x16xf32>,
        %broadcast_in_dim3A_56 = arith.constant 0.000000e+00 : f32
        %broadcast_in_dim3A_57 = vector.broadcast %broadcast_in_dim3A_56 : f32 to vector<16xf32>
        %mul3A_58 = arith.constant 16 : i32
        %mul3A_59 = arith.muli %add3A_46, %mul3A_58 : i32
        %swap3A_60 = arith.index_cast %add3A_24 : i32 to index
        %swap3A_61 = arith.index_cast %mul3A_59 : i32 to index
        %swap3A_62 = tpu.vector_load %arg6[%swap3A_60, %swap3A_61] {strides = array<i32>} : memref<128x128xf32, #tpu.memory_space<vmem>>, vector<1x16xf32>,
        %swap3A_63 = vector.shape_cast %swap3A_62 : vector<1x16xf32> to vector<16xf32>
        %swap3A_64 = vector.shape_cast %broadcast_in_dim3A_57 : vector<16xf32> to vector<1x16xf32>
        tpu.vector_store %arg6[%swap3A_60, %swap3A_61], %swap3A_64 {strides = array<i32>} : memref<128x128xf32, #tpu.memory_space<vmem>>, vector<1x16xf32>,
      }
      %scan3A_29 = arith.constant 8 : i32
      %broadcast_in_dim3A = arith.constant 1.000000e+00 : f32
      %broadcast_in_dim3A_30 = vector.broadcast %broadcast_in_dim3A : f32 to vector<16xf32>
      %swap3A = arith.index_cast %add3A_24 : i32 to index
      %swap3A_31 = arith.constant 0 : index
      %swap3A_32 = tpu.vector_load %arg5[%swap3A, %swap3A_31] {strides = array<i32>} : memref<128x128xf32, #tpu.memory_space<vmem>>, vector<1x16xf32>,
      %swap3A_33 = vector.shape_cast %swap3A_32 : vector<1x16xf32> to vector<16xf32>
      %swap3A_34 = vector.shape_cast %broadcast_in_dim3A_30 : vector<16xf32> to vector<1x16xf32>
      tpu.vector_store %arg5[%swap3A, %swap3A_31], %swap3A_34 {strides = array<i32>} : memref<128x128xf32, #tpu.memory_space<vmem>>, vector<1x16xf32>,
      %broadcast_in_dim3A_35 = arith.constant 1.000000e+00 : f32
      %broadcast_in_dim3A_36 = vector.broadcast %broadcast_in_dim3A_35 : f32 to vector<16xf32>
      %swap3A_37 = arith.index_cast %add3A_24 : i32 to index
      %swap3A_38 = arith.constant 16 : index
      %swap3A_39 = tpu.vector_load %arg6[%swap3A_37, %swap3A_38] {strides = array<i32>} : memref<128x128xf32, #tpu.memory_space<vmem>>, vector<1x16xf32>,
      %swap3A_40 = vector.shape_cast %swap3A_39 : vector<1x16xf32> to vector<16xf32>
      %swap3A_41 = vector.shape_cast %broadcast_in_dim3A_36 : vector<16xf32> to vector<1x16xf32>
      tpu.vector_store %arg6[%swap3A_37, %swap3A_38], %swap3A_41 {strides = array<i32>} : memref<128x128xf32, #tpu.memory_space<vmem>>, vector<1x16xf32>,
    }
    %scan3A_8 = arith.constant 128 : i32
    %mul3A = arith.constant 640 : i32
    %mul3A_9 = arith.muli %arg1, %mul3A : i32
    %scan3A_10 = arith.constant 0 : i32
    %scan3A_11 = arith.constant 20 : i32
    %scan3A_12 = arith.addi %scan3A_10, %scan3A_11 : i32
    %scan3A_13 = arith.constant 1 : i32
    scf.for %scan3A_21 = %scan3A_10 to %scan3A_12 step %scan3A_13  : i32 {
      %mul3A_22 = arith.constant 1 : i32
      %mul3A_23 = arith.muli %scan3A_21, %mul3A_22 : i32
      %add3A = arith.constant 0 : i32
      %add3A_24 = arith.addi %add3A, %mul3A_23 : i32
      %mul3A_25 = arith.constant 32 : i32
      %mul3A_26 = arith.muli %add3A_24, %mul3A_25 : i32
      %add3A_27 = arith.addi %mul3A_9, %mul3A_26 : i32
      "tpu.region"() ({
        %run_scoped3A_28 = tpu.sem_alloc : memref<!tpu.dma_semaphore, #tpu.memory_space<semaphore_mem>>
        %dma_start3A = arith.constant 0 : i32
        %dma_start3A_29 = tpu.memref_slice %arg9[%add3A_27, %dma_start3A] : memref<10240x128xf32, #tpu.memory_space<vmem_shared>> -> memref<32x128xf32, #tpu.memory_space<vmem_shared>>
        %dma_start3A_30 = arith.constant 0 : i32
        %dma_start3A_31 = tpu.memref_slice %arg9[%add3A_27, %dma_start3A_30] : memref<10240x128xf32, #tpu.memory_space<vmem_shared>> -> memref<32x128xf32, #tpu.memory_space<vmem_shared>>
        tpu.enqueue_dma source(%arg4 : memref<32x128xf32, #tpu.memory_space<vmem>>) target(%dma_start3A_31 : memref<32x128xf32, #tpu.memory_space<vmem_shared>>) target_semaphore(%run_scoped3A_28 : memref<!tpu.dma_semaphore, #tpu.memory_space<semaphore_mem>>)
        %dma_wait3A = arith.constant 0 : i32
        %dma_wait3A_32 = tpu.memref_slice %arg9[%add3A_27, %dma_wait3A] : memref<10240x128xf32, #tpu.memory_space<vmem_shared>> -> memref<32x128xf32, #tpu.memory_space<vmem_shared>>
        %dma_wait3A_33 = arith.constant 0 : i32
        %dma_wait3A_34 = tpu.memref_slice %arg9[%add3A_27, %dma_wait3A_33] : memref<10240x128xf32, #tpu.memory_space<vmem_shared>> -> memref<32x128xf32, #tpu.memory_space<vmem_shared>>
        tpu.wait_dma2 semaphore(%run_scoped3A_28 : memref<!tpu.dma_semaphore, #tpu.memory_space<semaphore_mem>>) src(%arg4 : memref<32x128xf32, #tpu.memory_space<vmem>>) dst(%dma_wait3A_34 : memref<32x128xf32, #tpu.memory_space<vmem_shared>>)
        tpu.yield
      }) : () -> ()
    }
    %scan3A_14 = arith.constant 20 : i32
    %barrier3A = arith.constant 0 : index
    tpu.barrier barrier_id(%barrier3A)
    %run_scoped3A = arith.constant 0 : i32
    "tpu.region"() ({
      %run_scoped3A_21 = tpu.sem_alloc : memref<!tpu.dma_semaphore, #tpu.memory_space<semaphore_mem>>
      %dma_start3A = arith.constant 0 : i32
      %dma_start3A_22 = arith.constant 0 : i32
      %dma_start3A_23 = tpu.memref_slice %arg2[%arg0, %arg1, %run_scoped3A, %dma_start3A, %dma_start3A_22] : memref<2x16x80x2x128xi32, #tpu.memory_space<hbm>> -> memref<1x1x1x2x128xi32, #tpu.memory_space<hbm>>
      %dma_start3A_24 = tpu.memref_squeeze %dma_start3A_23 : memref<1x1x1x2x128xi32, #tpu.memory_space<hbm>> -> memref<2x128xi32, #tpu.memory_space<hbm>>
      %dma_start3A_25 = arith.constant 0 : i32
      %dma_start3A_26 = arith.constant 0 : i32
      %dma_start3A_27 = tpu.memref_slice %arg2[%arg0, %arg1, %run_scoped3A, %dma_start3A_25, %dma_start3A_26] : memref<2x16x80x2x128xi32, #tpu.memory_space<hbm>> -> memref<1x1x1x2x128xi32, #tpu.memory_space<hbm>>
      %dma_start3A_28 = tpu.memref_squeeze %dma_start3A_27 : memref<1x1x1x2x128xi32, #tpu.memory_space<hbm>> -> memref<2x128xi32, #tpu.memory_space<hbm>>
      tpu.enqueue_dma source(%dma_start3A_28 : memref<2x128xi32, #tpu.memory_space<hbm>>) target(%arg7 : memref<2x128xi32, #tpu.memory_space<vmem>>) target_semaphore(%run_scoped3A_21 : memref<!tpu.dma_semaphore, #tpu.memory_space<semaphore_mem>>)
      %dma_wait3A = arith.constant 0 : i32
      %dma_wait3A_29 = arith.constant 0 : i32
      %dma_wait3A_30 = tpu.memref_slice %arg2[%arg0, %arg1, %run_scoped3A, %dma_wait3A, %dma_wait3A_29] : memref<2x16x80x2x128xi32, #tpu.memory_space<hbm>> -> memref<1x1x1x2x128xi32, #tpu.memory_space<hbm>>
      %dma_wait3A_31 = tpu.memref_squeeze %dma_wait3A_30 : memref<1x1x1x2x128xi32, #tpu.memory_space<hbm>> -> memref<2x128xi32, #tpu.memory_space<hbm>>
      %dma_wait3A_32 = arith.constant 0 : i32
      %dma_wait3A_33 = arith.constant 0 : i32
      %dma_wait3A_34 = tpu.memref_slice %arg2[%arg0, %arg1, %run_scoped3A, %dma_wait3A_32, %dma_wait3A_33] : memref<2x16x80x2x128xi32, #tpu.memory_space<hbm>> -> memref<1x1x1x2x128xi32, #tpu.memory_space<hbm>>
      %dma_wait3A_35 = tpu.memref_squeeze %dma_wait3A_34 : memref<1x1x1x2x128xi32, #tpu.memory_space<hbm>> -> memref<2x128xi32, #tpu.memory_space<hbm>>
      tpu.wait_dma2 semaphore(%run_scoped3A_21 : memref<!tpu.dma_semaphore, #tpu.memory_space<semaphore_mem>>) src(%dma_wait3A_35 : memref<2x128xi32, #tpu.memory_space<hbm>>) dst(%arg7 : memref<2x128xi32, #tpu.memory_space<vmem>>)
      tpu.yield
    }) : () -> ()
    %scan3A_15 = arith.constant 0 : i32
    %scan3A_16 = arith.constant 40 : i32
    %scan3A_17 = arith.addi %scan3A_15, %scan3A_16 : i32
    %scan3A_18 = arith.constant 1 : i32
    scf.for %scan3A_21 = %scan3A_15 to %scan3A_17 step %scan3A_18  : i32 {
      %mul3A_22 = arith.constant 1 : i32
      %mul3A_23 = arith.muli %scan3A_21, %mul3A_22 : i32
      %add3A = arith.constant 0 : i32
      %add3A_24 = arith.addi %add3A, %mul3A_23 : i32
      %mul3A_25 = arith.constant 2 : i32
      %mul3A_26 = arith.muli %add3A_24, %mul3A_25 : i32
      %add3A_27 = arith.constant 1 : i32
      %add3A_28 = arith.addi %mul3A_26, %add3A_27 : i32
      %dma_start3A = arith.constant 0 : i32
      %dma_start3A_29 = arith.constant 0 : i32
      %dma_start3A_30 = tpu.memref_slice %arg2[%arg0, %arg1, %add3A_28, %dma_start3A, %dma_start3A_29] : memref<2x16x80x2x128xi32, #tpu.memory_space<hbm>> -> memref<1x1x1x2x128xi32, #tpu.memory_space<hbm>>
      %dma_start3A_31 = tpu.memref_squeeze %dma_start3A_30 : memref<1x1x1x2x128xi32, #tpu.memory_space<hbm>> -> memref<2x128xi32, #tpu.memory_space<hbm>>
      %dma_start3A_32 = arith.constant 0 : i32
      %dma_start3A_33 = arith.constant 0 : i32
      %dma_start3A_34 = tpu.memref_slice %arg2[%arg0, %arg1, %add3A_28, %dma_start3A_32, %dma_start3A_33] : memref<2x16x80x2x128xi32, #tpu.memory_space<hbm>> -> memref<1x1x1x2x128xi32, #tpu.memory_space<hbm>>
      %dma_start3A_35 = tpu.memref_squeeze %dma_start3A_34 : memref<1x1x1x2x128xi32, #tpu.memory_space<hbm>> -> memref<2x128xi32, #tpu.memory_space<hbm>>
      tpu.enqueue_dma source(%dma_start3A_35 : memref<2x128xi32, #tpu.memory_space<hbm>>) target(%arg8 : memref<2x128xi32, #tpu.memory_space<vmem>>) target_semaphore(%arg10 : memref<!tpu.dma_semaphore, #tpu.memory_space<semaphore_mem>>)
      %run_scoped3A_36 = arith.constant 0 : i32
      "tpu.region"() ({
        %run_scoped3A_66 = tpu.sem_alloc : memref<!tpu.dma_semaphore, #tpu.memory_space<semaphore_mem>>
        %dma_start3A_67 = arith.constant 0 : i32
        %dma_start3A_68 = tpu.memref_slice %arg7[%run_scoped3A_36, %dma_start3A_67] : memref<2x128xi32, #tpu.memory_space<vmem>> -> memref<1x128xi32, #tpu.memory_space<vmem>>
        %dma_start3A_69 = tpu.memref_squeeze %dma_start3A_68 : memref<1x128xi32, #tpu.memory_space<vmem>> -> memref<128xi32, #tpu.memory_space<vmem>>
        %dma_start3A_70 = arith.constant 0 : i32
        %dma_start3A_71 = arith.constant 0 : i32
        %dma_start3A_72 = tpu.memref_slice %arg9[%dma_start3A_70, %dma_start3A_71] : memref<10240x128xf32, #tpu.memory_space<vmem_shared>> -> memref<10240x128xf32, #tpu.memory_space<vmem_shared>>
        tpu.enqueue_indirect_dma source(%arg5 : memref<128x128xf32, #tpu.memory_space<vmem>>) target(%dma_start3A_72 : memref<10240x128xf32, #tpu.memory_space<vmem_shared>>) offsets(%dma_start3A_69 : memref<128xi32, #tpu.memory_space<vmem>>) semaphore(%run_scoped3A_66 : memref<!tpu.dma_semaphore, #tpu.memory_space<semaphore_mem>>) {add = true}
        %dma_wait3A_73 = arith.constant 0 : i32
        %dma_wait3A_74 = tpu.memref_slice %arg7[%run_scoped3A_36, %dma_wait3A_73] : memref<2x128xi32, #tpu.memory_space<vmem>> -> memref<1x128xi32, #tpu.memory_space<vmem>>
        %dma_wait3A_75 = tpu.memref_squeeze %dma_wait3A_74 : memref<1x128xi32, #tpu.memory_space<vmem>> -> memref<128xi32, #tpu.memory_space<vmem>>
        %dma_wait3A_76 = arith.constant 0 : i32
        %dma_wait3A_77 = arith.constant 0 : i32
        %dma_wait3A_78 = tpu.memref_slice %arg9[%dma_wait3A_76, %dma_wait3A_77] : memref<10240x128xf32, #tpu.memory_space<vmem_shared>> -> memref<10240x128xf32, #tpu.memory_space<vmem_shared>>
        tpu.wait_indirect_dma semaphore(%run_scoped3A_66 : memref<!tpu.dma_semaphore, #tpu.memory_space<semaphore_mem>>) src(%arg5 : memref<128x128xf32, #tpu.memory_space<vmem>>) dst(%dma_wait3A_78 : memref<10240x128xf32, #tpu.memory_space<vmem_shared>>)
        tpu.yield
      }) : () -> ()
      %run_scoped3A_37 = arith.constant 1 : i32
      "tpu.region"() ({
        %run_scoped3A_66 = tpu.sem_alloc : memref<!tpu.dma_semaphore, #tpu.memory_space<semaphore_mem>>
        %dma_start3A_67 = arith.constant 0 : i32
        %dma_start3A_68 = tpu.memref_slice %arg7[%run_scoped3A_37, %dma_start3A_67] : memref<2x128xi32, #tpu.memory_space<vmem>> -> memref<1x128xi32, #tpu.memory_space<vmem>>
        %dma_start3A_69 = tpu.memref_squeeze %dma_start3A_68 : memref<1x128xi32, #tpu.memory_space<vmem>> -> memref<128xi32, #tpu.memory_space<vmem>>
        %dma_start3A_70 = arith.constant 0 : i32
        %dma_start3A_71 = arith.constant 0 : i32
        %dma_start3A_72 = tpu.memref_slice %arg9[%dma_start3A_70, %dma_start3A_71] : memref<10240x128xf32, #tpu.memory_space<vmem_shared>> -> memref<10240x128xf32, #tpu.memory_space<vmem_shared>>
        tpu.enqueue_indirect_dma source(%arg6 : memref<128x128xf32, #tpu.memory_space<vmem>>) target(%dma_start3A_72 : memref<10240x128xf32, #tpu.memory_space<vmem_shared>>) offsets(%dma_start3A_69 : memref<128xi32, #tpu.memory_space<vmem>>) semaphore(%run_scoped3A_66 : memref<!tpu.dma_semaphore, #tpu.memory_space<semaphore_mem>>) {add = true}
        %dma_wait3A_73 = arith.constant 0 : i32
        %dma_wait3A_74 = tpu.memref_slice %arg7[%run_scoped3A_37, %dma_wait3A_73] : memref<2x128xi32, #tpu.memory_space<vmem>> -> memref<1x128xi32, #tpu.memory_space<vmem>>
        %dma_wait3A_75 = tpu.memref_squeeze %dma_wait3A_74 : memref<1x128xi32, #tpu.memory_space<vmem>> -> memref<128xi32, #tpu.memory_space<vmem>>
        %dma_wait3A_76 = arith.constant 0 : i32
        %dma_wait3A_77 = arith.constant 0 : i32
        %dma_wait3A_78 = tpu.memref_slice %arg9[%dma_wait3A_76, %dma_wait3A_77] : memref<10240x128xf32, #tpu.memory_space<vmem_shared>> -> memref<10240x128xf32, #tpu.memory_space<vmem_shared>>
        tpu.wait_indirect_dma semaphore(%run_scoped3A_66 : memref<!tpu.dma_semaphore, #tpu.memory_space<semaphore_mem>>) src(%arg6 : memref<128x128xf32, #tpu.memory_space<vmem>>) dst(%dma_wait3A_78 : memref<10240x128xf32, #tpu.memory_space<vmem_shared>>)
        tpu.yield
      }) : () -> ()
      %dma_wait3A = arith.constant 0 : i32
      %dma_wait3A_38 = arith.constant 0 : i32
      %dma_wait3A_39 = tpu.memref_slice %arg2[%arg0, %arg1, %add3A_28, %dma_wait3A, %dma_wait3A_38] : memref<2x16x80x2x128xi32, #tpu.memory_space<hbm>> -> memref<1x1x1x2x128xi32, #tpu.memory_space<hbm>>
      %dma_wait3A_40 = tpu.memref_squeeze %dma_wait3A_39 : memref<1x1x1x2x128xi32, #tpu.memory_space<hbm>> -> memref<2x128xi32, #tpu.memory_space<hbm>>
      %dma_wait3A_41 = arith.constant 0 : i32
      %dma_wait3A_42 = arith.constant 0 : i32
      %dma_wait3A_43 = tpu.memref_slice %arg2[%arg0, %arg1, %add3A_28, %dma_wait3A_41, %dma_wait3A_42] : memref<2x16x80x2x128xi32, #tpu.memory_space<hbm>> -> memref<1x1x1x2x128xi32, #tpu.memory_space<hbm>>
      %dma_wait3A_44 = tpu.memref_squeeze %dma_wait3A_43 : memref<1x1x1x2x128xi32, #tpu.memory_space<hbm>> -> memref<2x128xi32, #tpu.memory_space<hbm>>
      tpu.wait_dma2 semaphore(%arg10 : memref<!tpu.dma_semaphore, #tpu.memory_space<semaphore_mem>>) src(%dma_wait3A_44 : memref<2x128xi32, #tpu.memory_space<hbm>>) dst(%arg8 : memref<2x128xi32, #tpu.memory_space<vmem>>)
      %add3A_45 = arith.constant 2 : i32
      %add3A_46 = arith.addi %mul3A_26, %add3A_45 : i32
      %min3A = arith.constant 79 : i32
      %min3A_47 = arith.minsi %add3A_46, %min3A : i32
      %dma_start3A_48 = arith.constant 0 : i32
      %dma_start3A_49 = arith.constant 0 : i32
      %dma_start3A_50 = tpu.memref_slice %arg2[%arg0, %arg1, %min3A_47, %dma_start3A_48, %dma_start3A_49] : memref<2x16x80x2x128xi32, #tpu.memory_space<hbm>> -> memref<1x1x1x2x128xi32, #tpu.memory_space<hbm>>
      %dma_start3A_51 = tpu.memref_squeeze %dma_start3A_50 : memref<1x1x1x2x128xi32, #tpu.memory_space<hbm>> -> memref<2x128xi32, #tpu.memory_space<hbm>>
      %dma_start3A_52 = arith.constant 0 : i32
      %dma_start3A_53 = arith.constant 0 : i32
      %dma_start3A_54 = tpu.memref_slice %arg2[%arg0, %arg1, %min3A_47, %dma_start3A_52, %dma_start3A_53] : memref<2x16x80x2x128xi32, #tpu.memory_space<hbm>> -> memref<1x1x1x2x128xi32, #tpu.memory_space<hbm>>
      %dma_start3A_55 = tpu.memref_squeeze %dma_start3A_54 : memref<1x1x1x2x128xi32, #tpu.memory_space<hbm>> -> memref<2x128xi32, #tpu.memory_space<hbm>>
      tpu.enqueue_dma source(%dma_start3A_55 : memref<2x128xi32, #tpu.memory_space<hbm>>) target(%arg7 : memref<2x128xi32, #tpu.memory_space<vmem>>) target_semaphore(%arg10 : memref<!tpu.dma_semaphore, #tpu.memory_space<semaphore_mem>>)
      %run_scoped3A_56 = arith.constant 0 : i32
      "tpu.region"() ({
        %run_scoped3A_66 = tpu.sem_alloc : memref<!tpu.dma_semaphore, #tpu.memory_space<semaphore_mem>>
        %dma_start3A_67 = arith.constant 0 : i32
        %dma_start3A_68 = tpu.memref_slice %arg8[%run_scoped3A_56, %dma_start3A_67] : memref<2x128xi32, #tpu.memory_space<vmem>> -> memref<1x128xi32, #tpu.memory_space<vmem>>
        %dma_start3A_69 = tpu.memref_squeeze %dma_start3A_68 : memref<1x128xi32, #tpu.memory_space<vmem>> -> memref<128xi32, #tpu.memory_space<vmem>>
        %dma_start3A_70 = arith.constant 0 : i32
        %dma_start3A_71 = arith.constant 0 : i32
        %dma_start3A_72 = tpu.memref_slice %arg9[%dma_start3A_70, %dma_start3A_71] : memref<10240x128xf32, #tpu.memory_space<vmem_shared>> -> memref<10240x128xf32, #tpu.memory_space<vmem_shared>>
        tpu.enqueue_indirect_dma source(%arg5 : memref<128x128xf32, #tpu.memory_space<vmem>>) target(%dma_start3A_72 : memref<10240x128xf32, #tpu.memory_space<vmem_shared>>) offsets(%dma_start3A_69 : memref<128xi32, #tpu.memory_space<vmem>>) semaphore(%run_scoped3A_66 : memref<!tpu.dma_semaphore, #tpu.memory_space<semaphore_mem>>) {add = true}
        %dma_wait3A_73 = arith.constant 0 : i32
        %dma_wait3A_74 = tpu.memref_slice %arg8[%run_scoped3A_56, %dma_wait3A_73] : memref<2x128xi32, #tpu.memory_space<vmem>> -> memref<1x128xi32, #tpu.memory_space<vmem>>
        %dma_wait3A_75 = tpu.memref_squeeze %dma_wait3A_74 : memref<1x128xi32, #tpu.memory_space<vmem>> -> memref<128xi32, #tpu.memory_space<vmem>>
        %dma_wait3A_76 = arith.constant 0 : i32
        %dma_wait3A_77 = arith.constant 0 : i32
        %dma_wait3A_78 = tpu.memref_slice %arg9[%dma_wait3A_76, %dma_wait3A_77] : memref<10240x128xf32, #tpu.memory_space<vmem_shared>> -> memref<10240x128xf32, #tpu.memory_space<vmem_shared>>
        tpu.wait_indirect_dma semaphore(%run_scoped3A_66 : memref<!tpu.dma_semaphore, #tpu.memory_space<semaphore_mem>>) src(%arg5 : memref<128x128xf32, #tpu.memory_space<vmem>>) dst(%dma_wait3A_78 : memref<10240x128xf32, #tpu.memory_space<vmem_shared>>)
        tpu.yield
      }) : () -> ()
      %run_scoped3A_57 = arith.constant 1 : i32
      "tpu.region"() ({
        %run_scoped3A_66 = tpu.sem_alloc : memref<!tpu.dma_semaphore, #tpu.memory_space<semaphore_mem>>
        %dma_start3A_67 = arith.constant 0 : i32
        %dma_start3A_68 = tpu.memref_slice %arg8[%run_scoped3A_57, %dma_start3A_67] : memref<2x128xi32, #tpu.memory_space<vmem>> -> memref<1x128xi32, #tpu.memory_space<vmem>>
        %dma_start3A_69 = tpu.memref_squeeze %dma_start3A_68 : memref<1x128xi32, #tpu.memory_space<vmem>> -> memref<128xi32, #tpu.memory_space<vmem>>
        %dma_start3A_70 = arith.constant 0 : i32
        %dma_start3A_71 = arith.constant 0 : i32
        %dma_start3A_72 = tpu.memref_slice %arg9[%dma_start3A_70, %dma_start3A_71] : memref<10240x128xf32, #tpu.memory_space<vmem_shared>> -> memref<10240x128xf32, #tpu.memory_space<vmem_shared>>
        tpu.enqueue_indirect_dma source(%arg6 : memref<128x128xf32, #tpu.memory_space<vmem>>) target(%dma_start3A_72 : memref<10240x128xf32, #tpu.memory_space<vmem_shared>>) offsets(%dma_start3A_69 : memref<128xi32, #tpu.memory_space<vmem>>) semaphore(%run_scoped3A_66 : memref<!tpu.dma_semaphore, #tpu.memory_space<semaphore_mem>>) {add = true}
        %dma_wait3A_73 = arith.constant 0 : i32
        %dma_wait3A_74 = tpu.memref_slice %arg8[%run_scoped3A_57, %dma_wait3A_73] : memref<2x128xi32, #tpu.memory_space<vmem>> -> memref<1x128xi32, #tpu.memory_space<vmem>>
        %dma_wait3A_75 = tpu.memref_squeeze %dma_wait3A_74 : memref<1x128xi32, #tpu.memory_space<vmem>> -> memref<128xi32, #tpu.memory_space<vmem>>
        %dma_wait3A_76 = arith.constant 0 : i32
        %dma_wait3A_77 = arith.constant 0 : i32
        %dma_wait3A_78 = tpu.memref_slice %arg9[%dma_wait3A_76, %dma_wait3A_77] : memref<10240x128xf32, #tpu.memory_space<vmem_shared>> -> memref<10240x128xf32, #tpu.memory_space<vmem_shared>>
        tpu.wait_indirect_dma semaphore(%run_scoped3A_66 : memref<!tpu.dma_semaphore, #tpu.memory_space<semaphore_mem>>) src(%arg6 : memref<128x128xf32, #tpu.memory_space<vmem>>) dst(%dma_wait3A_78 : memref<10240x128xf32, #tpu.memory_space<vmem_shared>>)
        tpu.yield
      }) : () -> ()
      %dma_wait3A_58 = arith.constant 0 : i32
      %dma_wait3A_59 = arith.constant 0 : i32
      %dma_wait3A_60 = tpu.memref_slice %arg2[%arg0, %arg1, %min3A_47, %dma_wait3A_58, %dma_wait3A_59] : memref<2x16x80x2x128xi32, #tpu.memory_space<hbm>> -> memref<1x1x1x2x128xi32, #tpu.memory_space<hbm>>
      %dma_wait3A_61 = tpu.memref_squeeze %dma_wait3A_60 : memref<1x1x1x2x128xi32, #tpu.memory_space<hbm>> -> memref<2x128xi32, #tpu.memory_space<hbm>>
      %dma_wait3A_62 = arith.constant 0 : i32
      %dma_wait3A_63 = arith.constant 0 : i32
      %dma_wait3A_64 = tpu.memref_slice %arg2[%arg0, %arg1, %min3A_47, %dma_wait3A_62, %dma_wait3A_63] : memref<2x16x80x2x128xi32, #tpu.memory_space<hbm>> -> memref<1x1x1x2x128xi32, #tpu.memory_space<hbm>>
      %dma_wait3A_65 = tpu.memref_squeeze %dma_wait3A_64 : memref<1x1x1x2x128xi32, #tpu.memory_space<hbm>> -> memref<2x128xi32, #tpu.memory_space<hbm>>
      tpu.wait_dma2 semaphore(%arg10 : memref<!tpu.dma_semaphore, #tpu.memory_space<semaphore_mem>>) src(%dma_wait3A_65 : memref<2x128xi32, #tpu.memory_space<hbm>>) dst(%arg7 : memref<2x128xi32, #tpu.memory_space<vmem>>)
    }
    %scan3A_19 = arith.constant 40 : i32
    %barrier3A_20 = arith.constant 0 : index
    tpu.barrier barrier_id(%barrier3A_20)
    "tpu.region"() ({
      %run_scoped3A_21 = tpu.sem_alloc : memref<!tpu.dma_semaphore, #tpu.memory_space<semaphore_mem>>
      %dma_start3A = arith.constant 0 : i32
      %dma_start3A_22 = tpu.memref_slice %arg3[%arg0, %mul3A_9, %dma_start3A] : memref<2x10240x128xf32, #tpu.memory_space<hbm>> -> memref<1x640x128xf32, #tpu.memory_space<hbm>>
      %dma_start3A_23 = tpu.memref_squeeze %dma_start3A_22 : memref<1x640x128xf32, #tpu.memory_space<hbm>> -> memref<640x128xf32, #tpu.memory_space<hbm>>
      %dma_start3A_24 = arith.constant 0 : i32
      %dma_start3A_25 = tpu.memref_slice %arg9[%mul3A_9, %dma_start3A_24] : memref<10240x128xf32, #tpu.memory_space<vmem_shared>> -> memref<640x128xf32, #tpu.memory_space<vmem_shared>>
      tpu.enqueue_dma source(%dma_start3A_25 : memref<640x128xf32, #tpu.memory_space<vmem_shared>>) target(%dma_start3A_23 : memref<640x128xf32, #tpu.memory_space<hbm>>) target_semaphore(%run_scoped3A_21 : memref<!tpu.dma_semaphore, #tpu.memory_space<semaphore_mem>>)
      %dma_wait3A = arith.constant 0 : i32
      %dma_wait3A_26 = tpu.memref_slice %arg3[%arg0, %mul3A_9, %dma_wait3A] : memref<2x10240x128xf32, #tpu.memory_space<hbm>> -> memref<1x640x128xf32, #tpu.memory_space<hbm>>
      %dma_wait3A_27 = tpu.memref_squeeze %dma_wait3A_26 : memref<1x640x128xf32, #tpu.memory_space<hbm>> -> memref<640x128xf32, #tpu.memory_space<hbm>>
      %dma_wait3A_28 = arith.constant 0 : i32
      %dma_wait3A_29 = tpu.memref_slice %arg9[%mul3A_9, %dma_wait3A_28] : memref<10240x128xf32, #tpu.memory_space<vmem_shared>> -> memref<640x128xf32, #tpu.memory_space<vmem_shared>>
      tpu.wait_dma2 semaphore(%run_scoped3A_21 : memref<!tpu.dma_semaphore, #tpu.memory_space<semaphore_mem>>) src(%dma_wait3A_29 : memref<640x128xf32, #tpu.memory_space<vmem_shared>>) dst(%dma_wait3A_27 : memref<640x128xf32, #tpu.memory_space<hbm>>)
      tpu.yield
    }) : () -> ()
    return
  }
}

#map = affine_map<(d0, d1) -> (0, 0)>
#map1 = affine_map<(d0, d1) -> (0, 0, 0, 0, 0)>
#map2 = affine_map<(d0, d1) -> (0, 0, 0)>
module attributes {stable_mosaic.version = 14 : i64} {
  func.func @body(%arg0: i32, %arg1: i32, %arg2: memref<10008x128xf32, #tpu.memory_space<hbm>>, %arg3: memref<2x16x80x2x128xi32, #tpu.memory_space<hbm>>, %arg4: memref<2x10240x128xf32, #tpu.memory_space<hbm>>, %arg5: memref<32x128xf32, #tpu.memory_space<vmem>>, %arg6: memref<2x2x128xi32, #tpu.memory_space<vmem>>, %arg7: memref<2x2x128xi32, #tpu.memory_space<vmem>>, %arg8: memref<128x128xf32, #tpu.memory_space<vmem>>, %arg9: memref<128x128xf32, #tpu.memory_space<vmem>>, %arg10: memref<10240x128xf32, #tpu.memory_space<vmem_shared>>, %arg11: memref<!tpu.dma_semaphore, #tpu.memory_space<semaphore_mem>>, %arg12: memref<!tpu.dma_semaphore, #tpu.memory_space<semaphore_mem>>, %arg13: memref<!tpu.dma_semaphore, #tpu.memory_space<semaphore_mem>>) attributes {dimension_semantics = [#tpu.dimension_semantics<core_parallel>, #tpu.dimension_semantics<subcore_parallel>], iteration_bounds = array<i64: 2, 16>, scalar_prefetch = 0 : i64, scratch_operands = 9 : i64, tpu.core_type = #tpu.core_type<sc_vector_subcore>, window_params = [{transform_indices = #map}, {transform_indices = #map1}, {transform_indices = #map2}]} {
    %scan3A = arith.constant 0 : i32
    %scan3A_0 = arith.constant 32 : i32
    %scan3A_1 = arith.addi %scan3A, %scan3A_0 : i32
    %scan3A_2 = arith.constant 1 : i32
    scf.for %scan3A_16 = %scan3A to %scan3A_1 step %scan3A_2  : i32 {
      %mul3A_17 = arith.constant 1 : i32
      %mul3A_18 = arith.muli %scan3A_16, %mul3A_17 : i32
      %add3A = arith.constant 0 : i32
      %add3A_19 = arith.addi %add3A, %mul3A_18 : i32
      %scan3A_20 = arith.constant 0 : i32
      %scan3A_21 = arith.constant 8 : i32
      %scan3A_22 = arith.addi %scan3A_20, %scan3A_21 : i32
      %scan3A_23 = arith.constant 1 : i32
      scf.for %scan3A_25 = %scan3A_20 to %scan3A_22 step %scan3A_23  : i32 {
        %mul3A_26 = arith.constant 1 : i32
        %mul3A_27 = arith.muli %scan3A_25, %mul3A_26 : i32
        %add3A_28 = arith.constant 0 : i32
        %add3A_29 = arith.addi %add3A_28, %mul3A_27 : i32
        %broadcast_in_dim3A = arith.constant 0.000000e+00 : f32
        %broadcast_in_dim3A_30 = vector.broadcast %broadcast_in_dim3A : f32 to vector<16xf32>
        %mul3A_31 = arith.constant 16 : i32
        %mul3A_32 = arith.muli %add3A_29, %mul3A_31 : i32
        %swap3A = arith.index_cast %add3A_19 : i32 to index
        %swap3A_33 = arith.index_cast %mul3A_32 : i32 to index
        %swap3A_34 = tpu.vector_load %arg5[%swap3A, %swap3A_33] {strides = array<i32>} : memref<32x128xf32, #tpu.memory_space<vmem>>, vector<1x16xf32>,
        %swap3A_35 = vector.shape_cast %swap3A_34 : vector<1x16xf32> to vector<16xf32>
        %swap3A_36 = vector.shape_cast %broadcast_in_dim3A_30 : vector<16xf32> to vector<1x16xf32>
        tpu.vector_store %arg5[%swap3A, %swap3A_33], %swap3A_36 {strides = array<i32>} : memref<32x128xf32, #tpu.memory_space<vmem>>, vector<1x16xf32>,
      }
      %scan3A_24 = arith.constant 8 : i32
    }
    %scan3A_3 = arith.constant 32 : i32
    %mul3A = arith.constant 640 : i32
    %mul3A_4 = arith.muli %arg1, %mul3A : i32
    %scan3A_5 = arith.constant 0 : i32
    %scan3A_6 = arith.constant 20 : i32
    %scan3A_7 = arith.addi %scan3A_5, %scan3A_6 : i32
    %scan3A_8 = arith.constant 1 : i32
    scf.for %scan3A_16 = %scan3A_5 to %scan3A_7 step %scan3A_8  : i32 {
      %mul3A_17 = arith.constant 1 : i32
      %mul3A_18 = arith.muli %scan3A_16, %mul3A_17 : i32
      %add3A = arith.constant 0 : i32
      %add3A_19 = arith.addi %add3A, %mul3A_18 : i32
      %mul3A_20 = arith.constant 32 : i32
      %mul3A_21 = arith.muli %add3A_19, %mul3A_20 : i32
      %add3A_22 = arith.addi %mul3A_4, %mul3A_21 : i32
      "tpu.region"() ({
        %run_scoped3A = tpu.sem_alloc : memref<!tpu.dma_semaphore, #tpu.memory_space<semaphore_mem>>
        %dma_start3A = arith.constant 0 : i32
        %dma_start3A_23 = tpu.memref_slice %arg10[%add3A_22, %dma_start3A] : memref<10240x128xf32, #tpu.memory_space<vmem_shared>> -> memref<32x128xf32, #tpu.memory_space<vmem_shared>>
        %dma_start3A_24 = arith.constant 0 : i32
        %dma_start3A_25 = tpu.memref_slice %arg10[%add3A_22, %dma_start3A_24] : memref<10240x128xf32, #tpu.memory_space<vmem_shared>> -> memref<32x128xf32, #tpu.memory_space<vmem_shared>>
        tpu.enqueue_dma source(%arg5 : memref<32x128xf32, #tpu.memory_space<vmem>>) target(%dma_start3A_25 : memref<32x128xf32, #tpu.memory_space<vmem_shared>>) target_semaphore(%run_scoped3A : memref<!tpu.dma_semaphore, #tpu.memory_space<semaphore_mem>>)
        %dma_wait3A = arith.constant 0 : i32
        %dma_wait3A_26 = tpu.memref_slice %arg10[%add3A_22, %dma_wait3A] : memref<10240x128xf32, #tpu.memory_space<vmem_shared>> -> memref<32x128xf32, #tpu.memory_space<vmem_shared>>
        %dma_wait3A_27 = arith.constant 0 : i32
        %dma_wait3A_28 = tpu.memref_slice %arg10[%add3A_22, %dma_wait3A_27] : memref<10240x128xf32, #tpu.memory_space<vmem_shared>> -> memref<32x128xf32, #tpu.memory_space<vmem_shared>>
        tpu.wait_dma2 semaphore(%run_scoped3A : memref<!tpu.dma_semaphore, #tpu.memory_space<semaphore_mem>>) src(%arg5 : memref<32x128xf32, #tpu.memory_space<vmem>>) dst(%dma_wait3A_28 : memref<32x128xf32, #tpu.memory_space<vmem_shared>>)
        tpu.yield
      }) : () -> ()
    }
    %scan3A_9 = arith.constant 20 : i32
    %barrier3A = arith.constant 0 : index
    tpu.barrier barrier_id(%barrier3A)
    "tpu.region"() ({
      %run_scoped3A = tpu.sem_alloc : memref<!tpu.dma_semaphore, #tpu.memory_space<semaphore_mem>>
      %dma_start3A = arith.constant 0 : i32
      %dma_start3A_16 = arith.constant 0 : i32
      %dma_start3A_17 = arith.constant 0 : i32
      %dma_start3A_18 = tpu.memref_slice %arg3[%arg0, %arg1, %dma_start3A, %dma_start3A_16, %dma_start3A_17] : memref<2x16x80x2x128xi32, #tpu.memory_space<hbm>> -> memref<1x1x2x2x128xi32, #tpu.memory_space<hbm>>
      %dma_start3A_19 = tpu.memref_squeeze %dma_start3A_18 : memref<1x1x2x2x128xi32, #tpu.memory_space<hbm>> -> memref<2x2x128xi32, #tpu.memory_space<hbm>>
      %dma_start3A_20 = arith.constant 0 : i32
      %dma_start3A_21 = arith.constant 0 : i32
      %dma_start3A_22 = arith.constant 0 : i32
      %dma_start3A_23 = tpu.memref_slice %arg3[%arg0, %arg1, %dma_start3A_20, %dma_start3A_21, %dma_start3A_22] : memref<2x16x80x2x128xi32, #tpu.memory_space<hbm>> -> memref<1x1x2x2x128xi32, #tpu.memory_space<hbm>>
      %dma_start3A_24 = tpu.memref_squeeze %dma_start3A_23 : memref<1x1x2x2x128xi32, #tpu.memory_space<hbm>> -> memref<2x2x128xi32, #tpu.memory_space<hbm>>
      tpu.enqueue_dma source(%dma_start3A_24 : memref<2x2x128xi32, #tpu.memory_space<hbm>>) target(%arg6 : memref<2x2x128xi32, #tpu.memory_space<vmem>>) target_semaphore(%run_scoped3A : memref<!tpu.dma_semaphore, #tpu.memory_space<semaphore_mem>>)
      %dma_wait3A = arith.constant 0 : i32
      %dma_wait3A_25 = arith.constant 0 : i32
      %dma_wait3A_26 = arith.constant 0 : i32
      %dma_wait3A_27 = tpu.memref_slice %arg3[%arg0, %arg1, %dma_wait3A, %dma_wait3A_25, %dma_wait3A_26] : memref<2x16x80x2x128xi32, #tpu.memory_space<hbm>> -> memref<1x1x2x2x128xi32, #tpu.memory_space<hbm>>
      %dma_wait3A_28 = tpu.memref_squeeze %dma_wait3A_27 : memref<1x1x2x2x128xi32, #tpu.memory_space<hbm>> -> memref<2x2x128xi32, #tpu.memory_space<hbm>>
      %dma_wait3A_29 = arith.constant 0 : i32
      %dma_wait3A_30 = arith.constant 0 : i32
      %dma_wait3A_31 = arith.constant 0 : i32
      %dma_wait3A_32 = tpu.memref_slice %arg3[%arg0, %arg1, %dma_wait3A_29, %dma_wait3A_30, %dma_wait3A_31] : memref<2x16x80x2x128xi32, #tpu.memory_space<hbm>> -> memref<1x1x2x2x128xi32, #tpu.memory_space<hbm>>
      %dma_wait3A_33 = tpu.memref_squeeze %dma_wait3A_32 : memref<1x1x2x2x128xi32, #tpu.memory_space<hbm>> -> memref<2x2x128xi32, #tpu.memory_space<hbm>>
      tpu.wait_dma2 semaphore(%run_scoped3A : memref<!tpu.dma_semaphore, #tpu.memory_space<semaphore_mem>>) src(%dma_wait3A_33 : memref<2x2x128xi32, #tpu.memory_space<hbm>>) dst(%arg6 : memref<2x2x128xi32, #tpu.memory_space<vmem>>)
      tpu.yield
    }) : () -> ()
    %scan3A_10 = arith.constant 0 : i32
    %scan3A_11 = arith.constant 20 : i32
    %scan3A_12 = arith.addi %scan3A_10, %scan3A_11 : i32
    %scan3A_13 = arith.constant 1 : i32
    scf.for %scan3A_16 = %scan3A_10 to %scan3A_12 step %scan3A_13  : i32 {
      %mul3A_17 = arith.constant 1 : i32
      %mul3A_18 = arith.muli %scan3A_16, %mul3A_17 : i32
      %add3A = arith.constant 0 : i32
      %add3A_19 = arith.addi %add3A, %mul3A_18 : i32
      %mul3A_20 = arith.constant 2 : i32
      %mul3A_21 = arith.muli %add3A_19, %mul3A_20 : i32
      %add3A_22 = arith.constant 1 : i32
      %add3A_23 = arith.addi %mul3A_21, %add3A_22 : i32
      %mul3A_24 = arith.constant 2 : i32
      %mul3A_25 = arith.muli %add3A_23, %mul3A_24 : i32
      %dma_start3A = arith.constant 0 : i32
      %dma_start3A_26 = arith.constant 0 : i32
      %dma_start3A_27 = tpu.memref_slice %arg3[%arg0, %arg1, %mul3A_25, %dma_start3A, %dma_start3A_26] : memref<2x16x80x2x128xi32, #tpu.memory_space<hbm>> -> memref<1x1x2x2x128xi32, #tpu.memory_space<hbm>>
      %dma_start3A_28 = tpu.memref_squeeze %dma_start3A_27 : memref<1x1x2x2x128xi32, #tpu.memory_space<hbm>> -> memref<2x2x128xi32, #tpu.memory_space<hbm>>
      %dma_start3A_29 = arith.constant 0 : i32
      %dma_start3A_30 = arith.constant 0 : i32
      %dma_start3A_31 = tpu.memref_slice %arg3[%arg0, %arg1, %mul3A_25, %dma_start3A_29, %dma_start3A_30] : memref<2x16x80x2x128xi32, #tpu.memory_space<hbm>> -> memref<1x1x2x2x128xi32, #tpu.memory_space<hbm>>
      %dma_start3A_32 = tpu.memref_squeeze %dma_start3A_31 : memref<1x1x2x2x128xi32, #tpu.memory_space<hbm>> -> memref<2x2x128xi32, #tpu.memory_space<hbm>>
      tpu.enqueue_dma source(%dma_start3A_32 : memref<2x2x128xi32, #tpu.memory_space<hbm>>) target(%arg7 : memref<2x2x128xi32, #tpu.memory_space<vmem>>) target_semaphore(%arg11 : memref<!tpu.dma_semaphore, #tpu.memory_space<semaphore_mem>>)
      %dma_start3A_33 = arith.constant 0 : i32
      %dma_start3A_34 = arith.constant 0 : i32
      %dma_start3A_35 = arith.constant 0 : i32
      %dma_start3A_36 = tpu.memref_slice %arg6[%dma_start3A_33, %dma_start3A_34, %dma_start3A_35] : memref<2x2x128xi32, #tpu.memory_space<vmem>> -> memref<1x1x128xi32, #tpu.memory_space<vmem>>
      %dma_start3A_37 = tpu.memref_squeeze %dma_start3A_36 : memref<1x1x128xi32, #tpu.memory_space<vmem>> -> memref<128xi32, #tpu.memory_space<vmem>>
      %dma_start3A_38 = arith.constant 0 : i32
      %dma_start3A_39 = arith.constant 0 : i32
      %dma_start3A_40 = tpu.memref_slice %arg2[%dma_start3A_38, %dma_start3A_39] : memref<10008x128xf32, #tpu.memory_space<hbm>> -> memref<10008x128xf32, #tpu.memory_space<hbm>>
      tpu.enqueue_indirect_dma source(%dma_start3A_40 : memref<10008x128xf32, #tpu.memory_space<hbm>>) target(%arg8 : memref<128x128xf32, #tpu.memory_space<vmem>>) offsets(%dma_start3A_37 : memref<128xi32, #tpu.memory_space<vmem>>) semaphore(%arg12 : memref<!tpu.dma_semaphore, #tpu.memory_space<semaphore_mem>>)
      %dma_start3A_41 = arith.constant 1 : i32
      %dma_start3A_42 = arith.constant 0 : i32
      %dma_start3A_43 = arith.constant 0 : i32
      %dma_start3A_44 = tpu.memref_slice %arg6[%dma_start3A_41, %dma_start3A_42, %dma_start3A_43] : memref<2x2x128xi32, #tpu.memory_space<vmem>> -> memref<1x1x128xi32, #tpu.memory_space<vmem>>
      %dma_start3A_45 = tpu.memref_squeeze %dma_start3A_44 : memref<1x1x128xi32, #tpu.memory_space<vmem>> -> memref<128xi32, #tpu.memory_space<vmem>>
      %dma_start3A_46 = arith.constant 0 : i32
      %dma_start3A_47 = arith.constant 0 : i32
      %dma_start3A_48 = tpu.memref_slice %arg2[%dma_start3A_46, %dma_start3A_47] : memref<10008x128xf32, #tpu.memory_space<hbm>> -> memref<10008x128xf32, #tpu.memory_space<hbm>>
      tpu.enqueue_indirect_dma source(%dma_start3A_48 : memref<10008x128xf32, #tpu.memory_space<hbm>>) target(%arg9 : memref<128x128xf32, #tpu.memory_space<vmem>>) offsets(%dma_start3A_45 : memref<128xi32, #tpu.memory_space<vmem>>) semaphore(%arg13 : memref<!tpu.dma_semaphore, #tpu.memory_space<semaphore_mem>>)
      %dma_wait3A = arith.constant 0 : i32
      %dma_wait3A_49 = arith.constant 0 : i32
      %dma_wait3A_50 = arith.constant 0 : i32
      %dma_wait3A_51 = tpu.memref_slice %arg6[%dma_wait3A, %dma_wait3A_49, %dma_wait3A_50] : memref<2x2x128xi32, #tpu.memory_space<vmem>> -> memref<1x1x128xi32, #tpu.memory_space<vmem>>
      %dma_wait3A_52 = tpu.memref_squeeze %dma_wait3A_51 : memref<1x1x128xi32, #tpu.memory_space<vmem>> -> memref<128xi32, #tpu.memory_space<vmem>>
      %dma_wait3A_53 = arith.constant 0 : i32
      %dma_wait3A_54 = arith.constant 0 : i32
      %dma_wait3A_55 = tpu.memref_slice %arg2[%dma_wait3A_53, %dma_wait3A_54] : memref<10008x128xf32, #tpu.memory_space<hbm>> -> memref<10008x128xf32, #tpu.memory_space<hbm>>
      tpu.wait_indirect_dma semaphore(%arg12 : memref<!tpu.dma_semaphore, #tpu.memory_space<semaphore_mem>>) src(%dma_wait3A_55 : memref<10008x128xf32, #tpu.memory_space<hbm>>) dst(%arg8 : memref<128x128xf32, #tpu.memory_space<vmem>>)
      %run_scoped3A = arith.constant 0 : i32
      %run_scoped3A_56 = arith.constant 1 : i32
      "tpu.region"() ({
        %run_scoped3A_132 = tpu.sem_alloc : memref<!tpu.dma_semaphore, #tpu.memory_space<semaphore_mem>>
        %dma_start3A_133 = arith.constant 0 : i32
        %dma_start3A_134 = tpu.memref_slice %arg6[%run_scoped3A, %run_scoped3A_56, %dma_start3A_133] : memref<2x2x128xi32, #tpu.memory_space<vmem>> -> memref<1x1x128xi32, #tpu.memory_space<vmem>>
        %dma_start3A_135 = tpu.memref_squeeze %dma_start3A_134 : memref<1x1x128xi32, #tpu.memory_space<vmem>> -> memref<128xi32, #tpu.memory_space<vmem>>
        %dma_start3A_136 = arith.constant 0 : i32
        %dma_start3A_137 = arith.constant 0 : i32
        %dma_start3A_138 = tpu.memref_slice %arg10[%dma_start3A_136, %dma_start3A_137] : memref<10240x128xf32, #tpu.memory_space<vmem_shared>> -> memref<10240x128xf32, #tpu.memory_space<vmem_shared>>
        tpu.enqueue_indirect_dma source(%arg8 : memref<128x128xf32, #tpu.memory_space<vmem>>) target(%dma_start3A_138 : memref<10240x128xf32, #tpu.memory_space<vmem_shared>>) offsets(%dma_start3A_135 : memref<128xi32, #tpu.memory_space<vmem>>) semaphore(%run_scoped3A_132 : memref<!tpu.dma_semaphore, #tpu.memory_space<semaphore_mem>>) {add = true}
        %dma_wait3A_139 = arith.constant 0 : i32
        %dma_wait3A_140 = tpu.memref_slice %arg6[%run_scoped3A, %run_scoped3A_56, %dma_wait3A_139] : memref<2x2x128xi32, #tpu.memory_space<vmem>> -> memref<1x1x128xi32, #tpu.memory_space<vmem>>
        %dma_wait3A_141 = tpu.memref_squeeze %dma_wait3A_140 : memref<1x1x128xi32, #tpu.memory_space<vmem>> -> memref<128xi32, #tpu.memory_space<vmem>>
        %dma_wait3A_142 = arith.constant 0 : i32
        %dma_wait3A_143 = arith.constant 0 : i32
        %dma_wait3A_144 = tpu.memref_slice %arg10[%dma_wait3A_142, %dma_wait3A_143] : memref<10240x128xf32, #tpu.memory_space<vmem_shared>> -> memref<10240x128xf32, #tpu.memory_space<vmem_shared>>
        tpu.wait_indirect_dma semaphore(%run_scoped3A_132 : memref<!tpu.dma_semaphore, #tpu.memory_space<semaphore_mem>>) src(%arg8 : memref<128x128xf32, #tpu.memory_space<vmem>>) dst(%dma_wait3A_144 : memref<10240x128xf32, #tpu.memory_space<vmem_shared>>)
        tpu.yield
      }) : () -> ()
      %dma_wait3A_57 = arith.constant 1 : i32
      %dma_wait3A_58 = arith.constant 0 : i32
      %dma_wait3A_59 = arith.constant 0 : i32
      %dma_wait3A_60 = tpu.memref_slice %arg6[%dma_wait3A_57, %dma_wait3A_58, %dma_wait3A_59] : memref<2x2x128xi32, #tpu.memory_space<vmem>> -> memref<1x1x128xi32, #tpu.memory_space<vmem>>
      %dma_wait3A_61 = tpu.memref_squeeze %dma_wait3A_60 : memref<1x1x128xi32, #tpu.memory_space<vmem>> -> memref<128xi32, #tpu.memory_space<vmem>>
      %dma_wait3A_62 = arith.constant 0 : i32
      %dma_wait3A_63 = arith.constant 0 : i32
      %dma_wait3A_64 = tpu.memref_slice %arg2[%dma_wait3A_62, %dma_wait3A_63] : memref<10008x128xf32, #tpu.memory_space<hbm>> -> memref<10008x128xf32, #tpu.memory_space<hbm>>
      tpu.wait_indirect_dma semaphore(%arg13 : memref<!tpu.dma_semaphore, #tpu.memory_space<semaphore_mem>>) src(%dma_wait3A_64 : memref<10008x128xf32, #tpu.memory_space<hbm>>) dst(%arg9 : memref<128x128xf32, #tpu.memory_space<vmem>>)
      %run_scoped3A_65 = arith.constant 1 : i32
      %run_scoped3A_66 = arith.constant 1 : i32
      "tpu.region"() ({
        %run_scoped3A_132 = tpu.sem_alloc : memref<!tpu.dma_semaphore, #tpu.memory_space<semaphore_mem>>
        %dma_start3A_133 = arith.constant 0 : i32
        %dma_start3A_134 = tpu.memref_slice %arg6[%run_scoped3A_65, %run_scoped3A_66, %dma_start3A_133] : memref<2x2x128xi32, #tpu.memory_space<vmem>> -> memref<1x1x128xi32, #tpu.memory_space<vmem>>
        %dma_start3A_135 = tpu.memref_squeeze %dma_start3A_134 : memref<1x1x128xi32, #tpu.memory_space<vmem>> -> memref<128xi32, #tpu.memory_space<vmem>>
        %dma_start3A_136 = arith.constant 0 : i32
        %dma_start3A_137 = arith.constant 0 : i32
        %dma_start3A_138 = tpu.memref_slice %arg10[%dma_start3A_136, %dma_start3A_137] : memref<10240x128xf32, #tpu.memory_space<vmem_shared>> -> memref<10240x128xf32, #tpu.memory_space<vmem_shared>>
        tpu.enqueue_indirect_dma source(%arg9 : memref<128x128xf32, #tpu.memory_space<vmem>>) target(%dma_start3A_138 : memref<10240x128xf32, #tpu.memory_space<vmem_shared>>) offsets(%dma_start3A_135 : memref<128xi32, #tpu.memory_space<vmem>>) semaphore(%run_scoped3A_132 : memref<!tpu.dma_semaphore, #tpu.memory_space<semaphore_mem>>) {add = true}
        %dma_wait3A_139 = arith.constant 0 : i32
        %dma_wait3A_140 = tpu.memref_slice %arg6[%run_scoped3A_65, %run_scoped3A_66, %dma_wait3A_139] : memref<2x2x128xi32, #tpu.memory_space<vmem>> -> memref<1x1x128xi32, #tpu.memory_space<vmem>>
        %dma_wait3A_141 = tpu.memref_squeeze %dma_wait3A_140 : memref<1x1x128xi32, #tpu.memory_space<vmem>> -> memref<128xi32, #tpu.memory_space<vmem>>
        %dma_wait3A_142 = arith.constant 0 : i32
        %dma_wait3A_143 = arith.constant 0 : i32
        %dma_wait3A_144 = tpu.memref_slice %arg10[%dma_wait3A_142, %dma_wait3A_143] : memref<10240x128xf32, #tpu.memory_space<vmem_shared>> -> memref<10240x128xf32, #tpu.memory_space<vmem_shared>>
        tpu.wait_indirect_dma semaphore(%run_scoped3A_132 : memref<!tpu.dma_semaphore, #tpu.memory_space<semaphore_mem>>) src(%arg9 : memref<128x128xf32, #tpu.memory_space<vmem>>) dst(%dma_wait3A_144 : memref<10240x128xf32, #tpu.memory_space<vmem_shared>>)
        tpu.yield
      }) : () -> ()
      %dma_wait3A_67 = arith.constant 0 : i32
      %dma_wait3A_68 = arith.constant 0 : i32
      %dma_wait3A_69 = tpu.memref_slice %arg3[%arg0, %arg1, %mul3A_25, %dma_wait3A_67, %dma_wait3A_68] : memref<2x16x80x2x128xi32, #tpu.memory_space<hbm>> -> memref<1x1x2x2x128xi32, #tpu.memory_space<hbm>>
      %dma_wait3A_70 = tpu.memref_squeeze %dma_wait3A_69 : memref<1x1x2x2x128xi32, #tpu.memory_space<hbm>> -> memref<2x2x128xi32, #tpu.memory_space<hbm>>
      %dma_wait3A_71 = arith.constant 0 : i32
      %dma_wait3A_72 = arith.constant 0 : i32
      %dma_wait3A_73 = tpu.memref_slice %arg3[%arg0, %arg1, %mul3A_25, %dma_wait3A_71, %dma_wait3A_72] : memref<2x16x80x2x128xi32, #tpu.memory_space<hbm>> -> memref<1x1x2x2x128xi32, #tpu.memory_space<hbm>>
      %dma_wait3A_74 = tpu.memref_squeeze %dma_wait3A_73 : memref<1x1x2x2x128xi32, #tpu.memory_space<hbm>> -> memref<2x2x128xi32, #tpu.memory_space<hbm>>
      tpu.wait_dma2 semaphore(%arg11 : memref<!tpu.dma_semaphore, #tpu.memory_space<semaphore_mem>>) src(%dma_wait3A_74 : memref<2x2x128xi32, #tpu.memory_space<hbm>>) dst(%arg7 : memref<2x2x128xi32, #tpu.memory_space<vmem>>)
      %add3A_75 = arith.constant 2 : i32
      %add3A_76 = arith.addi %mul3A_21, %add3A_75 : i32
      %min3A = arith.constant 39 : i32
      %min3A_77 = arith.minsi %add3A_76, %min3A : i32
      %mul3A_78 = arith.constant 2 : i32
      %mul3A_79 = arith.muli %min3A_77, %mul3A_78 : i32
      %dma_start3A_80 = arith.constant 0 : i32
      %dma_start3A_81 = arith.constant 0 : i32
      %dma_start3A_82 = tpu.memref_slice %arg3[%arg0, %arg1, %mul3A_79, %dma_start3A_80, %dma_start3A_81] : memref<2x16x80x2x128xi32, #tpu.memory_space<hbm>> -> memref<1x1x2x2x128xi32, #tpu.memory_space<hbm>>
      %dma_start3A_83 = tpu.memref_squeeze %dma_start3A_82 : memref<1x1x2x2x128xi32, #tpu.memory_space<hbm>> -> memref<2x2x128xi32, #tpu.memory_space<hbm>>
      %dma_start3A_84 = arith.constant 0 : i32
      %dma_start3A_85 = arith.constant 0 : i32
      %dma_start3A_86 = tpu.memref_slice %arg3[%arg0, %arg1, %mul3A_79, %dma_start3A_84, %dma_start3A_85] : memref<2x16x80x2x128xi32, #tpu.memory_space<hbm>> -> memref<1x1x2x2x128xi32, #tpu.memory_space<hbm>>
      %dma_start3A_87 = tpu.memref_squeeze %dma_start3A_86 : memref<1x1x2x2x128xi32, #tpu.memory_space<hbm>> -> memref<2x2x128xi32, #tpu.memory_space<hbm>>
      tpu.enqueue_dma source(%dma_start3A_87 : memref<2x2x128xi32, #tpu.memory_space<hbm>>) target(%arg6 : memref<2x2x128xi32, #tpu.memory_space<vmem>>) target_semaphore(%arg11 : memref<!tpu.dma_semaphore, #tpu.memory_space<semaphore_mem>>)
      %dma_start3A_88 = arith.constant 0 : i32
      %dma_start3A_89 = arith.constant 0 : i32
      %dma_start3A_90 = arith.constant 0 : i32
      %dma_start3A_91 = tpu.memref_slice %arg7[%dma_start3A_88, %dma_start3A_89, %dma_start3A_90] : memref<2x2x128xi32, #tpu.memory_space<vmem>> -> memref<1x1x128xi32, #tpu.memory_space<vmem>>
      %dma_start3A_92 = tpu.memref_squeeze %dma_start3A_91 : memref<1x1x128xi32, #tpu.memory_space<vmem>> -> memref<128xi32, #tpu.memory_space<vmem>>
      %dma_start3A_93 = arith.constant 0 : i32
      %dma_start3A_94 = arith.constant 0 : i32
      %dma_start3A_95 = tpu.memref_slice %arg2[%dma_start3A_93, %dma_start3A_94] : memref<10008x128xf32, #tpu.memory_space<hbm>> -> memref<10008x128xf32, #tpu.memory_space<hbm>>
      tpu.enqueue_indirect_dma source(%dma_start3A_95 : memref<10008x128xf32, #tpu.memory_space<hbm>>) target(%arg8 : memref<128x128xf32, #tpu.memory_space<vmem>>) offsets(%dma_start3A_92 : memref<128xi32, #tpu.memory_space<vmem>>) semaphore(%arg12 : memref<!tpu.dma_semaphore, #tpu.memory_space<semaphore_mem>>)
      %dma_start3A_96 = arith.constant 1 : i32
      %dma_start3A_97 = arith.constant 0 : i32
      %dma_start3A_98 = arith.constant 0 : i32
      %dma_start3A_99 = tpu.memref_slice %arg7[%dma_start3A_96, %dma_start3A_97, %dma_start3A_98] : memref<2x2x128xi32, #tpu.memory_space<vmem>> -> memref<1x1x128xi32, #tpu.memory_space<vmem>>
      %dma_start3A_100 = tpu.memref_squeeze %dma_start3A_99 : memref<1x1x128xi32, #tpu.memory_space<vmem>> -> memref<128xi32, #tpu.memory_space<vmem>>
      %dma_start3A_101 = arith.constant 0 : i32
      %dma_start3A_102 = arith.constant 0 : i32
      %dma_start3A_103 = tpu.memref_slice %arg2[%dma_start3A_101, %dma_start3A_102] : memref<10008x128xf32, #tpu.memory_space<hbm>> -> memref<10008x128xf32, #tpu.memory_space<hbm>>
      tpu.enqueue_indirect_dma source(%dma_start3A_103 : memref<10008x128xf32, #tpu.memory_space<hbm>>) target(%arg9 : memref<128x128xf32, #tpu.memory_space<vmem>>) offsets(%dma_start3A_100 : memref<128xi32, #tpu.memory_space<vmem>>) semaphore(%arg13 : memref<!tpu.dma_semaphore, #tpu.memory_space<semaphore_mem>>)
      %dma_wait3A_104 = arith.constant 0 : i32
      %dma_wait3A_105 = arith.constant 0 : i32
      %dma_wait3A_106 = arith.constant 0 : i32
      %dma_wait3A_107 = tpu.memref_slice %arg7[%dma_wait3A_104, %dma_wait3A_105, %dma_wait3A_106] : memref<2x2x128xi32, #tpu.memory_space<vmem>> -> memref<1x1x128xi32, #tpu.memory_space<vmem>>
      %dma_wait3A_108 = tpu.memref_squeeze %dma_wait3A_107 : memref<1x1x128xi32, #tpu.memory_space<vmem>> -> memref<128xi32, #tpu.memory_space<vmem>>
      %dma_wait3A_109 = arith.constant 0 : i32
      %dma_wait3A_110 = arith.constant 0 : i32
      %dma_wait3A_111 = tpu.memref_slice %arg2[%dma_wait3A_109, %dma_wait3A_110] : memref<10008x128xf32, #tpu.memory_space<hbm>> -> memref<10008x128xf32, #tpu.memory_space<hbm>>
      tpu.wait_indirect_dma semaphore(%arg12 : memref<!tpu.dma_semaphore, #tpu.memory_space<semaphore_mem>>) src(%dma_wait3A_111 : memref<10008x128xf32, #tpu.memory_space<hbm>>) dst(%arg8 : memref<128x128xf32, #tpu.memory_space<vmem>>)
      %run_scoped3A_112 = arith.constant 0 : i32
      %run_scoped3A_113 = arith.constant 1 : i32
      "tpu.region"() ({
        %run_scoped3A_132 = tpu.sem_alloc : memref<!tpu.dma_semaphore, #tpu.memory_space<semaphore_mem>>
        %dma_start3A_133 = arith.constant 0 : i32
        %dma_start3A_134 = tpu.memref_slice %arg7[%run_scoped3A_112, %run_scoped3A_113, %dma_start3A_133] : memref<2x2x128xi32, #tpu.memory_space<vmem>> -> memref<1x1x128xi32, #tpu.memory_space<vmem>>
        %dma_start3A_135 = tpu.memref_squeeze %dma_start3A_134 : memref<1x1x128xi32, #tpu.memory_space<vmem>> -> memref<128xi32, #tpu.memory_space<vmem>>
        %dma_start3A_136 = arith.constant 0 : i32
        %dma_start3A_137 = arith.constant 0 : i32
        %dma_start3A_138 = tpu.memref_slice %arg10[%dma_start3A_136, %dma_start3A_137] : memref<10240x128xf32, #tpu.memory_space<vmem_shared>> -> memref<10240x128xf32, #tpu.memory_space<vmem_shared>>
        tpu.enqueue_indirect_dma source(%arg8 : memref<128x128xf32, #tpu.memory_space<vmem>>) target(%dma_start3A_138 : memref<10240x128xf32, #tpu.memory_space<vmem_shared>>) offsets(%dma_start3A_135 : memref<128xi32, #tpu.memory_space<vmem>>) semaphore(%run_scoped3A_132 : memref<!tpu.dma_semaphore, #tpu.memory_space<semaphore_mem>>) {add = true}
        %dma_wait3A_139 = arith.constant 0 : i32
        %dma_wait3A_140 = tpu.memref_slice %arg7[%run_scoped3A_112, %run_scoped3A_113, %dma_wait3A_139] : memref<2x2x128xi32, #tpu.memory_space<vmem>> -> memref<1x1x128xi32, #tpu.memory_space<vmem>>
        %dma_wait3A_141 = tpu.memref_squeeze %dma_wait3A_140 : memref<1x1x128xi32, #tpu.memory_space<vmem>> -> memref<128xi32, #tpu.memory_space<vmem>>
        %dma_wait3A_142 = arith.constant 0 : i32
        %dma_wait3A_143 = arith.constant 0 : i32
        %dma_wait3A_144 = tpu.memref_slice %arg10[%dma_wait3A_142, %dma_wait3A_143] : memref<10240x128xf32, #tpu.memory_space<vmem_shared>> -> memref<10240x128xf32, #tpu.memory_space<vmem_shared>>
        tpu.wait_indirect_dma semaphore(%run_scoped3A_132 : memref<!tpu.dma_semaphore, #tpu.memory_space<semaphore_mem>>) src(%arg8 : memref<128x128xf32, #tpu.memory_space<vmem>>) dst(%dma_wait3A_144 : memref<10240x128xf32, #tpu.memory_space<vmem_shared>>)
        tpu.yield
      }) : () -> ()
      %dma_wait3A_114 = arith.constant 1 : i32
      %dma_wait3A_115 = arith.constant 0 : i32
      %dma_wait3A_116 = arith.constant 0 : i32
      %dma_wait3A_117 = tpu.memref_slice %arg7[%dma_wait3A_114, %dma_wait3A_115, %dma_wait3A_116] : memref<2x2x128xi32, #tpu.memory_space<vmem>> -> memref<1x1x128xi32, #tpu.memory_space<vmem>>
      %dma_wait3A_118 = tpu.memref_squeeze %dma_wait3A_117 : memref<1x1x128xi32, #tpu.memory_space<vmem>> -> memref<128xi32, #tpu.memory_space<vmem>>
      %dma_wait3A_119 = arith.constant 0 : i32
      %dma_wait3A_120 = arith.constant 0 : i32
      %dma_wait3A_121 = tpu.memref_slice %arg2[%dma_wait3A_119, %dma_wait3A_120] : memref<10008x128xf32, #tpu.memory_space<hbm>> -> memref<10008x128xf32, #tpu.memory_space<hbm>>
      tpu.wait_indirect_dma semaphore(%arg13 : memref<!tpu.dma_semaphore, #tpu.memory_space<semaphore_mem>>) src(%dma_wait3A_121 : memref<10008x128xf32, #tpu.memory_space<hbm>>) dst(%arg9 : memref<128x128xf32, #tpu.memory_space<vmem>>)
      %run_scoped3A_122 = arith.constant 1 : i32
      %run_scoped3A_123 = arith.constant 1 : i32
      "tpu.region"() ({
        %run_scoped3A_132 = tpu.sem_alloc : memref<!tpu.dma_semaphore, #tpu.memory_space<semaphore_mem>>
        %dma_start3A_133 = arith.constant 0 : i32
        %dma_start3A_134 = tpu.memref_slice %arg7[%run_scoped3A_122, %run_scoped3A_123, %dma_start3A_133] : memref<2x2x128xi32, #tpu.memory_space<vmem>> -> memref<1x1x128xi32, #tpu.memory_space<vmem>>
        %dma_start3A_135 = tpu.memref_squeeze %dma_start3A_134 : memref<1x1x128xi32, #tpu.memory_space<vmem>> -> memref<128xi32, #tpu.memory_space<vmem>>
        %dma_start3A_136 = arith.constant 0 : i32
        %dma_start3A_137 = arith.constant 0 : i32
        %dma_start3A_138 = tpu.memref_slice %arg10[%dma_start3A_136, %dma_start3A_137] : memref<10240x128xf32, #tpu.memory_space<vmem_shared>> -> memref<10240x128xf32, #tpu.memory_space<vmem_shared>>
        tpu.enqueue_indirect_dma source(%arg9 : memref<128x128xf32, #tpu.memory_space<vmem>>) target(%dma_start3A_138 : memref<10240x128xf32, #tpu.memory_space<vmem_shared>>) offsets(%dma_start3A_135 : memref<128xi32, #tpu.memory_space<vmem>>) semaphore(%run_scoped3A_132 : memref<!tpu.dma_semaphore, #tpu.memory_space<semaphore_mem>>) {add = true}
        %dma_wait3A_139 = arith.constant 0 : i32
        %dma_wait3A_140 = tpu.memref_slice %arg7[%run_scoped3A_122, %run_scoped3A_123, %dma_wait3A_139] : memref<2x2x128xi32, #tpu.memory_space<vmem>> -> memref<1x1x128xi32, #tpu.memory_space<vmem>>
        %dma_wait3A_141 = tpu.memref_squeeze %dma_wait3A_140 : memref<1x1x128xi32, #tpu.memory_space<vmem>> -> memref<128xi32, #tpu.memory_space<vmem>>
        %dma_wait3A_142 = arith.constant 0 : i32
        %dma_wait3A_143 = arith.constant 0 : i32
        %dma_wait3A_144 = tpu.memref_slice %arg10[%dma_wait3A_142, %dma_wait3A_143] : memref<10240x128xf32, #tpu.memory_space<vmem_shared>> -> memref<10240x128xf32, #tpu.memory_space<vmem_shared>>
        tpu.wait_indirect_dma semaphore(%run_scoped3A_132 : memref<!tpu.dma_semaphore, #tpu.memory_space<semaphore_mem>>) src(%arg9 : memref<128x128xf32, #tpu.memory_space<vmem>>) dst(%dma_wait3A_144 : memref<10240x128xf32, #tpu.memory_space<vmem_shared>>)
        tpu.yield
      }) : () -> ()
      %dma_wait3A_124 = arith.constant 0 : i32
      %dma_wait3A_125 = arith.constant 0 : i32
      %dma_wait3A_126 = tpu.memref_slice %arg3[%arg0, %arg1, %mul3A_79, %dma_wait3A_124, %dma_wait3A_125] : memref<2x16x80x2x128xi32, #tpu.memory_space<hbm>> -> memref<1x1x2x2x128xi32, #tpu.memory_space<hbm>>
      %dma_wait3A_127 = tpu.memref_squeeze %dma_wait3A_126 : memref<1x1x2x2x128xi32, #tpu.memory_space<hbm>> -> memref<2x2x128xi32, #tpu.memory_space<hbm>>
      %dma_wait3A_128 = arith.constant 0 : i32
      %dma_wait3A_129 = arith.constant 0 : i32
      %dma_wait3A_130 = tpu.memref_slice %arg3[%arg0, %arg1, %mul3A_79, %dma_wait3A_128, %dma_wait3A_129] : memref<2x16x80x2x128xi32, #tpu.memory_space<hbm>> -> memref<1x1x2x2x128xi32, #tpu.memory_space<hbm>>
      %dma_wait3A_131 = tpu.memref_squeeze %dma_wait3A_130 : memref<1x1x2x2x128xi32, #tpu.memory_space<hbm>> -> memref<2x2x128xi32, #tpu.memory_space<hbm>>
      tpu.wait_dma2 semaphore(%arg11 : memref<!tpu.dma_semaphore, #tpu.memory_space<semaphore_mem>>) src(%dma_wait3A_131 : memref<2x2x128xi32, #tpu.memory_space<hbm>>) dst(%arg6 : memref<2x2x128xi32, #tpu.memory_space<vmem>>)
    }
    %scan3A_14 = arith.constant 20 : i32
    %barrier3A_15 = arith.constant 0 : index
    tpu.barrier barrier_id(%barrier3A_15)
    "tpu.region"() ({
      %run_scoped3A = tpu.sem_alloc : memref<!tpu.dma_semaphore, #tpu.memory_space<semaphore_mem>>
      %dma_start3A = arith.constant 0 : i32
      %dma_start3A_16 = tpu.memref_slice %arg4[%arg0, %mul3A_4, %dma_start3A] : memref<2x10240x128xf32, #tpu.memory_space<hbm>> -> memref<1x640x128xf32, #tpu.memory_space<hbm>>
      %dma_start3A_17 = tpu.memref_squeeze %dma_start3A_16 : memref<1x640x128xf32, #tpu.memory_space<hbm>> -> memref<640x128xf32, #tpu.memory_space<hbm>>
      %dma_start3A_18 = arith.constant 0 : i32
      %dma_start3A_19 = tpu.memref_slice %arg10[%mul3A_4, %dma_start3A_18] : memref<10240x128xf32, #tpu.memory_space<vmem_shared>> -> memref<640x128xf32, #tpu.memory_space<vmem_shared>>
      tpu.enqueue_dma source(%dma_start3A_19 : memref<640x128xf32, #tpu.memory_space<vmem_shared>>) target(%dma_start3A_17 : memref<640x128xf32, #tpu.memory_space<hbm>>) target_semaphore(%run_scoped3A : memref<!tpu.dma_semaphore, #tpu.memory_space<semaphore_mem>>)
      %dma_wait3A = arith.constant 0 : i32
      %dma_wait3A_20 = tpu.memref_slice %arg4[%arg0, %mul3A_4, %dma_wait3A] : memref<2x10240x128xf32, #tpu.memory_space<hbm>> -> memref<1x640x128xf32, #tpu.memory_space<hbm>>
      %dma_wait3A_21 = tpu.memref_squeeze %dma_wait3A_20 : memref<1x640x128xf32, #tpu.memory_space<hbm>> -> memref<640x128xf32, #tpu.memory_space<hbm>>
      %dma_wait3A_22 = arith.constant 0 : i32
      %dma_wait3A_23 = tpu.memref_slice %arg10[%mul3A_4, %dma_wait3A_22] : memref<10240x128xf32, #tpu.memory_space<vmem_shared>> -> memref<640x128xf32, #tpu.memory_space<vmem_shared>>
      tpu.wait_dma2 semaphore(%run_scoped3A : memref<!tpu.dma_semaphore, #tpu.memory_space<semaphore_mem>>) src(%dma_wait3A_23 : memref<640x128xf32, #tpu.memory_space<vmem_shared>>) dst(%dma_wait3A_21 : memref<640x128xf32, #tpu.memory_space<hbm>>)
      tpu.yield
    }) : () -> ()
    return
  }
}

module attributes {stable_mosaic.version = 14 : i64} {
  func.func @body(%arg0: i32, %arg1: memref<2000x128xf32, #tpu.memory_space<vmem>>, %arg2: memref<2x2000x16xf32, #tpu.memory_space<vmem>>, %arg3: memref<2000x128xf32, #tpu.memory_space<vmem>>) attributes {dimension_semantics = [#tpu.dimension_semantics<arbitrary>], iteration_bounds = array<i64: 5>, scalar_prefetch = 0 : i64, scratch_operands = 0 : i64, tpu.core_type = #tpu.core_type<tc>, window_params = [{transform_indices = @transform_0, window_bounds = array<i64: 2000, 128>}, {transform_indices = @transform_1, window_bounds = array<i64: 2, 2000, 16>}, {transform_indices = @transform_2, window_bounds = array<i64: 2000, 128>}]} {
    %get3A = arith.constant 0 : index
    %get3A_0 = arith.constant 0 : index
    %get3A_1 = arith.constant 0 : index
    %get3A_2 = vector.load %arg2[%get3A, %get3A_0, %get3A_1] : memref<2x2000x16xf32, #tpu.memory_space<vmem>>, vector<1x2000x16xf32>
    %get3A_3 = vector.shape_cast %get3A_2 : vector<1x2000x16xf32> to vector<2000x16xf32>
    %get3A_4 = arith.constant 1 : index
    %get3A_5 = arith.constant 0 : index
    %get3A_6 = arith.constant 0 : index
    %get3A_7 = vector.load %arg2[%get3A_4, %get3A_5, %get3A_6] : memref<2x2000x16xf32, #tpu.memory_space<vmem>>, vector<1x2000x16xf32>
    %get3A_8 = vector.shape_cast %get3A_7 : vector<1x2000x16xf32> to vector<2000x16xf32>
    %add3A = arith.addf %get3A_3, %get3A_8 : vector<2000x16xf32>
    %max3A = arith.constant 1.000000e+00 : f32
    %max3A_9 = vector.broadcast %max3A : f32 to vector<2000x16xf32>
    %max3A_10 = arith.maximumf %add3A, %max3A_9 : vector<2000x16xf32>
    %rsqrt3A = math.rsqrt %max3A_10 : vector<2000x16xf32>
    %get3A_11 = arith.constant 0 : index
    %get3A_12 = arith.constant 0 : index
    %get3A_13 = vector.load %arg1[%get3A_11, %get3A_12] : memref<2000x128xf32, #tpu.memory_space<vmem>>, vector<2000x128xf32>
    %concatenate3A = tpu.concatenate %rsqrt3A, %rsqrt3A, %rsqrt3A, %rsqrt3A, %rsqrt3A, %rsqrt3A, %rsqrt3A, %rsqrt3A in 1 : vector<2000x16xf32>, vector<2000x16xf32>, vector<2000x16xf32>, vector<2000x16xf32>, vector<2000x16xf32>, vector<2000x16xf32>, vector<2000x16xf32>, vector<2000x16xf32> -> vector<2000x128xf32>
    %mul3A = arith.mulf %get3A_13, %concatenate3A : vector<2000x128xf32>
    %swap3A = arith.constant 0 : index
    %swap3A_14 = arith.constant 0 : index
    %swap3A_15 = vector.load %arg3[%swap3A, %swap3A_14] : memref<2000x128xf32, #tpu.memory_space<vmem>>, vector<2000x128xf32>
    tpu.vector_store %arg3[%swap3A, %swap3A_14], %mul3A {strides = array<i32>} : memref<2000x128xf32, #tpu.memory_space<vmem>>, vector<2000x128xf32>,
    return
  }
  func.func @transform_0(%arg0: i32) -> (i32, i32) {
    %c0_i32 = arith.constant 0 : i32
    %c0_i32_0 = arith.constant 0 : i32
    return %arg0, %c0_i32 : i32, i32
  }
  func.func @transform_1(%arg0: i32) -> (i32, i32, i32) {
    %c0_i32 = arith.constant 0 : i32
    %c0_i32_0 = arith.constant 0 : i32
    %c0_i32_1 = arith.constant 0 : i32
    return %c0_i32, %arg0, %c0_i32_0 : i32, i32, i32
  }
  func.func @transform_2(%arg0: i32) -> (i32, i32) {
    %c0_i32 = arith.constant 0 : i32
    %c0_i32_0 = arith.constant 0 : i32
    return %arg0, %c0_i32 : i32, i32
  }
}

module attributes {stable_mosaic.version = 14 : i64} {
  func.func @body(%arg0: i32, %arg1: memref<2x2000x128xf32, #tpu.memory_space<vmem>>, %arg2: memref<2x2000x16xf32, #tpu.memory_space<vmem>>, %arg3: memref<2x2000x16xf32, #tpu.memory_space<vmem>>, %arg4: memref<128x128xf32, #tpu.memory_space<vmem>>, %arg5: memref<1x128xf32, #tpu.memory_space<vmem>>, %arg6: memref<2000x128xf32, #tpu.memory_space<vmem>>) attributes {dimension_semantics = [#tpu.dimension_semantics<arbitrary>], iteration_bounds = array<i64: 5>, scalar_prefetch = 0 : i64, scratch_operands = 0 : i64, tpu.core_type = #tpu.core_type<tc>, window_params = [{transform_indices = @transform_0, window_bounds = array<i64: 2, 2000, 128>}, {transform_indices = @transform_1, window_bounds = array<i64: 2, 2000, 16>}, {transform_indices = @transform_2, window_bounds = array<i64: 2, 2000, 16>}, {pipeline_mode = #tpu.pipeline_mode<synchronous>, transform_indices = @transform_3, window_bounds = array<i64: 128, 128>}, {pipeline_mode = #tpu.pipeline_mode<synchronous>, transform_indices = @transform_4, window_bounds = array<i64: 1, 128>}, {transform_indices = @transform_5, window_bounds = array<i64: 2000, 128>}]} {
    %get3A = arith.constant 0 : index
    %get3A_0 = arith.constant 0 : index
    %get3A_1 = arith.constant 0 : index
    %get3A_2 = vector.load %arg1[%get3A, %get3A_0, %get3A_1] : memref<2x2000x128xf32, #tpu.memory_space<vmem>>, vector<1x2000x128xf32>
    %get3A_3 = vector.shape_cast %get3A_2 : vector<1x2000x128xf32> to vector<2000x128xf32>
    %get3A_4 = arith.constant 1 : index
    %get3A_5 = arith.constant 0 : index
    %get3A_6 = arith.constant 0 : index
    %get3A_7 = vector.load %arg1[%get3A_4, %get3A_5, %get3A_6] : memref<2x2000x128xf32, #tpu.memory_space<vmem>>, vector<1x2000x128xf32>
    %get3A_8 = vector.shape_cast %get3A_7 : vector<1x2000x128xf32> to vector<2000x128xf32>
    %add3A = arith.addf %get3A_3, %get3A_8 : vector<2000x128xf32>
    %get3A_9 = arith.constant 0 : index
    %get3A_10 = arith.constant 0 : index
    %get3A_11 = arith.constant 0 : index
    %get3A_12 = vector.load %arg3[%get3A_9, %get3A_10, %get3A_11] : memref<2x2000x16xf32, #tpu.memory_space<vmem>>, vector<1x2000x16xf32>
    %get3A_13 = vector.shape_cast %get3A_12 : vector<1x2000x16xf32> to vector<2000x16xf32>
    %get3A_14 = arith.constant 1 : index
    %get3A_15 = arith.constant 0 : index
    %get3A_16 = arith.constant 0 : index
    %get3A_17 = vector.load %arg3[%get3A_14, %get3A_15, %get3A_16] : memref<2x2000x16xf32, #tpu.memory_space<vmem>>, vector<1x2000x16xf32>
    %get3A_18 = vector.shape_cast %get3A_17 : vector<1x2000x16xf32> to vector<2000x16xf32>
    %add3A_19 = arith.addf %get3A_13, %get3A_18 : vector<2000x16xf32>
    %max3A = arith.constant 1.000000e+00 : f32
    %max3A_20 = vector.broadcast %max3A : f32 to vector<2000x16xf32>
    %max3A_21 = arith.maximumf %add3A_19, %max3A_20 : vector<2000x16xf32>
    %rsqrt3A = math.rsqrt %max3A_21 : vector<2000x16xf32>
    %get3A_22 = arith.constant 0 : index
    %get3A_23 = arith.constant 0 : index
    %get3A_24 = arith.constant 0 : index
    %get3A_25 = vector.load %arg2[%get3A_22, %get3A_23, %get3A_24] : memref<2x2000x16xf32, #tpu.memory_space<vmem>>, vector<1x2000x16xf32>
    %get3A_26 = vector.shape_cast %get3A_25 : vector<1x2000x16xf32> to vector<2000x16xf32>
    %get3A_27 = arith.constant 1 : index
    %get3A_28 = arith.constant 0 : index
    %get3A_29 = arith.constant 0 : index
    %get3A_30 = vector.load %arg2[%get3A_27, %get3A_28, %get3A_29] : memref<2x2000x16xf32, #tpu.memory_space<vmem>>, vector<1x2000x16xf32>
    %get3A_31 = vector.shape_cast %get3A_30 : vector<1x2000x16xf32> to vector<2000x16xf32>
    %add3A_32 = arith.addf %get3A_26, %get3A_31 : vector<2000x16xf32>
    %max3A_33 = arith.constant 1.000000e+00 : f32
    %max3A_34 = vector.broadcast %max3A_33 : f32 to vector<2000x16xf32>
    %max3A_35 = arith.maximumf %add3A_32, %max3A_34 : vector<2000x16xf32>
    %rsqrt3A_36 = math.rsqrt %max3A_35 : vector<2000x16xf32>
    %mul3A = arith.mulf %rsqrt3A, %rsqrt3A_36 : vector<2000x16xf32>
    %concatenate3A = tpu.concatenate %mul3A, %mul3A, %mul3A, %mul3A, %mul3A, %mul3A, %mul3A, %mul3A in 1 : vector<2000x16xf32>, vector<2000x16xf32>, vector<2000x16xf32>, vector<2000x16xf32>, vector<2000x16xf32>, vector<2000x16xf32>, vector<2000x16xf32>, vector<2000x16xf32> -> vector<2000x128xf32>
    %mul3A_37 = arith.mulf %add3A, %concatenate3A : vector<2000x128xf32>
    %get3A_38 = arith.constant 0 : index
    %get3A_39 = arith.constant 0 : index
    %get3A_40 = vector.load %arg4[%get3A_38, %get3A_39] : memref<128x128xf32, #tpu.memory_space<vmem>>, vector<128x128xf32>
    %dot_general3A = arith.constant dense<0.000000e+00> : vector<2000x128xf32>
    %dot_general3A_41 = tpu.matmul %mul3A_37, %get3A_40, %dot_general3A {dimension_numbers = #tpu.dot_dimension_numbers<[1], [0], [0], [1], [0, 0, 1, 1], [], []>, precision = #tpu.contract_precision<fp32>, transpose_lhs_hint = false} : vector<2000x128xf32>, vector<128x128xf32>, vector<2000x128xf32> -> vector<2000x128xf32>
    %concatenate3A_42 = tpu.concatenate %rsqrt3A_36, %rsqrt3A_36, %rsqrt3A_36, %rsqrt3A_36, %rsqrt3A_36, %rsqrt3A_36, %rsqrt3A_36, %rsqrt3A_36 in 1 : vector<2000x16xf32>, vector<2000x16xf32>, vector<2000x16xf32>, vector<2000x16xf32>, vector<2000x16xf32>, vector<2000x16xf32>, vector<2000x16xf32>, vector<2000x16xf32> -> vector<2000x128xf32>
    %get3A_43 = arith.constant 0 : index
    %get3A_44 = arith.constant 0 : index
    %get3A_45 = vector.load %arg5[%get3A_43, %get3A_44] : memref<1x128xf32, #tpu.memory_space<vmem>>, vector<1x128xf32>
    %mul3A_46 = vector.broadcast %get3A_45 : vector<1x128xf32> to vector<2000x128xf32>
    %mul3A_47 = arith.mulf %concatenate3A_42, %mul3A_46 : vector<2000x128xf32>
    %add3A_48 = arith.addf %dot_general3A_41, %mul3A_47 : vector<2000x128xf32>
    %swap3A = arith.constant 0 : index
    %swap3A_49 = arith.constant 0 : index
    %swap3A_50 = vector.load %arg6[%swap3A, %swap3A_49] : memref<2000x128xf32, #tpu.memory_space<vmem>>, vector<2000x128xf32>
    tpu.vector_store %arg6[%swap3A, %swap3A_49], %add3A_48 {strides = array<i32>} : memref<2000x128xf32, #tpu.memory_space<vmem>>, vector<2000x128xf32>,
    return
  }
  func.func @transform_0(%arg0: i32) -> (i32, i32, i32) {
    %c0_i32 = arith.constant 0 : i32
    %c0_i32_0 = arith.constant 0 : i32
    %c0_i32_1 = arith.constant 0 : i32
    return %c0_i32, %arg0, %c0_i32_0 : i32, i32, i32
  }
  func.func @transform_1(%arg0: i32) -> (i32, i32, i32) {
    %c0_i32 = arith.constant 0 : i32
    %c0_i32_0 = arith.constant 0 : i32
    %c0_i32_1 = arith.constant 0 : i32
    return %c0_i32, %arg0, %c0_i32_0 : i32, i32, i32
  }
  func.func @transform_2(%arg0: i32) -> (i32, i32, i32) {
    %c0_i32 = arith.constant 0 : i32
    %c0_i32_0 = arith.constant 0 : i32
    %c0_i32_1 = arith.constant 0 : i32
    return %c0_i32, %arg0, %c0_i32_0 : i32, i32, i32
  }
  func.func @transform_3(%arg0: i32) -> (i32, i32) {
    %c0_i32 = arith.constant 0 : i32
    %c0_i32_0 = arith.constant 0 : i32
    %c0_i32_1 = arith.constant 0 : i32
    return %c0_i32, %c0_i32_0 : i32, i32
  }
  func.func @transform_4(%arg0: i32) -> (i32, i32) {
    %c0_i32 = arith.constant 0 : i32
    %c0_i32_0 = arith.constant 0 : i32
    %c0_i32_1 = arith.constant 0 : i32
    return %c0_i32, %c0_i32_0 : i32, i32
  }
  func.func @transform_5(%arg0: i32) -> (i32, i32) {
    %c0_i32 = arith.constant 0 : i32
    %c0_i32_0 = arith.constant 0 : i32
    return %arg0, %c0_i32 : i32, i32
  }
}

module attributes {stable_mosaic.version = 14 : i64} {
  func.func @body(%arg0: i32, %arg1: memref<2x2000x128xf32, #tpu.memory_space<vmem>>, %arg2: memref<2x2000x16xf32, #tpu.memory_space<vmem>>, %arg3: memref<2x2000x16xf32, #tpu.memory_space<vmem>>, %arg4: memref<128x128xf32, #tpu.memory_space<vmem>>, %arg5: memref<1x128xf32, #tpu.memory_space<vmem>>, %arg6: memref<2000x128xf32, #tpu.memory_space<vmem>>) attributes {dimension_semantics = [#tpu.dimension_semantics<arbitrary>], iteration_bounds = array<i64: 5>, scalar_prefetch = 0 : i64, scratch_operands = 0 : i64, tpu.core_type = #tpu.core_type<tc>, window_params = [{transform_indices = @transform_0, window_bounds = array<i64: 2, 2000, 128>}, {transform_indices = @transform_1, window_bounds = array<i64: 2, 2000, 16>}, {transform_indices = @transform_2, window_bounds = array<i64: 2, 2000, 16>}, {pipeline_mode = #tpu.pipeline_mode<synchronous>, transform_indices = @transform_3, window_bounds = array<i64: 128, 128>}, {pipeline_mode = #tpu.pipeline_mode<synchronous>, transform_indices = @transform_4, window_bounds = array<i64: 1, 128>}, {transform_indices = @transform_5, window_bounds = array<i64: 2000, 128>}]} {
    %get3A = arith.constant 0 : index
    %get3A_0 = arith.constant 0 : index
    %get3A_1 = arith.constant 0 : index
    %get3A_2 = vector.load %arg1[%get3A, %get3A_0, %get3A_1] : memref<2x2000x128xf32, #tpu.memory_space<vmem>>, vector<1x2000x128xf32>
    %get3A_3 = vector.shape_cast %get3A_2 : vector<1x2000x128xf32> to vector<2000x128xf32>
    %get3A_4 = arith.constant 1 : index
    %get3A_5 = arith.constant 0 : index
    %get3A_6 = arith.constant 0 : index
    %get3A_7 = vector.load %arg1[%get3A_4, %get3A_5, %get3A_6] : memref<2x2000x128xf32, #tpu.memory_space<vmem>>, vector<1x2000x128xf32>
    %get3A_8 = vector.shape_cast %get3A_7 : vector<1x2000x128xf32> to vector<2000x128xf32>
    %add3A = arith.addf %get3A_3, %get3A_8 : vector<2000x128xf32>
    %get3A_9 = arith.constant 0 : index
    %get3A_10 = arith.constant 0 : index
    %get3A_11 = arith.constant 0 : index
    %get3A_12 = vector.load %arg3[%get3A_9, %get3A_10, %get3A_11] : memref<2x2000x16xf32, #tpu.memory_space<vmem>>, vector<1x2000x16xf32>
    %get3A_13 = vector.shape_cast %get3A_12 : vector<1x2000x16xf32> to vector<2000x16xf32>
    %get3A_14 = arith.constant 1 : index
    %get3A_15 = arith.constant 0 : index
    %get3A_16 = arith.constant 0 : index
    %get3A_17 = vector.load %arg3[%get3A_14, %get3A_15, %get3A_16] : memref<2x2000x16xf32, #tpu.memory_space<vmem>>, vector<1x2000x16xf32>
    %get3A_18 = vector.shape_cast %get3A_17 : vector<1x2000x16xf32> to vector<2000x16xf32>
    %add3A_19 = arith.addf %get3A_13, %get3A_18 : vector<2000x16xf32>
    %max3A = arith.constant 1.000000e+00 : f32
    %max3A_20 = vector.broadcast %max3A : f32 to vector<2000x16xf32>
    %max3A_21 = arith.maximumf %add3A_19, %max3A_20 : vector<2000x16xf32>
    %rsqrt3A = math.rsqrt %max3A_21 : vector<2000x16xf32>
    %concatenate3A = tpu.concatenate %rsqrt3A, %rsqrt3A, %rsqrt3A, %rsqrt3A, %rsqrt3A, %rsqrt3A, %rsqrt3A, %rsqrt3A in 1 : vector<2000x16xf32>, vector<2000x16xf32>, vector<2000x16xf32>, vector<2000x16xf32>, vector<2000x16xf32>, vector<2000x16xf32>, vector<2000x16xf32>, vector<2000x16xf32> -> vector<2000x128xf32>
    %mul3A = arith.mulf %add3A, %concatenate3A : vector<2000x128xf32>
    %get3A_22 = arith.constant 0 : index
    %get3A_23 = arith.constant 0 : index
    %get3A_24 = vector.load %arg4[%get3A_22, %get3A_23] : memref<128x128xf32, #tpu.memory_space<vmem>>, vector<128x128xf32>
    %dot_general3A = arith.constant dense<0.000000e+00> : vector<2000x128xf32>
    %dot_general3A_25 = tpu.matmul %mul3A, %get3A_24, %dot_general3A {dimension_numbers = #tpu.dot_dimension_numbers<[1], [0], [0], [1], [0, 0, 1, 1], [], []>, precision = #tpu.contract_precision<fp32>, transpose_lhs_hint = false} : vector<2000x128xf32>, vector<128x128xf32>, vector<2000x128xf32> -> vector<2000x128xf32>
    %get3A_26 = arith.constant 0 : index
    %get3A_27 = arith.constant 0 : index
    %get3A_28 = vector.load %arg5[%get3A_26, %get3A_27] : memref<1x128xf32, #tpu.memory_space<vmem>>, vector<1x128xf32>
    %add3A_29 = vector.broadcast %get3A_28 : vector<1x128xf32> to vector<2000x128xf32>
    %add3A_30 = arith.addf %dot_general3A_25, %add3A_29 : vector<2000x128xf32>
    %swap3A = arith.constant 0 : index
    %swap3A_31 = arith.constant 0 : index
    %swap3A_32 = vector.load %arg6[%swap3A, %swap3A_31] : memref<2000x128xf32, #tpu.memory_space<vmem>>, vector<2000x128xf32>
    tpu.vector_store %arg6[%swap3A, %swap3A_31], %add3A_30 {strides = array<i32>} : memref<2000x128xf32, #tpu.memory_space<vmem>>, vector<2000x128xf32>,
    return
  }
  func.func @transform_0(%arg0: i32) -> (i32, i32, i32) {
    %c0_i32 = arith.constant 0 : i32
    %c0_i32_0 = arith.constant 0 : i32
    %c0_i32_1 = arith.constant 0 : i32
    return %c0_i32, %arg0, %c0_i32_0 : i32, i32, i32
  }
  func.func @transform_1(%arg0: i32) -> (i32, i32, i32) {
    %c0_i32 = arith.constant 0 : i32
    %c0_i32_0 = arith.constant 0 : i32
    %c0_i32_1 = arith.constant 0 : i32
    return %c0_i32, %arg0, %c0_i32_0 : i32, i32, i32
  }
  func.func @transform_2(%arg0: i32) -> (i32, i32, i32) {
    %c0_i32 = arith.constant 0 : i32
    %c0_i32_0 = arith.constant 0 : i32
    %c0_i32_1 = arith.constant 0 : i32
    return %c0_i32, %arg0, %c0_i32_0 : i32, i32, i32
  }
  func.func @transform_3(%arg0: i32) -> (i32, i32) {
    %c0_i32 = arith.constant 0 : i32
    %c0_i32_0 = arith.constant 0 : i32
    %c0_i32_1 = arith.constant 0 : i32
    return %c0_i32, %c0_i32_0 : i32, i32
  }
  func.func @transform_4(%arg0: i32) -> (i32, i32) {
    %c0_i32 = arith.constant 0 : i32
    %c0_i32_0 = arith.constant 0 : i32
    %c0_i32_1 = arith.constant 0 : i32
    return %c0_i32, %c0_i32_0 : i32, i32
  }
  func.func @transform_5(%arg0: i32) -> (i32, i32) {
    %c0_i32 = arith.constant 0 : i32
    %c0_i32_0 = arith.constant 0 : i32
    return %arg0, %c0_i32 : i32, i32
  }
}

</mosaic_0001>

<sc_bundles>
// kernel: kernel.11.cloned.1.call-start
scs
__scs_entry_jumppad:
0x0: {  	(pc) =	sbr.rel $0x88, $3  }
0x1: {  	(tag) =	ssettag $0x0;
	lr =	simm.s32 $0x1  }
0x2: {  	[smem:$0x3F9B] =	sst lr;
	_ =	strace $0xD0000000  }
0x3: {  	_ = 	snop  }
0x4: {  	_ = 	snop  }
0x5: {  	_ = 	snop  }
0x6: {  	_ = 	snop  }
0x7: {  	_ = 	snop  }
__scs_overlays_trampoline_lowered:
0x8: {  	[smem:$0x3FAA] =	sst s0  }
0x9: {  	[smem:$0x3FAB] =	sst s1  }
0xa: {  	[smem:$0x3FAC] =	sst s2  }
0xb: {  	[smem:$0x3FAD] =	sst s3  }
0xc: {  	[smem:$0x3FAE] =	sst s4  }
0xd: {  	[smem:$0x3FAF] =	sst s5  }
0xe: {  	[smem:$0x3FB0] =	sst s6  }
0xf: {  	[smem:$0x3FB1] =	sst s7  }
0x10: {  	[smem:$0x3FB2] =	sst s8  }
0x11: {  	[smem:$0x3FB3] =	sst s9;
	s0 =	simm.s32 @!p0 $0x0  }
0x12: {  	s1 =	sld [smem:$0x3F99];
	s0 =	simm.s32 @p0 $0x1  }
0x13: {  	[smem:$0x3FB4] =	sst s0;
	s0 =	simm.s32 @!p1 $0x0  }
0x14: {  	s2 =	sld [smem:$0x3F98];
	s0 =	simm.s32 @p1 $0x1  }
0x15: {  	[smem:$0x3FB5] =	sst s0;
	s0 =	simm.s32 @!p2 $0x0  }
0x16: {  	s3 =	sld [smem:$0x3FDB];
	s0 =	simm.s32 @p2 $0x1  }
0x17: {  	s4 =	simm.s32 $0x1BF5;
	[smem:$0x3FB7] =	sst s0  }
0x18: {  	s0 =	sld [smem:$0x3F9A];
	_ =	swait.ge [sflag:s4], $0x0  }
0x19: {  	s7 =	sld [smem:$0x3F9B]  }
0x1a: {  	s8 =	sadd.s32 $0xFFFFE003, lr  }
0x1b: {  	s9 =	sadd.s32 $0xFFFFFEF7, lr;
	s5 =	simm.s32 $0xFFFFFFFF;
	p2 =	slt.u32 s8, $0xFFFFF086  }
0x1c: {  	p1 =	slt.u32 s9, $0xF7A;
	s5 =	simm.s32 @!p2 $0x0  }
0x1d: {  	s5 =	simm.s32 @p1 $0x1;
	p0 =	seq.s32 s7, s2  }
0x1e: {  	s7 =	smul.u32 @!p0 $0xF7A, s2;
	p2 =	seq.s32 @!p0 s5, $0x0  }
0x1f: {  	s9 =	smul.u32 $0xF7A, s1;
	s8 =	simm.s32 @!p0 $0x1BF5;
	p2 =	por !p2, p0  }
0x20: {  	[sflag:s8] =	ssyncset.s32 @!p0 $0xFFFFF086;
	s6 =	sadd.s32 @!p0 s3, s7;
	s7 =	simm.s32 @!p0 $0x108  }
0x21: {  	s3 =	sadd.s32 s3, s9;
	s6 =	sadd.s32 @!p0 $0x88, s6;
	s7 =	simm.s32 @p2 $0x1082  }
0x22: {  	[simem:s7], [sflag:s8] =	dma.local @!p0 [hbm:s6], $0xF7A  }
0x23: {  	s9 =	sor.u32 $0xD0000000, s2;
	s6 =	simm.s32 $0x108;
	_ =	swait.ge @!p0 [sflag:s8], $0x0  }
0x24: {  	s3 =	sadd.s32 $0x88, s3;
	s6 =	simm.s32 @!p1 $0x1082;
	[sflag:s4] =	ssyncset.s32 $0xFFFFF086  }
0x25: {  	[simem:s6], [sflag:s4] =	dma.local [hbm:s3], $0xF7A  }
0x26: {  	[smem:$0x3F9B] =	sst s1;
	(tag) =	ssettag s2;
	_ =	strace s9  }
0x27: {  	s1 =	sld [smem:$0x3FAB]  }
0x28: {  	s2 =	sld [smem:$0x3FAC]  }
0x29: {  	s4 =	sld [smem:$0x3FAE]  }
0x2a: {  	p0 =	seq.s32 s5, $0x0;
	s5 =	sld [smem:$0x3FAF]  }
0x2b: {  	s6 =	sld [smem:$0x3FB0]  }
0x2c: {  	s7 =	sld [smem:$0x3FB1]  }
0x2d: {  	s3 =	simm.s32 $0x108;
	s8 =	sld [smem:$0x3FB2]  }
0x2e: {  	s3 =	simm.s32 @!p0 $0x1082;
	s9 =	sld [smem:$0x3FB3]  }
0x2f: {  	lr =	sadd.s32 s0, s3;
	s0 =	sld [smem:$0x3FAA]  }
0x30: {  	s3 =	sld [smem:$0x3FAD]  }
0x31: {  	[smem:$0x3FB6] =	sst s10  }
0x32: {  	s10 =	sld [smem:$0x3FB4];
	_ =	sdelay $0x3  }
0x33: {  	p0 =	seq.s32 s10, $0x1;
	s10 =	sld [smem:$0x3FB6];
	_ =	sdelay $0x3  }
0x34: {  	[smem:$0x3FB6] =	sst s10  }
0x35: {  	s10 =	sld [smem:$0x3FB5];
	_ =	sdelay $0x3  }
0x36: {  	p1 =	seq.s32 s10, $0x1;
	s10 =	sld [smem:$0x3FB6];
	_ =	sdelay $0x3  }
0x37: {  	[smem:$0x3FB6] =	sst s10  }
0x38: {  	s10 =	sld [smem:$0x3FB7]  }
0x39: {  	_ = 	snop;
	(pc) =	sbr.ind lr, $3  }
0x3a: {  	_ = 	snop  }
0x3b: {  	_ = 	snop  }
0x3c: {  	p2 =	seq.s32 s10, $0x1;
	s10 =	sld [smem:$0x3FB6]  }
0x3d: {  	_ =	shalt  }
0x3e: {  	_ =	shalt  }
0x3f: {  	_ =	shalt  }
0x40: {  	_ =	shalt  }
0x41: {  	_ =	shalt  }
0x42: {  	_ =	shalt  }
0x43: {  	_ =	shalt  }
0x44: {  	_ =	shalt  }
0x45: {  	_ =	shalt  }
0x46: {  	_ =	shalt  }
0x47: {  	_ =	shalt  }
0x48: {  	_ =	shalt  }
0x49: {  	_ =	shalt  }
0x4a: {  	_ =	shalt  }
0x4b: {  	_ =	shalt  }
0x4c: {  	_ =	shalt  }
0x4d: {  	_ =	shalt  }
0x4e: {  	_ =	shalt  }
0x4f: {  	_ =	shalt  }
0x50: {  	_ =	shalt  }
0x51: {  	_ =	shalt  }
0x52: {  	_ =	shalt  }
0x53: {  	_ =	shalt  }
0x54: {  	_ =	shalt  }
0x55: {  	_ =	shalt  }
0x56: {  	_ =	shalt  }
0x57: {  	_ =	shalt  }
0x58: {  	_ =	shalt  }
0x59: {  	_ =	shalt  }
0x5a: {  	_ =	shalt  }
0x5b: {  	_ =	shalt  }
0x5c: {  	_ =	shalt  }
0x5d: {  	_ =	shalt  }
0x5e: {  	_ =	shalt  }
0x5f: {  	_ =	shalt  }
0x60: {  	_ =	shalt  }
0x61: {  	_ =	shalt  }
0x62: {  	_ =	shalt  }
0x63: {  	_ =	shalt  }
0x64: {  	_ =	shalt  }
0x65: {  	_ =	shalt  }
0x66: {  	_ =	shalt  }
0x67: {  	_ =	shalt  }
0x68: {  	_ =	shalt  }
0x69: {  	_ =	shalt  }
0x6a: {  	_ =	shalt  }
0x6b: {  	_ =	shalt  }
0x6c: {  	_ =	shalt  }
0x6d: {  	_ =	shalt  }
0x6e: {  	_ =	shalt  }
0x6f: {  	_ =	shalt  }
0x70: {  	_ =	shalt  }
0x71: {  	_ =	shalt  }
0x72: {  	_ =	shalt  }
0x73: {  	_ =	shalt  }
0x74: {  	_ =	shalt  }
0x75: {  	_ =	shalt  }
0x76: {  	_ =	shalt  }
0x77: {  	_ =	shalt  }
0x78: {  	_ =	shalt  }
0x79: {  	_ =	shalt  }
0x7a: {  	_ =	shalt  }
0x7b: {  	_ =	shalt  }
0x7c: {  	_ =	shalt  }
0x7d: {  	_ =	shalt  }
0x7e: {  	_ =	shalt  }
0x7f: {  	_ =	shalt  }
0x80: {  	_ =	shalt  }
0x81: {  	_ =	shalt  }
0x82: {  	_ =	shalt  }
0x83: {  	_ =	shalt  }
0x84: {  	_ =	shalt  }
0x85: {  	_ =	shalt  }
0x86: {  	_ =	shalt  }
0x87: {  	_ =	shalt  }
.Lfunc_end0:
.L_simem_size_0:
called_computation.1_lowered:
.L_overlay_start_0:
0x88: {  	s2 =	sld [smem:$0x3FD9]  }
0x89: {  	s3 =	sld [smem:$0x3FFE];
	_ =	sdelay $0x1  }
0x8a: {  	s1 =	srdreg.scid  }
0x8b: {  	s0 =	sand.u32 $0x1, s1  }
0x8c: {  	s17 =	sshll.u32 s0, $0xA;
	s2 =	sadd.s32 s3, s2  }
0x8d: {  	s2 =	sadd.s32 s2, s17  }
0x8e: {  	[smem:$0x3FC2] =	sst s2  }
0x8f: {  	_ = 	snop  }
0x90: {  	s2 =	sld [smem:$0x3FD0];
	(tm) =	ssettm $0x1  }
0x91: {  	s18 =	sld [smem:$0x3FFB];
	_ =	sdelay $0x3  }
0x92: {  	_ =	strace s18  }
0x93: {  	s3 =	sld [smem:$0x3FFC];
	_ =	sdelay $0x3  }
0x94: {  	_ =	strace s3  }
0x95: {  	s3 =	sld [smem:$0x3FFD];
	_ =	sdelay $0x3  }
0x96: {  	_ =	strace s3  }
0x97: {  	_ =	strace $0x8FFFFFFF  }
0x98: {  	s19 =	sld [smem:$0x3FDB];
	_ =	sdelay $0x1  }
0x99: {  	s4 =	simm.s32 $_scs_section_size  }
0x9a: {  	s5 =	simm.s32 $_size__tile_overlayer_lowered;
	s6 =	simm.s32 $_tile_overlayer_lowered  }
0x9b: {  	s22 =	simm.s32 $0x1BFF;
	s21 =	sshll.u32 s6, $0x1;
	s3 =	sadd.s32 s4, s19  }
0x9c: {  	s7 =	simm.s32 $0x0;
	s20 =	sshll.u32 s5, $0x1;
	s5 =	sadd.s32 s21, s3  }
0x9d: {  	[timem:s7], [sflag:s22] =	dma.local [hbm:s5], s20  }
0x9e: {  	_ =	swait.ge [sflag:s22], s20  }
0x9f: {  	s4 =	ssub.s32 $0x0, s20;
	[sflag:s22] =	ssyncset.done $0x0  }
0xa0: {  	[sflag:s22] =	ssyncadd.s32 s4;
	_ =	sdelay $0x1  }
0xa1: {  	s23 =	simm.s32 $0x1B8B  }
0xa2: {  	_ =	swait.ge [sflag:s23], $0x1  }
0xa3: {  	[sflag:s23] =	ssyncset.done $0x0  }
0xa4: {  	s25 =	simm.s32 $0x1B8E;
	s24 =	sld [smem:$0x3FFE];
	[sflag:s23] =	ssyncadd.s32 $0xFFFFFFFF  }
0xa5: {  	s26 =	simm.s32 $execute0_lowered;
	[smem:$0x3FD2] =	sst s25  }
0xa6: {  	s5 =	sshll.u32 s26, $0x1;
	_ =	strace $0x80000049;
	[dreg:$0x1] =	wrdreg $0xFFFFFFFF  }
0xa7: {  	s28 =	simm.s32 $_size_execute0_lowered;
	s3 =	sadd.s32 s3, s5;
	[dreg:$0x0] =	wrdreg $0x0  }
0xa8: {  	s5 =	sshll.u32 s28, $0x1;
	[dreg:$0x2] =	wrdreg s3  }
0xa9: {  	[dreg:$0x3] =	wrdreg s5  }
0xaa: {  	[dreg:$0x4] =	wrdreg $0xC0  }
0xab: {  	_ =	task [dreg:s7], $0x5FFFF  }
0xac: {  	[dreg:$0x1] =	wrdreg $0xFFFFFFFF  }
0xad: {  	[dreg:$0x0] =	wrdreg $0x60  }
0xae: {  	[dreg:$0x2] =	wrdreg s24  }
0xaf: {  	[dreg:$0x3] =	wrdreg s2  }
0xb0: {  	[dreg:$0x4] =	wrdreg $0x94000  }
0xb1: {  	[dreg:$0x5] =	wrdreg $0x9  }
0xb2: {  	_ =	task.clear_ibuf [dreg:s7], $0x6FFFF;
	_ =	strace $0x90000049  }
0xb3: {  	s29 =	simm.s32 $0x9;
	_ =	strace $0x8000004B  }
0xb4: {  	_ =	swait.ge [sflag:s29], $0x1  }
0xb5: {  	[sflag:s29] =	ssyncadd.s32 $0xFFFFFFFF  }
0xb6: {  	_ =	strace $0x9000004B  }
0xb7: {  	_ =	sfence  }
0xb8: {  	s30 =	sld [smem:$0x0];
	_ =	sdelay $0x2  }
0xb9: {  	s31 =	sshll.u32 s1, $0xD;
	s1 =	sshrl.u32 s1, $0x2  }
0xba: {  	s3 =	sand.u32 $0x4000, s31;
	s1 =	sadd.s32 s1, s30  }
0xbb: {  	s0 =	sor.u32 s3, s0;
	s1 =	sshll.u32 s1, $0x11  }
0xbc: {  	s0 =	sor.u32 s1, s0  }
0xbd: {  	s0 =	sadd.s32 $0x8F2B, s0  }
0xbe: {  	[sflag:s0] =	ssyncadd.remote.s32 $0x1  }
0xbf: {  	_ =	sfence.sel $0xFFFF  }
0xc0: {  	[dreg:$0x0] =	wrdreg $0xFFFFFFFF;
	(pc) =	sbr.abs _section_cstart, $3  }
0xc1: {  	[dreg:$0x1] =	wrdreg $0xFFFFFFFF  }
0xc2: {  	_ =	task.clear_ibuf [dreg:s7], $0x2FFFF;
	_ =	strace $0x9FFFFFFF  }
0xc3: {  	(tm) =	ssettm $0x7FFFFFFF  }
tec
execute0_lowered:
.L_overlay_start_1:
0x0: {  	(tag) =	ssettag $0x1  }
0x1: {  	s0 =	rddreg [dreg:$0x0]  }
0x2: {  	s1 =	srdreg.scid;
	s9 =	stileid.u32  }
0x3: {  	s6 =	rddreg [dreg:$0x1];
	s1 =	sand.u32 $0x1, s1;
	s7 =	smul.u32 $0x50000, s9  }
0x4: {  	s2 =	rddreg [dreg:$0x2];
	s4 =	smul.u32 $0x140000, s1  }
0x5: {  	s3 =	simm.s32 $0x0;
	s25 =	smul.u32 $0x50000, s1;
	s1 =	ssub.s32 $0x2, s1  }
0x6: {  	s5 =	smul.u32 $0x14000, s9;
	[smem:$0x7FF] =	sst s3;
	s26 =	sshrl.u32 s1, $0x1  }
0x7: {  	s9 =	smul.u32 $0x5000, s9;
	s7 =	sshrl.u32 s7, $0x2;
	s1 =	ssub.s32 s1, s26  }
0x8: {  	s4 =	sadd.s32 s5, s4;
	s5 =	sadd.s32 s7, s2;
	s1 =	smax.u32 s1, $0x1  }
0x9: {  	_ =	strace $0x8000004A;
	s11 =	sadd.s32 $0x2000, s5;
	[dreg:$0x6] =	wrdreg s1  }
0xa: {  	s10 =	sadd.s32 s9, s25;
	s12 =	sadd.s32 $0x3000, s5;
	[dreg:$0x8] =	wrdreg s11  }
0xb: {  	s8 =	sshrl.u32 s4, $0x3;
	s13 =	sadd.s32 $0x4000, s5;
	[dreg:$0x9] =	wrdreg s12  }
0xc: {  	s4 =	sadd.s32 $0xA0800, s0;
	s14 =	sadd.s32 $0x5000, s5;
	[dreg:$0xa] =	wrdreg s13  }
0xd: {  	s28 =	sshrl.u32 s10, $0x3;
	s15 =	sadd.s32 $0x6000, s5;
	[dreg:$0xb] =	wrdreg s14  }
0xe: {  	s16 =	sadd.s32 $0x7000, s5;
	s17 =	sadd.s32 $0x8000, s5;
	[dreg:$0xc] =	wrdreg s15  }
0xf: {  	s18 =	sadd.s32 $0x9000, s5;
	s19 =	sadd.s32 $0xA000, s5;
	[dreg:$0xd] =	wrdreg s16  }
0x10: {  	s20 =	sadd.s32 $0xB000, s5;
	s21 =	sadd.s32 $0xC000, s5;
	[dreg:$0xe] =	wrdreg s17  }
0x11: {  	s22 =	sor.u32 $0x200, s10;
	s23 =	sor.u32 $0x400, s10;
	[dreg:$0xf] =	wrdreg s18  }
0x12: {  	s24 =	sadd.s32 $0xD000, s5;
	s25 =	sadd.s32 $0xE000, s5;
	[dreg:$0x10] =	wrdreg s19  }
0x13: {  	s26 =	sadd.s32 $0xF000, s5;
	s29 =	sadd.s32 $0x11000, s5;
	[dreg:$0x11] =	wrdreg s20  }
0x14: {  	s30 =	sadd.s32 $0x12000, s5;
	s31 =	sadd.s32 $0x13000, s5;
	[dreg:$0x12] =	wrdreg s21  }
0x15: {  	s10 =	simm.s32 $0x1400;
	s0 =	sadd.s32 s8, s0;
	[dreg:$0x13] =	wrdreg s24  }
0x16: {  	s7 =	sadd.s32 s6, s28;
	s8 =	sadd.s32 $0x1000, s5;
	[dreg:$0x14] =	wrdreg s25  }
0x17: {  	s1 =	sshrl.u32 s23, $0x3;
	[dreg:$0x15] =	wrdreg s26;
	s28 =	sadd.s32 $0x10000, s5  }
0x18: {  	s11 =	simm.s32 $0x1100;
	s12 =	simm.s32 $0x5400;
	s13 =	simm.s32 $0x2  }
0x19: {  	s14 =	simm.s32 $0x1080;
	s15 =	simm.s32 $0x3;
	s16 =	simm.s32 $0x1180  }
0x1a: {  	s17 =	simm.s32 $0x1;
	s18 =	simm.s32 $0x1300;
	s19 =	simm.s32 $0x1380  }
0x1b: {  	s20 =	simm.s32 $0x0;
	s0 =	sadd.s32 $0xC7A00, s0;
	[dreg:$0x4] =	wrdreg s7  }
0x1c: {  	s9 =	sadd.s32 $0x9C0, s7;
	[dreg:$0x7] =	wrdreg s8;
	s24 =	sadd.s32 s1, s6  }
0x1d: {  	[dreg:$0x16] =	wrdreg s28;
	s1 =	simm.s32 $0x4;
	s7 =	simm.s32 $0x1200  }
0x1e: {  	s8 =	simm.s32 $0x80;
	[dreg:$0x5] =	wrdreg s0;
	s0 =	sshrl.u32 s22, $0x3  }
0x1f: {  	v0 =	vimm.f32 $0.0e+00;
	s23 =	sadd.s32 s0, s6;
	s0 =	simm.s32 $0x1000;
	s6 =	simm.s32 $0x1280  }
.LBB2_1:
0x20: {  	s21 =	simm.s32 $0x0;
	s22 =	simm.s32 $0x200  }
.LBB2_2:
0x21: {  	p0 =	sne.s32 s22, $0x3E00;
	[tilespmem:s21+$0x70] =	vst v0  }
0x22: {  	[tilespmem:s21+$0x0] =	vst v0  }
0x23: {  	[tilespmem:s21+$0x10] =	vst v0  }
.Ltmp0:
0x24: {  	[tilespmem:s21+$0x20] =	vst v0;
	(pc) =	sbr.rel @p0 .LBB2_2-.Ltmp0, $4  }
0x25: {  	[tilespmem:s21+$0x30] =	vst v0  }
0x26: {  	[tilespmem:s21+$0x40] =	vst v0  }
0x27: {  	[tilespmem:s21+$0x50] =	vst v0  }
0x28: {  	[tilespmem:s21+$0x60] =	vst v0;
	s21 =	sshra.s32 s22, $0x2;
	s22 =	sadd.s32 $0x200, s22  }
0x29: {  	[tilespmem:s21+$0x70] =	vst v0  }
0x2a: {  	[tilespmem:s21+$0x0] =	vst v0  }
0x2b: {  	[tilespmem:s21+$0x10] =	vst v0  }
0x2c: {  	[tilespmem:s21+$0x20] =	vst v0  }
0x2d: {  	[tilespmem:s21+$0x30] =	vst v0  }
0x2e: {  	[tilespmem:s21+$0x40] =	vst v0  }
0x2f: {  	[tilespmem:s21+$0x50] =	vst v0  }
0x30: {  	[tilespmem:s21+$0x60] =	vst v0;
	s21 =	simm.s32 $0x0  }
0x31: {  	[spmem:s5] =	stream.linear.scatter [tilespmem:s21], [sflag:$0x4], $0x1000, $0x38;
	[tilespmem:$0x1D400] =	vst v63  }
0x32: {  	_ =	swait.ge [sflag:s1], $0x1000  }
0x33: {  	[sflag:s1] =	ssyncset.done $0x0  }
0x34: {  	s22 =	rddreg [dreg:$0x7];
	[sflag:s1] =	ssyncadd.s32 $0xFFFFF000  }
0x35: {  	[spmem:s22] =	stream.linear.scatter [tilespmem:s21], [sflag:$0x4], $0x1000, $0x38;
	[tilespmem:$0x1D400] =	vst v63  }
0x36: {  	_ =	swait.ge [sflag:s1], $0x1000  }
0x37: {  	[sflag:s1] =	ssyncset.done $0x0  }
0x38: {  	s25 =	rddreg [dreg:$0x8];
	[sflag:s1] =	ssyncadd.s32 $0xFFFFF000  }
0x39: {  	[spmem:s25] =	stream.linear.scatter [tilespmem:s21], [sflag:$0x4], $0x1000, $0x38;
	[tilespmem:$0x1D400] =	vst v63  }
0x3a: {  	_ =	swait.ge [sflag:s1], $0x1000  }
0x3b: {  	[sflag:s1] =	ssyncset.done $0x0  }
0x3c: {  	s26 =	rddreg [dreg:$0x9];
	[sflag:s1] =	ssyncadd.s32 $0xFFFFF000  }
0x3d: {  	[spmem:s26] =	stream.linear.scatter [tilespmem:s21], [sflag:$0x4], $0x1000, $0x38;
	[tilespmem:$0x1D400] =	vst v63  }
0x3e: {  	_ =	swait.ge [sflag:s1], $0x1000  }
0x3f: {  	[sflag:s1] =	ssyncset.done $0x0  }
0x40: {  	s28 =	rddreg [dreg:$0xa];
	[sflag:s1] =	ssyncadd.s32 $0xFFFFF000  }
0x41: {  	[spmem:s28] =	stream.linear.scatter [tilespmem:s21], [sflag:$0x4], $0x1000, $0x38;
	[tilespmem:$0x1D400] =	vst v63  }
0x42: {  	_ =	swait.ge [sflag:s1], $0x1000  }
0x43: {  	[sflag:s1] =	ssyncset.done $0x0  }
0x44: {  	s25 =	rddreg [dreg:$0xb];
	[sflag:s1] =	ssyncadd.s32 $0xFFFFF000  }
0x45: {  	[spmem:s25] =	stream.linear.scatter [tilespmem:s21], [sflag:$0x4], $0x1000, $0x38;
	[tilespmem:$0x1D400] =	vst v63  }
0x46: {  	_ =	swait.ge [sflag:s1], $0x1000  }
0x47: {  	[sflag:s1] =	ssyncset.done $0x0  }
0x48: {  	s26 =	rddreg [dreg:$0xc];
	[sflag:s1] =	ssyncadd.s32 $0xFFFFF000  }
0x49: {  	[spmem:s26] =	stream.linear.scatter [tilespmem:s21], [sflag:$0x4], $0x1000, $0x38;
	[tilespmem:$0x1D400] =	vst v63  }
0x4a: {  	_ =	swait.ge [sflag:s1], $0x1000  }
0x4b: {  	[sflag:s1] =	ssyncset.done $0x0  }
0x4c: {  	s28 =	rddreg [dreg:$0xd];
	[sflag:s1] =	ssyncadd.s32 $0xFFFFF000  }
0x4d: {  	[spmem:s28] =	stream.linear.scatter [tilespmem:s21], [sflag:$0x4], $0x1000, $0x38;
	[tilespmem:$0x1D400] =	vst v63  }
0x4e: {  	_ =	swait.ge [sflag:s1], $0x1000  }
0x4f: {  	[sflag:s1] =	ssyncset.done $0x0  }
0x50: {  	s25 =	rddreg [dreg:$0xe];
	[sflag:s1] =	ssyncadd.s32 $0xFFFFF000  }
0x51: {  	[spmem:s25] =	stream.linear.scatter [tilespmem:s21], [sflag:$0x4], $0x1000, $0x38;
	[tilespmem:$0x1D400] =	vst v63  }
0x52: {  	_ =	swait.ge [sflag:s1], $0x1000  }
0x53: {  	[sflag:s1] =	ssyncset.done $0x0  }
0x54: {  	s26 =	rddreg [dreg:$0xf];
	[sflag:s1] =	ssyncadd.s32 $0xFFFFF000  }
0x55: {  	[spmem:s26] =	stream.linear.scatter [tilespmem:s21], [sflag:$0x4], $0x1000, $0x38;
	[tilespmem:$0x1D400] =	vst v63  }
0x56: {  	_ =	swait.ge [sflag:s1], $0x1000  }
0x57: {  	[sflag:s1] =	ssyncset.done $0x0  }
0x58: {  	s28 =	rddreg [dreg:$0x10];
	[sflag:s1] =	ssyncadd.s32 $0xFFFFF000  }
0x59: {  	[spmem:s28] =	stream.linear.scatter [tilespmem:s21], [sflag:$0x4], $0x1000, $0x38;
	[tilespmem:$0x1D400] =	vst v63  }
0x5a: {  	_ =	swait.ge [sflag:s1], $0x1000  }
0x5b: {  	[sflag:s1] =	ssyncset.done $0x0  }
0x5c: {  	s25 =	rddreg [dreg:$0x11];
	[sflag:s1] =	ssyncadd.s32 $0xFFFFF000  }
0x5d: {  	[spmem:s25] =	stream.linear.scatter [tilespmem:s21], [sflag:$0x4], $0x1000, $0x38;
	[tilespmem:$0x1D400] =	vst v63  }
0x5e: {  	_ =	swait.ge [sflag:s1], $0x1000  }
0x5f: {  	[sflag:s1] =	ssyncset.done $0x0  }
0x60: {  	s26 =	rddreg [dreg:$0x12];
	[sflag:s1] =	ssyncadd.s32 $0xFFFFF000  }
0x61: {  	[spmem:s26] =	stream.linear.scatter [tilespmem:s21], [sflag:$0x4], $0x1000, $0x38;
	[tilespmem:$0x1D400] =	vst v63  }
0x62: {  	_ =	swait.ge [sflag:s1], $0x1000  }
0x63: {  	[sflag:s1] =	ssyncset.done $0x0  }
0x64: {  	s28 =	rddreg [dreg:$0x13];
	[sflag:s1] =	ssyncadd.s32 $0xFFFFF000  }
0x65: {  	[spmem:s28] =	stream.linear.scatter [tilespmem:s21], [sflag:$0x4], $0x1000, $0x38;
	[tilespmem:$0x1D400] =	vst v63  }
0x66: {  	_ =	swait.ge [sflag:s1], $0x1000  }
0x67: {  	[sflag:s1] =	ssyncset.done $0x0  }
0x68: {  	s25 =	rddreg [dreg:$0x14];
	[sflag:s1] =	ssyncadd.s32 $0xFFFFF000  }
0x69: {  	[spmem:s25] =	stream.linear.scatter [tilespmem:s21], [sflag:$0x4], $0x1000, $0x38;
	[tilespmem:$0x1D400] =	vst v63  }
0x6a: {  	_ =	swait.ge [sflag:s1], $0x1000  }
0x6b: {  	[sflag:s1] =	ssyncset.done $0x0  }
0x6c: {  	s26 =	rddreg [dreg:$0x15];
	[sflag:s1] =	ssyncadd.s32 $0xFFFFF000  }
0x6d: {  	[spmem:s26] =	stream.linear.scatter [tilespmem:s21], [sflag:$0x4], $0x1000, $0x38;
	[tilespmem:$0x1D400] =	vst v63  }
0x6e: {  	_ =	swait.ge [sflag:s1], $0x1000  }
0x6f: {  	[sflag:s1] =	ssyncset.done $0x0  }
0x70: {  	s28 =	rddreg [dreg:$0x16];
	[sflag:s1] =	ssyncadd.s32 $0xFFFFF000  }
0x71: {  	[spmem:s28] =	stream.linear.scatter [tilespmem:s21], [sflag:$0x4], $0x1000, $0x38;
	[tilespmem:$0x1D400] =	vst v63  }
0x72: {  	_ =	swait.ge [sflag:s1], $0x1000  }
0x73: {  	[sflag:s1] =	ssyncset.done $0x0  }
0x74: {  	[sflag:s1] =	ssyncadd.s32 $0xFFFFF000  }
0x75: {  	[spmem:s29] =	stream.linear.scatter [tilespmem:s21], [sflag:$0x4], $0x1000, $0x38;
	[tilespmem:$0x1D400] =	vst v63  }
0x76: {  	_ =	swait.ge [sflag:s1], $0x1000  }
0x77: {  	[sflag:s1] =	ssyncset.done $0x0  }
0x78: {  	[sflag:s1] =	ssyncadd.s32 $0xFFFFF000  }
0x79: {  	[spmem:s30] =	stream.linear.scatter [tilespmem:s21], [sflag:$0x4], $0x1000, $0x38;
	[tilespmem:$0x1D400] =	vst v63  }
0x7a: {  	_ =	swait.ge [sflag:s1], $0x1000  }
0x7b: {  	[sflag:s1] =	ssyncset.done $0x0  }
0x7c: {  	[sflag:s1] =	ssyncadd.s32 $0xFFFFF000  }
0x7d: {  	[spmem:s31] =	stream.linear.scatter [tilespmem:s21], [sflag:$0x4], $0x1000, $0x38;
	[tilespmem:$0x1D400] =	vst v63  }
0x7e: {  	_ =	swait.ge [sflag:s1], $0x1000  }
0x7f: {  	[sflag:s1] =	ssyncset.done $0x0  }
0x80: {  	[sflag:s1] =	ssyncadd.s32 $0xFFFFF000  }
0x81: {  	[bflag:$0x0] =	sbarrier.arrive $0xFFFF  }
0x82: {  	s25 =	rddreg [dreg:$0x4]  }
0x83: {  	[tilespmem:s0], [sflag:$0x4] =	stream.linear.gather [hbm4b:s25+s21], $0x200, $0x38;
	[tilespmem:$0x1D400] =	vst v63  }
0x84: {  	_ =	swait.ge [sflag:s1], $0x200  }
0x85: {  	[sflag:s1] =	ssyncset.done $0x0  }
0x86: {  	s26 =	sadd.s32 $0x0, s23;
	[sflag:s1] =	ssyncadd.s32 $0xFFFFFE00  }
0x87: {  	[tilespmem:s7], [sflag:$0x1] =	stream.linear.gather [hbm4b:s26+s3], $0x200, $0x38;
	[tilespmem:$0x1D400] =	vst v63  }
0x88: {  	_ = 	snop  }
0x89: {  	[tilespmem:s10], [sflag:$0x2] =	stream.indirect.gather [hbm4b:s4+s8], $0x80, s0, s8, $0xb8;
	[tilespmem:$0x1D400] =	vst v63  }
0x8a: {  	_ = 	snop  }
0x8b: {  	[tilespmem:s12], [sflag:$0x3] =	stream.indirect.gather [hbm4b:s4+s8], $0x80, s11, s8, $0xb8;
	[tilespmem:$0x1D400] =	vst v63  }
0x8c: {  	_ =	swait.ge [sflag:s13], $0x4000  }
0x8d: {  	[sflag:s13] =	ssyncset.done $0x0  }
0x8e: {  	[sflag:s13] =	ssyncadd.s32 $0xFFFFC000  }
0x8f: {  	[spmem:s2] =	stream.indirect.scatter.add.f32 [tilespmem:s10], [sflag:$0x4], $0x80, s14, s8, $0xb8;
	[tilespmem:$0x1D400] =	vst v63  }
0x90: {  	_ =	swait.ge [sflag:s1], $0x4000  }
0x91: {  	[sflag:s1] =	ssyncset.done $0x0  }
0x92: {  	[sflag:s1] =	ssyncadd.s32 $0xFFFFC000  }
0x93: {  	_ =	swait.ge [sflag:s15], $0x4000  }
0x94: {  	[sflag:s15] =	ssyncset.done $0x0  }
0x95: {  	[sflag:s15] =	ssyncadd.s32 $0xFFFFC000  }
0x96: {  	[spmem:s2] =	stream.indirect.scatter.add.f32 [tilespmem:s12], [sflag:$0x4], $0x80, s16, s8, $0xb8;
	[tilespmem:$0x1D400] =	vst v63  }
0x97: {  	_ =	swait.ge [sflag:s1], $0x4000  }
0x98: {  	[sflag:s1] =	ssyncset.done $0x0  }
0x99: {  	[sflag:s1] =	ssyncadd.s32 $0xFFFFC000  }
0x9a: {  	_ =	swait.ge [sflag:s17], $0x200  }
0x9b: {  	[sflag:s17] =	ssyncset.done $0x0  }
0x9c: {  	s28 =	sadd.s32 $0x0, s24;
	[sflag:s17] =	ssyncadd.s32 $0xFFFFFE00  }
0x9d: {  	[tilespmem:s0], [sflag:$0x1] =	stream.linear.gather [hbm4b:s28+s3], $0x200, $0x38;
	[tilespmem:$0x1D400] =	vst v63  }
0x9e: {  	_ = 	snop  }
0x9f: {  	[tilespmem:s10], [sflag:$0x2] =	stream.indirect.gather [hbm4b:s4+s8], $0x80, s7, s8, $0xb8;
	[tilespmem:$0x1D400] =	vst v63  }
0xa0: {  	_ = 	snop  }
0xa1: {  	[tilespmem:s12], [sflag:$0x3] =	stream.indirect.gather [hbm4b:s4+s8], $0x80, s18, s8, $0xb8;
	[tilespmem:$0x1D400] =	vst v63  }
0xa2: {  	_ =	swait.ge [sflag:s13], $0x4000  }
0xa3: {  	[sflag:s13] =	ssyncset.done $0x0  }
0xa4: {  	[sflag:s13] =	ssyncadd.s32 $0xFFFFC000  }
0xa5: {  	[spmem:s2] =	stream.indirect.scatter.add.f32 [tilespmem:s10], [sflag:$0x4], $0x80, s6, s8, $0xb8;
	[tilespmem:$0x1D400] =	vst v63  }
0xa6: {  	_ =	swait.ge [sflag:s1], $0x4000  }
0xa7: {  	[sflag:s1] =	ssyncset.done $0x0  }
0xa8: {  	[sflag:s1] =	ssyncadd.s32 $0xFFFFC000  }
0xa9: {  	_ =	swait.ge [sflag:s15], $0x4000  }
0xaa: {  	[sflag:s15] =	ssyncset.done $0x0  }
0xab: {  	[sflag:s15] =	ssyncadd.s32 $0xFFFFC000  }
0xac: {  	[spmem:s2] =	stream.indirect.scatter.add.f32 [tilespmem:s12], [sflag:$0x4], $0x80, s19, s8, $0xb8;
	[tilespmem:$0x1D400] =	vst v63  }
0xad: {  	_ =	swait.ge [sflag:s1], $0x4000  }
0xae: {  	[sflag:s1] =	ssyncset.done $0x0  }
0xaf: {  	[sflag:s1] =	ssyncadd.s32 $0xFFFFC000  }
0xb0: {  	_ =	swait.ge [sflag:s17], $0x200  }
0xb1: {  	s22 =	simm.s32 $0x100;
	s21 =	simm.s32 $0x80;
	[sflag:s17] =	ssyncset.done $0x0  }
.LBB2_4:
0xb2: {  	s26 =	sadd.s32 s21, s23  }
0xb3: {  	[sflag:s17] =	ssyncadd.s32 $0xFFFFFE00;
	s28 =	smov.u32 s22;
	s25 =	sadd.s32 $0x80, s22  }
0xb4: {  	[tilespmem:s7], [sflag:$0x1] =	stream.linear.gather [hbm4b:s26+s3], $0x200, $0x38;
	[tilespmem:$0x1D400] =	vst v63  }
0xb5: {  	p0 =	sne.s32 s22, $0x900  }
0xb6: {  	[tilespmem:s10], [sflag:$0x2] =	stream.indirect.gather [hbm4b:s4+s8], $0x80, s0, s8, $0xb8;
	[tilespmem:$0x1D400] =	vst v63  }
0xb7: {  	_ = 	snop  }
0xb8: {  	[tilespmem:s12], [sflag:$0x3] =	stream.indirect.gather [hbm4b:s4+s8], $0x80, s11, s8, $0xb8;
	[tilespmem:$0x1D400] =	vst v63  }
0xb9: {  	_ =	swait.ge [sflag:s13], $0x4000  }
0xba: {  	[sflag:s13] =	ssyncset.done $0x0  }
0xbb: {  	[sflag:s13] =	ssyncadd.s32 $0xFFFFC000  }
0xbc: {  	[spmem:s2] =	stream.indirect.scatter.add.f32 [tilespmem:s10], [sflag:$0x4], $0x80, s14, s8, $0xb8;
	[tilespmem:$0x1D400] =	vst v63  }
0xbd: {  	_ =	swait.ge [sflag:s1], $0x4000  }
0xbe: {  	[sflag:s1] =	ssyncset.done $0x0  }
0xbf: {  	[sflag:s1] =	ssyncadd.s32 $0xFFFFC000  }
0xc0: {  	_ =	swait.ge [sflag:s15], $0x4000  }
0xc1: {  	[sflag:s15] =	ssyncset.done $0x0  }
0xc2: {  	[sflag:s15] =	ssyncadd.s32 $0xFFFFC000  }
0xc3: {  	[spmem:s2] =	stream.indirect.scatter.add.f32 [tilespmem:s12], [sflag:$0x4], $0x80, s16, s8, $0xb8;
	[tilespmem:$0x1D400] =	vst v63  }
0xc4: {  	_ =	swait.ge [sflag:s1], $0x4000  }
0xc5: {  	[sflag:s1] =	ssyncset.done $0x0  }
0xc6: {  	[sflag:s1] =	ssyncadd.s32 $0xFFFFC000  }
0xc7: {  	_ =	swait.ge [sflag:s17], $0x200  }
0xc8: {  	[sflag:s17] =	ssyncset.done $0x0  }
0xc9: {  	s22 =	sadd.s32 s21, s24;
	s21 =	smov.u32 s28;
	[sflag:s17] =	ssyncadd.s32 $0xFFFFFE00  }
0xca: {  	[tilespmem:s0], [sflag:$0x1] =	stream.linear.gather [hbm4b:s22+s3], $0x200, $0x38;
	[tilespmem:$0x1D400] =	vst v63  }
0xcb: {  	_ = 	snop  }
0xcc: {  	[tilespmem:s10], [sflag:$0x2] =	stream.indirect.gather [hbm4b:s4+s8], $0x80, s7, s8, $0xb8;
	[tilespmem:$0x1D400] =	vst v63  }
0xcd: {  	_ = 	snop  }
0xce: {  	[tilespmem:s12], [sflag:$0x3] =	stream.indirect.gather [hbm4b:s4+s8], $0x80, s18, s8, $0xb8;
	[tilespmem:$0x1D400] =	vst v63  }
0xcf: {  	_ =	swait.ge [sflag:s13], $0x4000  }
0xd0: {  	[sflag:s13] =	ssyncset.done $0x0  }
0xd1: {  	[sflag:s13] =	ssyncadd.s32 $0xFFFFC000  }
0xd2: {  	[spmem:s2] =	stream.indirect.scatter.add.f32 [tilespmem:s10], [sflag:$0x4], $0x80, s6, s8, $0xb8;
	[tilespmem:$0x1D400] =	vst v63  }
0xd3: {  	_ =	swait.ge [sflag:s1], $0x4000  }
0xd4: {  	[sflag:s1] =	ssyncset.done $0x0  }
0xd5: {  	[sflag:s1] =	ssyncadd.s32 $0xFFFFC000  }
0xd6: {  	_ =	swait.ge [sflag:s15], $0x4000  }
0xd7: {  	[sflag:s15] =	ssyncset.done $0x0  }
0xd8: {  	[sflag:s15] =	ssyncadd.s32 $0xFFFFC000  }
0xd9: {  	[spmem:s2] =	stream.indirect.scatter.add.f32 [tilespmem:s12], [sflag:$0x4], $0x80, s19, s8, $0xb8;
	[tilespmem:$0x1D400] =	vst v63  }
.Ltmp1:
0xda: {  	_ =	swait.ge [sflag:s1], $0x4000;
	(pc) =	sbr.rel @p0 .LBB2_4-.Ltmp1, $4  }
0xdb: {  	[sflag:s1] =	ssyncset.done $0x0  }
0xdc: {  	[sflag:s1] =	ssyncadd.s32 $0xFFFFC000  }
0xdd: {  	_ =	swait.ge [sflag:s17], $0x200  }
0xde: {  	s22 =	smov.u32 s25;
	[sflag:s17] =	ssyncset.done $0x0  }
0xdf: {  	s22 =	sadd.s32 s21, s23;
	[sflag:s17] =	ssyncadd.s32 $0xFFFFFE00  }
0xe0: {  	[tilespmem:s7], [sflag:$0x1] =	stream.linear.gather [hbm4b:s22+s3], $0x200, $0x38;
	[tilespmem:$0x1D400] =	vst v63  }
0xe1: {  	_ = 	snop  }
0xe2: {  	[tilespmem:s10], [sflag:$0x2] =	stream.indirect.gather [hbm4b:s4+s8], $0x80, s0, s8, $0xb8;
	[tilespmem:$0x1D400] =	vst v63  }
0xe3: {  	_ = 	snop  }
0xe4: {  	[tilespmem:s12], [sflag:$0x3] =	stream.indirect.gather [hbm4b:s4+s8], $0x80, s11, s8, $0xb8;
	[tilespmem:$0x1D400] =	vst v63  }
0xe5: {  	_ =	swait.ge [sflag:s13], $0x4000  }
0xe6: {  	[sflag:s13] =	ssyncset.done $0x0  }
0xe7: {  	[sflag:s13] =	ssyncadd.s32 $0xFFFFC000  }
0xe8: {  	[spmem:s2] =	stream.indirect.scatter.add.f32 [tilespmem:s10], [sflag:$0x4], $0x80, s14, s8, $0xb8;
	[tilespmem:$0x1D400] =	vst v63  }
0xe9: {  	_ =	swait.ge [sflag:s1], $0x4000  }
0xea: {  	[sflag:s1] =	ssyncset.done $0x0  }
0xeb: {  	[sflag:s1] =	ssyncadd.s32 $0xFFFFC000  }
0xec: {  	_ =	swait.ge [sflag:s15], $0x4000  }
0xed: {  	[sflag:s15] =	ssyncset.done $0x0  }
0xee: {  	[sflag:s15] =	ssyncadd.s32 $0xFFFFC000  }
0xef: {  	[spmem:s2] =	stream.indirect.scatter.add.f32 [tilespmem:s12], [sflag:$0x4], $0x80, s16, s8, $0xb8;
	[tilespmem:$0x1D400] =	vst v63  }
0xf0: {  	_ =	swait.ge [sflag:s1], $0x4000  }
0xf1: {  	[sflag:s1] =	ssyncset.done $0x0  }
0xf2: {  	[sflag:s1] =	ssyncadd.s32 $0xFFFFC000  }
0xf3: {  	_ =	swait.ge [sflag:s17], $0x200  }
0xf4: {  	[sflag:s17] =	ssyncset.done $0x0  }
0xf5: {  	s22 =	sadd.s32 s21, s24;
	[sflag:s17] =	ssyncadd.s32 $0xFFFFFE00  }
0xf6: {  	[tilespmem:s0], [sflag:$0x1] =	stream.linear.gather [hbm4b:s22+s3], $0x200, $0x38;
	[tilespmem:$0x1D400] =	vst v63  }
0xf7: {  	_ = 	snop  }
0xf8: {  	[tilespmem:s10], [sflag:$0x2] =	stream.indirect.gather [hbm4b:s4+s8], $0x80, s7, s8, $0xb8;
	[tilespmem:$0x1D400] =	vst v63  }
0xf9: {  	_ = 	snop  }
0xfa: {  	[tilespmem:s12], [sflag:$0x3] =	stream.indirect.gather [hbm4b:s4+s8], $0x80, s18, s8, $0xb8;
	[tilespmem:$0x1D400] =	vst v63  }
0xfb: {  	_ =	swait.ge [sflag:s13], $0x4000  }
0xfc: {  	[sflag:s13] =	ssyncset.done $0x0  }
0xfd: {  	[sflag:s13] =	ssyncadd.s32 $0xFFFFC000  }
0xfe: {  	[spmem:s2] =	stream.indirect.scatter.add.f32 [tilespmem:s10], [sflag:$0x4], $0x80, s6, s8, $0xb8;
	[tilespmem:$0x1D400] =	vst v63  }
0xff: {  	_ =	swait.ge [sflag:s1], $0x4000  }
0x100: {  	[sflag:s1] =	ssyncset.done $0x0  }
0x101: {  	[sflag:s1] =	ssyncadd.s32 $0xFFFFC000  }
0x102: {  	_ =	swait.ge [sflag:s15], $0x4000  }
0x103: {  	[sflag:s15] =	ssyncset.done $0x0  }
0x104: {  	[sflag:s15] =	ssyncadd.s32 $0xFFFFC000  }
0x105: {  	[spmem:s2] =	stream.indirect.scatter.add.f32 [tilespmem:s12], [sflag:$0x4], $0x80, s19, s8, $0xb8;
	[tilespmem:$0x1D400] =	vst v63  }
0x106: {  	_ =	swait.ge [sflag:s1], $0x4000  }
0x107: {  	[sflag:s1] =	ssyncset.done $0x0  }
0x108: {  	[sflag:s1] =	ssyncadd.s32 $0xFFFFC000  }
0x109: {  	_ =	swait.ge [sflag:s17], $0x200  }
0x10a: {  	[sflag:s17] =	ssyncset.done $0x0  }
0x10b: {  	[sflag:s17] =	ssyncadd.s32 $0xFFFFFE00  }
0x10c: {  	[tilespmem:s7], [sflag:$0x1] =	stream.linear.gather [hbm4b:s9+s3], $0x200, $0x38;
	[tilespmem:$0x1D400] =	vst v63  }
0x10d: {  	_ = 	snop  }
0x10e: {  	[tilespmem:s10], [sflag:$0x2] =	stream.indirect.gather [hbm4b:s4+s8], $0x80, s0, s8, $0xb8;
	[tilespmem:$0x1D400] =	vst v63  }
0x10f: {  	_ = 	snop  }
0x110: {  	[tilespmem:s12], [sflag:$0x3] =	stream.indirect.gather [hbm4b:s4+s8], $0x80, s11, s8, $0xb8;
	[tilespmem:$0x1D400] =	vst v63  }
0x111: {  	_ =	swait.ge [sflag:s13], $0x4000  }
0x112: {  	[sflag:s13] =	ssyncset.done $0x0  }
0x113: {  	[sflag:s13] =	ssyncadd.s32 $0xFFFFC000  }
0x114: {  	[spmem:s2] =	stream.indirect.scatter.add.f32 [tilespmem:s10], [sflag:$0x4], $0x80, s14, s8, $0xb8;
	[tilespmem:$0x1D400] =	vst v63  }
0x115: {  	_ =	swait.ge [sflag:s1], $0x4000  }
0x116: {  	[sflag:s1] =	ssyncset.done $0x0  }
0x117: {  	[sflag:s1] =	ssyncadd.s32 $0xFFFFC000  }
0x118: {  	_ =	swait.ge [sflag:s15], $0x4000  }
0x119: {  	[sflag:s15] =	ssyncset.done $0x0  }
0x11a: {  	[sflag:s15] =	ssyncadd.s32 $0xFFFFC000  }
0x11b: {  	[spmem:s2] =	stream.indirect.scatter.add.f32 [tilespmem:s12], [sflag:$0x4], $0x80, s16, s8, $0xb8;
	[tilespmem:$0x1D400] =	vst v63  }
0x11c: {  	_ =	swait.ge [sflag:s1], $0x4000  }
0x11d: {  	[sflag:s1] =	ssyncset.done $0x0  }
0x11e: {  	[sflag:s1] =	ssyncadd.s32 $0xFFFFC000  }
0x11f: {  	_ =	swait.ge [sflag:s17], $0x200  }
0x120: {  	[sflag:s17] =	ssyncset.done $0x0  }
0x121: {  	[sflag:s17] =	ssyncadd.s32 $0xFFFFFE00  }
0x122: {  	[tilespmem:s0], [sflag:$0x1] =	stream.linear.gather [hbm4b:s9+s3], $0x200, $0x38;
	[tilespmem:$0x1D400] =	vst v63  }
0x123: {  	_ = 	snop  }
0x124: {  	[tilespmem:s10], [sflag:$0x2] =	stream.indirect.gather [hbm4b:s4+s8], $0x80, s7, s8, $0xb8;
	[tilespmem:$0x1D400] =	vst v63  }
0x125: {  	_ = 	snop  }
0x126: {  	[tilespmem:s12], [sflag:$0x3] =	stream.indirect.gather [hbm4b:s4+s8], $0x80, s18, s8, $0xb8;
	[tilespmem:$0x1D400] =	vst v63  }
0x127: {  	_ =	swait.ge [sflag:s13], $0x4000  }
0x128: {  	[sflag:s13] =	ssyncset.done $0x0  }
0x129: {  	[sflag:s13] =	ssyncadd.s32 $0xFFFFC000  }
0x12a: {  	[spmem:s2] =	stream.indirect.scatter.add.f32 [tilespmem:s10], [sflag:$0x4], $0x80, s6, s8, $0xb8;
	[tilespmem:$0x1D400] =	vst v63  }
0x12b: {  	_ =	swait.ge [sflag:s1], $0x4000  }
0x12c: {  	[sflag:s1] =	ssyncset.done $0x0  }
0x12d: {  	[sflag:s1] =	ssyncadd.s32 $0xFFFFC000  }
0x12e: {  	_ =	swait.ge [sflag:s15], $0x4000  }
0x12f: {  	[sflag:s15] =	ssyncset.done $0x0  }
0x130: {  	[sflag:s15] =	ssyncadd.s32 $0xFFFFC000  }
0x131: {  	[spmem:s2] =	stream.indirect.scatter.add.f32 [tilespmem:s12], [sflag:$0x4], $0x80, s19, s8, $0xb8;
	[tilespmem:$0x1D400] =	vst v63  }
0x132: {  	_ =	swait.ge [sflag:s1], $0x4000  }
0x133: {  	[sflag:s1] =	ssyncset.done $0x0  }
0x134: {  	[sflag:s1] =	ssyncadd.s32 $0xFFFFC000  }
0x135: {  	_ =	swait.ge [sflag:s17], $0x200  }
0x136: {  	[sflag:s17] =	ssyncset.done $0x0  }
0x137: {  	s25 =	stileid.u32;
	[sflag:s17] =	ssyncadd.s32 $0xFFFFFE00  }
0x138: {  	s21 =	sshll.u32 s25, $0x6;
	[bflag:$0x0] =	sbarrier.arrive $0xFFFF  }
0x139: {  	s26 =	sshrl.u32 s5, $0x3;
	s21 =	sor.u32 $0x1C04, s21;
	s25 =	rddreg [dreg:$0x5]  }
0x13a: {  	[hbm:s25], [sflag:s21] =	dma.local [spmem:s26], $0x2800  }
0x13b: {  	_ =	swait.ge [sflag:s1], $0x2800  }
0x13c: {  	s20 =	sadd.s32 $0x1, s20;
	s28 =	rddreg [dreg:$0x6]  }
0x13d: {  	p0 =	sne.s32 s20, s28  }
.Ltmp2:
0x13e: {  	_ = 	snop;
	(pc) =	sbr.rel @p0 .LBB2_1-.Ltmp2, $3  }
0x13f: {  	_ =	sdelay $0x1  }
0x140: {  	[sflag:s1] =	ssyncset.done $0x0  }
0x141: {  	[sflag:s1] =	ssyncadd.s32 $0xFFFFD800  }
0x142: {  	_ =	sfence.sel $0x180000  }
0x143: {  	[bflag:$0x0] =	sbarrier.arrive $0xFFFF  }
0x144: {  	_ =	strace $0x9000004A  }
0x145: {  	s0 =	stileid.u32;
	[bflag:$0x2] =	sbarrier.arrive $0xFFFF  }
0x146: {  	p0 =	sne.s32 s0, $0x0;
	s0 =	rddreg [dreg:$0x3]  }
0x147: {  	s0 =	sadd.s32 @!p0 $0x100000, s0  }
0x148: {  	[sflag:s0] =	ssyncadd.tile.s32 @!p0 $0x1;
	_ =	shalt  }
.Lfunc_end2:
_tile_overlayer_lowered:
.L_overlay_start_2:
0x149: {  	(tag) =	ssettag $0x2  }
0x14a: {  	s0 =	rddreg [dreg:$0x0];
	s2 =	stileid.u32  }
0x14b: {  	s1 =	rddreg [dreg:$0x1];
	p0 =	sne.s32 s2, $0x0  }
0x14c: {  	s3 =	rddreg [dreg:$0x2];
	[bflag:$0x3] =	sbarrier.arrive $0xFFFF;
	s2 =	simm.s32 @!p0 $0x1C04  }
0x14d: {  	[timem:s3], [sflag:s2] =	dma.local @!p0 [hbm:s0], s1  }
0x14e: {  	s0 =	simm.s32 @!p0 $0x4  }
0x14f: {  	_ =	swait.ge @!p0 [sflag:s0], s1  }
0x150: {  	s1 =	ssub.s32 @!p0 $0x0, s1;
	[sflag:s0] =	ssyncset.done @!p0 $0x0  }
0x151: {  	[sflag:s0] =	ssyncadd.s32 @!p0 s1  }
0x152: {  	[bflag:$0x3] =	sbarrier.arrive $0xFFFF  }
0x153: {  	_ =	shalt  }

// kernel: kernel.14.cloned.1.call-start
scs
__scs_entry_jumppad:
0x0: {  	(pc) =	sbr.rel $0x88, $3  }
0x1: {  	(tag) =	ssettag $0x0;
	lr =	simm.s32 $0x1  }
0x2: {  	[smem:$0x3F9B] =	sst lr;
	_ =	strace $0xD0000000  }
0x3: {  	_ = 	snop  }
0x4: {  	_ = 	snop  }
0x5: {  	_ = 	snop  }
0x6: {  	_ = 	snop  }
0x7: {  	_ = 	snop  }
__scs_overlays_trampoline_lowered:
0x8: {  	[smem:$0x3FAA] =	sst s0  }
0x9: {  	[smem:$0x3FAB] =	sst s1  }
0xa: {  	[smem:$0x3FAC] =	sst s2  }
0xb: {  	[smem:$0x3FAD] =	sst s3  }
0xc: {  	[smem:$0x3FAE] =	sst s4  }
0xd: {  	[smem:$0x3FAF] =	sst s5  }
0xe: {  	[smem:$0x3FB0] =	sst s6  }
0xf: {  	[smem:$0x3FB1] =	sst s7  }
0x10: {  	[smem:$0x3FB2] =	sst s8  }
0x11: {  	[smem:$0x3FB3] =	sst s9;
	s0 =	simm.s32 @!p0 $0x0  }
0x12: {  	s1 =	sld [smem:$0x3F99];
	s0 =	simm.s32 @p0 $0x1  }
0x13: {  	[smem:$0x3FB4] =	sst s0;
	s0 =	simm.s32 @!p1 $0x0  }
0x14: {  	s2 =	sld [smem:$0x3F98];
	s0 =	simm.s32 @p1 $0x1  }
0x15: {  	[smem:$0x3FB5] =	sst s0;
	s0 =	simm.s32 @!p2 $0x0  }
0x16: {  	s3 =	sld [smem:$0x3FDB];
	s0 =	simm.s32 @p2 $0x1  }
0x17: {  	s4 =	simm.s32 $0x1BF5;
	[smem:$0x3FB7] =	sst s0  }
0x18: {  	s0 =	sld [smem:$0x3F9A];
	_ =	swait.ge [sflag:s4], $0x0  }
0x19: {  	s7 =	sld [smem:$0x3F9B]  }
0x1a: {  	s8 =	sadd.s32 $0xFFFFE003, lr  }
0x1b: {  	s9 =	sadd.s32 $0xFFFFFEF7, lr;
	s5 =	simm.s32 $0xFFFFFFFF;
	p2 =	slt.u32 s8, $0xFFFFF086  }
0x1c: {  	p1 =	slt.u32 s9, $0xF7A;
	s5 =	simm.s32 @!p2 $0x0  }
0x1d: {  	s5 =	simm.s32 @p1 $0x1;
	p0 =	seq.s32 s7, s2  }
0x1e: {  	s7 =	smul.u32 @!p0 $0xF7A, s2;
	p2 =	seq.s32 @!p0 s5, $0x0  }
0x1f: {  	s9 =	smul.u32 $0xF7A, s1;
	s8 =	simm.s32 @!p0 $0x1BF5;
	p2 =	por !p2, p0  }
0x20: {  	[sflag:s8] =	ssyncset.s32 @!p0 $0xFFFFF086;
	s6 =	sadd.s32 @!p0 s3, s7;
	s7 =	simm.s32 @!p0 $0x108  }
0x21: {  	s3 =	sadd.s32 s3, s9;
	s6 =	sadd.s32 @!p0 $0x88, s6;
	s7 =	simm.s32 @p2 $0x1082  }
0x22: {  	[simem:s7], [sflag:s8] =	dma.local @!p0 [hbm:s6], $0xF7A  }
0x23: {  	s9 =	sor.u32 $0xD0000000, s2;
	s6 =	simm.s32 $0x108;
	_ =	swait.ge @!p0 [sflag:s8], $0x0  }
0x24: {  	s3 =	sadd.s32 $0x88, s3;
	s6 =	simm.s32 @!p1 $0x1082;
	[sflag:s4] =	ssyncset.s32 $0xFFFFF086  }
0x25: {  	[simem:s6], [sflag:s4] =	dma.local [hbm:s3], $0xF7A  }
0x26: {  	[smem:$0x3F9B] =	sst s1;
	(tag) =	ssettag s2;
	_ =	strace s9  }
0x27: {  	s1 =	sld [smem:$0x3FAB]  }
0x28: {  	s2 =	sld [smem:$0x3FAC]  }
0x29: {  	s4 =	sld [smem:$0x3FAE]  }
0x2a: {  	p0 =	seq.s32 s5, $0x0;
	s5 =	sld [smem:$0x3FAF]  }
0x2b: {  	s6 =	sld [smem:$0x3FB0]  }
0x2c: {  	s7 =	sld [smem:$0x3FB1]  }
0x2d: {  	s3 =	simm.s32 $0x108;
	s8 =	sld [smem:$0x3FB2]  }
0x2e: {  	s3 =	simm.s32 @!p0 $0x1082;
	s9 =	sld [smem:$0x3FB3]  }
0x2f: {  	lr =	sadd.s32 s0, s3;
	s0 =	sld [smem:$0x3FAA]  }
0x30: {  	s3 =	sld [smem:$0x3FAD]  }
0x31: {  	[smem:$0x3FB6] =	sst s10  }
0x32: {  	s10 =	sld [smem:$0x3FB4];
	_ =	sdelay $0x3  }
0x33: {  	p0 =	seq.s32 s10, $0x1;
	s10 =	sld [smem:$0x3FB6];
	_ =	sdelay $0x3  }
0x34: {  	[smem:$0x3FB6] =	sst s10  }
0x35: {  	s10 =	sld [smem:$0x3FB5];
	_ =	sdelay $0x3  }
0x36: {  	p1 =	seq.s32 s10, $0x1;
	s10 =	sld [smem:$0x3FB6];
	_ =	sdelay $0x3  }
0x37: {  	[smem:$0x3FB6] =	sst s10  }
0x38: {  	s10 =	sld [smem:$0x3FB7]  }
0x39: {  	_ = 	snop;
	(pc) =	sbr.ind lr, $3  }
0x3a: {  	_ = 	snop  }
0x3b: {  	_ = 	snop  }
0x3c: {  	p2 =	seq.s32 s10, $0x1;
	s10 =	sld [smem:$0x3FB6]  }
0x3d: {  	_ =	shalt  }
0x3e: {  	_ =	shalt  }
0x3f: {  	_ =	shalt  }
0x40: {  	_ =	shalt  }
0x41: {  	_ =	shalt  }
0x42: {  	_ =	shalt  }
0x43: {  	_ =	shalt  }
0x44: {  	_ =	shalt  }
0x45: {  	_ =	shalt  }
0x46: {  	_ =	shalt  }
0x47: {  	_ =	shalt  }
0x48: {  	_ =	shalt  }
0x49: {  	_ =	shalt  }
0x4a: {  	_ =	shalt  }
0x4b: {  	_ =	shalt  }
0x4c: {  	_ =	shalt  }
0x4d: {  	_ =	shalt  }
0x4e: {  	_ =	shalt  }
0x4f: {  	_ =	shalt  }
0x50: {  	_ =	shalt  }
0x51: {  	_ =	shalt  }
0x52: {  	_ =	shalt  }
0x53: {  	_ =	shalt  }
0x54: {  	_ =	shalt  }
0x55: {  	_ =	shalt  }
0x56: {  	_ =	shalt  }
0x57: {  	_ =	shalt  }
0x58: {  	_ =	shalt  }
0x59: {  	_ =	shalt  }
0x5a: {  	_ =	shalt  }
0x5b: {  	_ =	shalt  }
0x5c: {  	_ =	shalt  }
0x5d: {  	_ =	shalt  }
0x5e: {  	_ =	shalt  }
0x5f: {  	_ =	shalt  }
0x60: {  	_ =	shalt  }
0x61: {  	_ =	shalt  }
0x62: {  	_ =	shalt  }
0x63: {  	_ =	shalt  }
0x64: {  	_ =	shalt  }
0x65: {  	_ =	shalt  }
0x66: {  	_ =	shalt  }
0x67: {  	_ =	shalt  }
0x68: {  	_ =	shalt  }
0x69: {  	_ =	shalt  }
0x6a: {  	_ =	shalt  }
0x6b: {  	_ =	shalt  }
0x6c: {  	_ =	shalt  }
0x6d: {  	_ =	shalt  }
0x6e: {  	_ =	shalt  }
0x6f: {  	_ =	shalt  }
0x70: {  	_ =	shalt  }
0x71: {  	_ =	shalt  }
0x72: {  	_ =	shalt  }
0x73: {  	_ =	shalt  }
0x74: {  	_ =	shalt  }
0x75: {  	_ =	shalt  }
0x76: {  	_ =	shalt  }
0x77: {  	_ =	shalt  }
0x78: {  	_ =	shalt  }
0x79: {  	_ =	shalt  }
0x7a: {  	_ =	shalt  }
0x7b: {  	_ =	shalt  }
0x7c: {  	_ =	shalt  }
0x7d: {  	_ =	shalt  }
0x7e: {  	_ =	shalt  }
0x7f: {  	_ =	shalt  }
0x80: {  	_ =	shalt  }
0x81: {  	_ =	shalt  }
0x82: {  	_ =	shalt  }
0x83: {  	_ =	shalt  }
0x84: {  	_ =	shalt  }
0x85: {  	_ =	shalt  }
0x86: {  	_ =	shalt  }
0x87: {  	_ =	shalt  }
.Lfunc_end0:
.L_simem_size_0:
called_computation.2_lowered:
.L_overlay_start_0:
0x88: {  	s2 =	sld [smem:$0x3FD9]  }
0x89: {  	s3 =	sld [smem:$0x3FFE];
	_ =	sdelay $0x1  }
0x8a: {  	s1 =	srdreg.scid  }
0x8b: {  	s0 =	sand.u32 $0x1, s1  }
0x8c: {  	s17 =	sshll.u32 s0, $0xA;
	s2 =	sadd.s32 s3, s2  }
0x8d: {  	s2 =	sadd.s32 s2, s17  }
0x8e: {  	[smem:$0x3FC2] =	sst s2  }
0x8f: {  	_ = 	snop  }
0x90: {  	s2 =	sld [smem:$0x3FD0];
	(tm) =	ssettm $0x1  }
0x91: {  	s18 =	sld [smem:$0x3FFB];
	_ =	sdelay $0x3  }
0x92: {  	_ =	strace s18  }
0x93: {  	s3 =	sld [smem:$0x3FFC];
	_ =	sdelay $0x3  }
0x94: {  	_ =	strace s3  }
0x95: {  	s3 =	sld [smem:$0x3FFD];
	_ =	sdelay $0x3  }
0x96: {  	_ =	strace s3  }
0x97: {  	_ =	strace $0x8FFFFFFF  }
0x98: {  	s19 =	sld [smem:$0x3FDB];
	_ =	sdelay $0x1  }
0x99: {  	s4 =	simm.s32 $_scs_section_size  }
0x9a: {  	s5 =	simm.s32 $_size__tile_overlayer_lowered;
	s6 =	simm.s32 $_tile_overlayer_lowered  }
0x9b: {  	s22 =	simm.s32 $0x1BFF;
	s21 =	sshll.u32 s6, $0x1;
	s3 =	sadd.s32 s4, s19  }
0x9c: {  	s7 =	simm.s32 $0x0;
	s20 =	sshll.u32 s5, $0x1;
	s5 =	sadd.s32 s21, s3  }
0x9d: {  	[timem:s7], [sflag:s22] =	dma.local [hbm:s5], s20  }
0x9e: {  	_ =	swait.ge [sflag:s22], s20  }
0x9f: {  	s4 =	ssub.s32 $0x0, s20;
	[sflag:s22] =	ssyncset.done $0x0  }
0xa0: {  	[sflag:s22] =	ssyncadd.s32 s4;
	_ =	sdelay $0x1  }
0xa1: {  	s23 =	simm.s32 $0x1B8B  }
0xa2: {  	_ =	swait.ge [sflag:s23], $0x1  }
0xa3: {  	[sflag:s23] =	ssyncset.done $0x0  }
0xa4: {  	s25 =	simm.s32 $0x1B8E;
	s24 =	sld [smem:$0x3FFE];
	[sflag:s23] =	ssyncadd.s32 $0xFFFFFFFF  }
0xa5: {  	s26 =	simm.s32 $execute0_lowered;
	[smem:$0x3FD2] =	sst s25  }
0xa6: {  	s5 =	sshll.u32 s26, $0x1;
	_ =	strace $0x8000004C;
	[dreg:$0x1] =	wrdreg $0xFFFFFFFF  }
0xa7: {  	s28 =	simm.s32 $_size_execute0_lowered;
	s3 =	sadd.s32 s3, s5;
	[dreg:$0x0] =	wrdreg $0x0  }
0xa8: {  	s5 =	sshll.u32 s28, $0x1;
	[dreg:$0x2] =	wrdreg s3  }
0xa9: {  	[dreg:$0x3] =	wrdreg s5  }
0xaa: {  	[dreg:$0x4] =	wrdreg $0xC0  }
0xab: {  	_ =	task [dreg:s7], $0x5FFFF  }
0xac: {  	[dreg:$0x1] =	wrdreg $0xFFFFFFFF  }
0xad: {  	[dreg:$0x0] =	wrdreg $0x60  }
0xae: {  	[dreg:$0x2] =	wrdreg s24  }
0xaf: {  	[dreg:$0x3] =	wrdreg s2  }
0xb0: {  	[dreg:$0x4] =	wrdreg $0x94000  }
0xb1: {  	[dreg:$0x5] =	wrdreg $0x9  }
0xb2: {  	_ =	task.clear_ibuf [dreg:s7], $0x6FFFF;
	_ =	strace $0x9000004C  }
0xb3: {  	s29 =	simm.s32 $0x9;
	_ =	strace $0x8000004E  }
0xb4: {  	_ =	swait.ge [sflag:s29], $0x1  }
0xb5: {  	[sflag:s29] =	ssyncadd.s32 $0xFFFFFFFF  }
0xb6: {  	_ =	strace $0x9000004E  }
0xb7: {  	_ =	sfence  }
0xb8: {  	s30 =	sld [smem:$0x0];
	_ =	sdelay $0x2  }
0xb9: {  	s31 =	sshll.u32 s1, $0xD;
	s1 =	sshrl.u32 s1, $0x2  }
0xba: {  	s3 =	sand.u32 $0x4000, s31;
	s1 =	sadd.s32 s1, s30  }
0xbb: {  	s0 =	sor.u32 s3, s0;
	s1 =	sshll.u32 s1, $0x11  }
0xbc: {  	s0 =	sor.u32 s1, s0  }
0xbd: {  	s0 =	sadd.s32 $0x8F2B, s0  }
0xbe: {  	[sflag:s0] =	ssyncadd.remote.s32 $0x1  }
0xbf: {  	_ =	sfence.sel $0xFFFF  }
0xc0: {  	[dreg:$0x0] =	wrdreg $0xFFFFFFFF;
	(pc) =	sbr.abs _section_cstart, $3  }
0xc1: {  	[dreg:$0x1] =	wrdreg $0xFFFFFFFF  }
0xc2: {  	_ =	task.clear_ibuf [dreg:s7], $0x2FFFF;
	_ =	strace $0x9FFFFFFF  }
0xc3: {  	(tm) =	ssettm $0x7FFFFFFF  }
tec
execute0_lowered:
.L_overlay_start_1:
0x0: {  	(tag) =	ssettag $0x1  }
0x1: {  	s0 =	rddreg [dreg:$0x0]  }
0x2: {  	s1 =	srdreg.scid;
	s9 =	stileid.u32  }
0x3: {  	s6 =	rddreg [dreg:$0x1];
	s1 =	sand.u32 $0x1, s1;
	s7 =	smul.u32 $0x50000, s9  }
0x4: {  	s2 =	rddreg [dreg:$0x2];
	s4 =	smul.u32 $0x140000, s1  }
0x5: {  	s3 =	simm.s32 $0x0;
	s25 =	smul.u32 $0x50000, s1;
	s1 =	ssub.s32 $0x2, s1  }
0x6: {  	s5 =	smul.u32 $0x14000, s9;
	[smem:$0x7FF] =	sst s3;
	s26 =	sshrl.u32 s1, $0x1  }
0x7: {  	s9 =	smul.u32 $0x5000, s9;
	s7 =	sshrl.u32 s7, $0x2;
	s1 =	ssub.s32 s1, s26  }
0x8: {  	s4 =	sadd.s32 s5, s4;
	s5 =	sadd.s32 s7, s2;
	s1 =	smax.u32 s1, $0x1  }
0x9: {  	_ =	strace $0x8000004D;
	s11 =	sadd.s32 $0x2000, s5;
	[dreg:$0x6] =	wrdreg s1  }
0xa: {  	s10 =	sadd.s32 s9, s25;
	s12 =	sadd.s32 $0x3000, s5;
	[dreg:$0x8] =	wrdreg s11  }
0xb: {  	s8 =	sshrl.u32 s4, $0x3;
	s13 =	sadd.s32 $0x4000, s5;
	[dreg:$0x9] =	wrdreg s12  }
0xc: {  	s4 =	sadd.s32 $0xA0800, s0;
	s14 =	sadd.s32 $0x5000, s5;
	[dreg:$0xa] =	wrdreg s13  }
0xd: {  	s28 =	sshrl.u32 s10, $0x3;
	s15 =	sadd.s32 $0x6000, s5;
	[dreg:$0xb] =	wrdreg s14  }
0xe: {  	s16 =	sadd.s32 $0x7000, s5;
	s17 =	sadd.s32 $0x8000, s5;
	[dreg:$0xc] =	wrdreg s15  }
0xf: {  	s18 =	sadd.s32 $0x9000, s5;
	s19 =	sadd.s32 $0xA000, s5;
	[dreg:$0xd] =	wrdreg s16  }
0x10: {  	s20 =	sadd.s32 $0xB000, s5;
	s21 =	sadd.s32 $0xC000, s5;
	[dreg:$0xe] =	wrdreg s17  }
0x11: {  	s22 =	sor.u32 $0x200, s10;
	s23 =	sor.u32 $0x400, s10;
	[dreg:$0xf] =	wrdreg s18  }
0x12: {  	s24 =	sadd.s32 $0xD000, s5;
	s25 =	sadd.s32 $0xE000, s5;
	[dreg:$0x10] =	wrdreg s19  }
0x13: {  	s26 =	sadd.s32 $0xF000, s5;
	s29 =	sadd.s32 $0x11000, s5;
	[dreg:$0x11] =	wrdreg s20  }
0x14: {  	s30 =	sadd.s32 $0x12000, s5;
	s31 =	sadd.s32 $0x13000, s5;
	[dreg:$0x12] =	wrdreg s21  }
0x15: {  	s10 =	simm.s32 $0x1400;
	s0 =	sadd.s32 s8, s0;
	[dreg:$0x13] =	wrdreg s24  }
0x16: {  	s7 =	sadd.s32 s6, s28;
	s8 =	sadd.s32 $0x1000, s5;
	[dreg:$0x14] =	wrdreg s25  }
0x17: {  	s1 =	sshrl.u32 s23, $0x3;
	[dreg:$0x15] =	wrdreg s26;
	s28 =	sadd.s32 $0x10000, s5  }
0x18: {  	s11 =	simm.s32 $0x1100;
	s12 =	simm.s32 $0x5400;
	s13 =	simm.s32 $0x2  }
0x19: {  	s14 =	simm.s32 $0x1080;
	s15 =	simm.s32 $0x3;
	s16 =	simm.s32 $0x1180  }
0x1a: {  	s17 =	simm.s32 $0x1;
	s18 =	simm.s32 $0x1300;
	s19 =	simm.s32 $0x1380  }
0x1b: {  	s20 =	simm.s32 $0x0;
	s0 =	sadd.s32 $0xC7A00, s0;
	[dreg:$0x4] =	wrdreg s7  }
0x1c: {  	s9 =	sadd.s32 $0x9C0, s7;
	[dreg:$0x7] =	wrdreg s8;
	s24 =	sadd.s32 s1, s6  }
0x1d: {  	[dreg:$0x16] =	wrdreg s28;
	s1 =	simm.s32 $0x4;
	s7 =	simm.s32 $0x1200  }
0x1e: {  	s8 =	simm.s32 $0x80;
	[dreg:$0x5] =	wrdreg s0;
	s0 =	sshrl.u32 s22, $0x3  }
0x1f: {  	v0 =	vimm.f32 $0.0e+00;
	s23 =	sadd.s32 s0, s6;
	s0 =	simm.s32 $0x1000;
	s6 =	simm.s32 $0x1280  }
.LBB2_1:
0x20: {  	s21 =	simm.s32 $0x0;
	s22 =	simm.s32 $0x200  }
.LBB2_2:
0x21: {  	p0 =	sne.s32 s22, $0x3E00;
	[tilespmem:s21+$0x70] =	vst v0  }
0x22: {  	[tilespmem:s21+$0x0] =	vst v0  }
0x23: {  	[tilespmem:s21+$0x10] =	vst v0  }
.Ltmp0:
0x24: {  	[tilespmem:s21+$0x20] =	vst v0;
	(pc) =	sbr.rel @p0 .LBB2_2-.Ltmp0, $4  }
0x25: {  	[tilespmem:s21+$0x30] =	vst v0  }
0x26: {  	[tilespmem:s21+$0x40] =	vst v0  }
0x27: {  	[tilespmem:s21+$0x50] =	vst v0  }
0x28: {  	[tilespmem:s21+$0x60] =	vst v0;
	s21 =	sshra.s32 s22, $0x2;
	s22 =	sadd.s32 $0x200, s22  }
0x29: {  	[tilespmem:s21+$0x70] =	vst v0  }
0x2a: {  	[tilespmem:s21+$0x0] =	vst v0  }
0x2b: {  	[tilespmem:s21+$0x10] =	vst v0  }
0x2c: {  	[tilespmem:s21+$0x20] =	vst v0  }
0x2d: {  	[tilespmem:s21+$0x30] =	vst v0  }
0x2e: {  	[tilespmem:s21+$0x40] =	vst v0  }
0x2f: {  	[tilespmem:s21+$0x50] =	vst v0  }
0x30: {  	[tilespmem:s21+$0x60] =	vst v0;
	s21 =	simm.s32 $0x0  }
0x31: {  	[spmem:s5] =	stream.linear.scatter [tilespmem:s21], [sflag:$0x4], $0x1000, $0x38;
	[tilespmem:$0x1D400] =	vst v63  }
0x32: {  	_ =	swait.ge [sflag:s1], $0x1000  }
0x33: {  	[sflag:s1] =	ssyncset.done $0x0  }
0x34: {  	s22 =	rddreg [dreg:$0x7];
	[sflag:s1] =	ssyncadd.s32 $0xFFFFF000  }
0x35: {  	[spmem:s22] =	stream.linear.scatter [tilespmem:s21], [sflag:$0x4], $0x1000, $0x38;
	[tilespmem:$0x1D400] =	vst v63  }
0x36: {  	_ =	swait.ge [sflag:s1], $0x1000  }
0x37: {  	[sflag:s1] =	ssyncset.done $0x0  }
0x38: {  	s25 =	rddreg [dreg:$0x8];
	[sflag:s1] =	ssyncadd.s32 $0xFFFFF000  }
0x39: {  	[spmem:s25] =	stream.linear.scatter [tilespmem:s21], [sflag:$0x4], $0x1000, $0x38;
	[tilespmem:$0x1D400] =	vst v63  }
0x3a: {  	_ =	swait.ge [sflag:s1], $0x1000  }
0x3b: {  	[sflag:s1] =	ssyncset.done $0x0  }
0x3c: {  	s26 =	rddreg [dreg:$0x9];
	[sflag:s1] =	ssyncadd.s32 $0xFFFFF000  }
0x3d: {  	[spmem:s26] =	stream.linear.scatter [tilespmem:s21], [sflag:$0x4], $0x1000, $0x38;
	[tilespmem:$0x1D400] =	vst v63  }
0x3e: {  	_ =	swait.ge [sflag:s1], $0x1000  }
0x3f: {  	[sflag:s1] =	ssyncset.done $0x0  }
0x40: {  	s28 =	rddreg [dreg:$0xa];
	[sflag:s1] =	ssyncadd.s32 $0xFFFFF000  }
0x41: {  	[spmem:s28] =	stream.linear.scatter [tilespmem:s21], [sflag:$0x4], $0x1000, $0x38;
	[tilespmem:$0x1D400] =	vst v63  }
0x42: {  	_ =	swait.ge [sflag:s1], $0x1000  }
0x43: {  	[sflag:s1] =	ssyncset.done $0x0  }
0x44: {  	s25 =	rddreg [dreg:$0xb];
	[sflag:s1] =	ssyncadd.s32 $0xFFFFF000  }
0x45: {  	[spmem:s25] =	stream.linear.scatter [tilespmem:s21], [sflag:$0x4], $0x1000, $0x38;
	[tilespmem:$0x1D400] =	vst v63  }
0x46: {  	_ =	swait.ge [sflag:s1], $0x1000  }
0x47: {  	[sflag:s1] =	ssyncset.done $0x0  }
0x48: {  	s26 =	rddreg [dreg:$0xc];
	[sflag:s1] =	ssyncadd.s32 $0xFFFFF000  }
0x49: {  	[spmem:s26] =	stream.linear.scatter [tilespmem:s21], [sflag:$0x4], $0x1000, $0x38;
	[tilespmem:$0x1D400] =	vst v63  }
0x4a: {  	_ =	swait.ge [sflag:s1], $0x1000  }
0x4b: {  	[sflag:s1] =	ssyncset.done $0x0  }
0x4c: {  	s28 =	rddreg [dreg:$0xd];
	[sflag:s1] =	ssyncadd.s32 $0xFFFFF000  }
0x4d: {  	[spmem:s28] =	stream.linear.scatter [tilespmem:s21], [sflag:$0x4], $0x1000, $0x38;
	[tilespmem:$0x1D400] =	vst v63  }
0x4e: {  	_ =	swait.ge [sflag:s1], $0x1000  }
0x4f: {  	[sflag:s1] =	ssyncset.done $0x0  }
0x50: {  	s25 =	rddreg [dreg:$0xe];
	[sflag:s1] =	ssyncadd.s32 $0xFFFFF000  }
0x51: {  	[spmem:s25] =	stream.linear.scatter [tilespmem:s21], [sflag:$0x4], $0x1000, $0x38;
	[tilespmem:$0x1D400] =	vst v63  }
0x52: {  	_ =	swait.ge [sflag:s1], $0x1000  }
0x53: {  	[sflag:s1] =	ssyncset.done $0x0  }
0x54: {  	s26 =	rddreg [dreg:$0xf];
	[sflag:s1] =	ssyncadd.s32 $0xFFFFF000  }
0x55: {  	[spmem:s26] =	stream.linear.scatter [tilespmem:s21], [sflag:$0x4], $0x1000, $0x38;
	[tilespmem:$0x1D400] =	vst v63  }
0x56: {  	_ =	swait.ge [sflag:s1], $0x1000  }
0x57: {  	[sflag:s1] =	ssyncset.done $0x0  }
0x58: {  	s28 =	rddreg [dreg:$0x10];
	[sflag:s1] =	ssyncadd.s32 $0xFFFFF000  }
0x59: {  	[spmem:s28] =	stream.linear.scatter [tilespmem:s21], [sflag:$0x4], $0x1000, $0x38;
	[tilespmem:$0x1D400] =	vst v63  }
0x5a: {  	_ =	swait.ge [sflag:s1], $0x1000  }
0x5b: {  	[sflag:s1] =	ssyncset.done $0x0  }
0x5c: {  	s25 =	rddreg [dreg:$0x11];
	[sflag:s1] =	ssyncadd.s32 $0xFFFFF000  }
0x5d: {  	[spmem:s25] =	stream.linear.scatter [tilespmem:s21], [sflag:$0x4], $0x1000, $0x38;
	[tilespmem:$0x1D400] =	vst v63  }
0x5e: {  	_ =	swait.ge [sflag:s1], $0x1000  }
0x5f: {  	[sflag:s1] =	ssyncset.done $0x0  }
0x60: {  	s26 =	rddreg [dreg:$0x12];
	[sflag:s1] =	ssyncadd.s32 $0xFFFFF000  }
0x61: {  	[spmem:s26] =	stream.linear.scatter [tilespmem:s21], [sflag:$0x4], $0x1000, $0x38;
	[tilespmem:$0x1D400] =	vst v63  }
0x62: {  	_ =	swait.ge [sflag:s1], $0x1000  }
0x63: {  	[sflag:s1] =	ssyncset.done $0x0  }
0x64: {  	s28 =	rddreg [dreg:$0x13];
	[sflag:s1] =	ssyncadd.s32 $0xFFFFF000  }
0x65: {  	[spmem:s28] =	stream.linear.scatter [tilespmem:s21], [sflag:$0x4], $0x1000, $0x38;
	[tilespmem:$0x1D400] =	vst v63  }
0x66: {  	_ =	swait.ge [sflag:s1], $0x1000  }
0x67: {  	[sflag:s1] =	ssyncset.done $0x0  }
0x68: {  	s25 =	rddreg [dreg:$0x14];
	[sflag:s1] =	ssyncadd.s32 $0xFFFFF000  }
0x69: {  	[spmem:s25] =	stream.linear.scatter [tilespmem:s21], [sflag:$0x4], $0x1000, $0x38;
	[tilespmem:$0x1D400] =	vst v63  }
0x6a: {  	_ =	swait.ge [sflag:s1], $0x1000  }
0x6b: {  	[sflag:s1] =	ssyncset.done $0x0  }
0x6c: {  	s26 =	rddreg [dreg:$0x15];
	[sflag:s1] =	ssyncadd.s32 $0xFFFFF000  }
0x6d: {  	[spmem:s26] =	stream.linear.scatter [tilespmem:s21], [sflag:$0x4], $0x1000, $0x38;
	[tilespmem:$0x1D400] =	vst v63  }
0x6e: {  	_ =	swait.ge [sflag:s1], $0x1000  }
0x6f: {  	[sflag:s1] =	ssyncset.done $0x0  }
0x70: {  	s28 =	rddreg [dreg:$0x16];
	[sflag:s1] =	ssyncadd.s32 $0xFFFFF000  }
0x71: {  	[spmem:s28] =	stream.linear.scatter [tilespmem:s21], [sflag:$0x4], $0x1000, $0x38;
	[tilespmem:$0x1D400] =	vst v63  }
0x72: {  	_ =	swait.ge [sflag:s1], $0x1000  }
0x73: {  	[sflag:s1] =	ssyncset.done $0x0  }
0x74: {  	[sflag:s1] =	ssyncadd.s32 $0xFFFFF000  }
0x75: {  	[spmem:s29] =	stream.linear.scatter [tilespmem:s21], [sflag:$0x4], $0x1000, $0x38;
	[tilespmem:$0x1D400] =	vst v63  }
0x76: {  	_ =	swait.ge [sflag:s1], $0x1000  }
0x77: {  	[sflag:s1] =	ssyncset.done $0x0  }
0x78: {  	[sflag:s1] =	ssyncadd.s32 $0xFFFFF000  }
0x79: {  	[spmem:s30] =	stream.linear.scatter [tilespmem:s21], [sflag:$0x4], $0x1000, $0x38;
	[tilespmem:$0x1D400] =	vst v63  }
0x7a: {  	_ =	swait.ge [sflag:s1], $0x1000  }
0x7b: {  	[sflag:s1] =	ssyncset.done $0x0  }
0x7c: {  	[sflag:s1] =	ssyncadd.s32 $0xFFFFF000  }
0x7d: {  	[spmem:s31] =	stream.linear.scatter [tilespmem:s21], [sflag:$0x4], $0x1000, $0x38;
	[tilespmem:$0x1D400] =	vst v63  }
0x7e: {  	_ =	swait.ge [sflag:s1], $0x1000  }
0x7f: {  	[sflag:s1] =	ssyncset.done $0x0  }
0x80: {  	[sflag:s1] =	ssyncadd.s32 $0xFFFFF000  }
0x81: {  	[bflag:$0x0] =	sbarrier.arrive $0xFFFF  }
0x82: {  	s25 =	rddreg [dreg:$0x4]  }
0x83: {  	[tilespmem:s0], [sflag:$0x4] =	stream.linear.gather [hbm4b:s25+s21], $0x200, $0x38;
	[tilespmem:$0x1D400] =	vst v63  }
0x84: {  	_ =	swait.ge [sflag:s1], $0x200  }
0x85: {  	[sflag:s1] =	ssyncset.done $0x0  }
0x86: {  	s26 =	sadd.s32 $0x0, s23;
	[sflag:s1] =	ssyncadd.s32 $0xFFFFFE00  }
0x87: {  	[tilespmem:s7], [sflag:$0x1] =	stream.linear.gather [hbm4b:s26+s3], $0x200, $0x38;
	[tilespmem:$0x1D400] =	vst v63  }
0x88: {  	_ = 	snop  }
0x89: {  	[tilespmem:s10], [sflag:$0x2] =	stream.indirect.gather [hbm4b:s4+s8], $0x80, s0, s8, $0xb8;
	[tilespmem:$0x1D400] =	vst v63  }
0x8a: {  	_ = 	snop  }
0x8b: {  	[tilespmem:s12], [sflag:$0x3] =	stream.indirect.gather [hbm4b:s4+s8], $0x80, s11, s8, $0xb8;
	[tilespmem:$0x1D400] =	vst v63  }
0x8c: {  	_ =	swait.ge [sflag:s13], $0x4000  }
0x8d: {  	[sflag:s13] =	ssyncset.done $0x0  }
0x8e: {  	[sflag:s13] =	ssyncadd.s32 $0xFFFFC000  }
0x8f: {  	[spmem:s2] =	stream.indirect.scatter.add.f32 [tilespmem:s10], [sflag:$0x4], $0x80, s14, s8, $0xb8;
	[tilespmem:$0x1D400] =	vst v63  }
0x90: {  	_ =	swait.ge [sflag:s1], $0x4000  }
0x91: {  	[sflag:s1] =	ssyncset.done $0x0  }
0x92: {  	[sflag:s1] =	ssyncadd.s32 $0xFFFFC000  }
0x93: {  	_ =	swait.ge [sflag:s15], $0x4000  }
0x94: {  	[sflag:s15] =	ssyncset.done $0x0  }
0x95: {  	[sflag:s15] =	ssyncadd.s32 $0xFFFFC000  }
0x96: {  	[spmem:s2] =	stream.indirect.scatter.add.f32 [tilespmem:s12], [sflag:$0x4], $0x80, s16, s8, $0xb8;
	[tilespmem:$0x1D400] =	vst v63  }
0x97: {  	_ =	swait.ge [sflag:s1], $0x4000  }
0x98: {  	[sflag:s1] =	ssyncset.done $0x0  }
0x99: {  	[sflag:s1] =	ssyncadd.s32 $0xFFFFC000  }
0x9a: {  	_ =	swait.ge [sflag:s17], $0x200  }
0x9b: {  	[sflag:s17] =	ssyncset.done $0x0  }
0x9c: {  	s28 =	sadd.s32 $0x0, s24;
	[sflag:s17] =	ssyncadd.s32 $0xFFFFFE00  }
0x9d: {  	[tilespmem:s0], [sflag:$0x1] =	stream.linear.gather [hbm4b:s28+s3], $0x200, $0x38;
	[tilespmem:$0x1D400] =	vst v63  }
0x9e: {  	_ = 	snop  }
0x9f: {  	[tilespmem:s10], [sflag:$0x2] =	stream.indirect.gather [hbm4b:s4+s8], $0x80, s7, s8, $0xb8;
	[tilespmem:$0x1D400] =	vst v63  }
0xa0: {  	_ = 	snop  }
0xa1: {  	[tilespmem:s12], [sflag:$0x3] =	stream.indirect.gather [hbm4b:s4+s8], $0x80, s18, s8, $0xb8;
	[tilespmem:$0x1D400] =	vst v63  }
0xa2: {  	_ =	swait.ge [sflag:s13], $0x4000  }
0xa3: {  	[sflag:s13] =	ssyncset.done $0x0  }
0xa4: {  	[sflag:s13] =	ssyncadd.s32 $0xFFFFC000  }
0xa5: {  	[spmem:s2] =	stream.indirect.scatter.add.f32 [tilespmem:s10], [sflag:$0x4], $0x80, s6, s8, $0xb8;
	[tilespmem:$0x1D400] =	vst v63  }
0xa6: {  	_ =	swait.ge [sflag:s1], $0x4000  }
0xa7: {  	[sflag:s1] =	ssyncset.done $0x0  }
0xa8: {  	[sflag:s1] =	ssyncadd.s32 $0xFFFFC000  }
0xa9: {  	_ =	swait.ge [sflag:s15], $0x4000  }
0xaa: {  	[sflag:s15] =	ssyncset.done $0x0  }
0xab: {  	[sflag:s15] =	ssyncadd.s32 $0xFFFFC000  }
0xac: {  	[spmem:s2] =	stream.indirect.scatter.add.f32 [tilespmem:s12], [sflag:$0x4], $0x80, s19, s8, $0xb8;
	[tilespmem:$0x1D400] =	vst v63  }
0xad: {  	_ =	swait.ge [sflag:s1], $0x4000  }
0xae: {  	[sflag:s1] =	ssyncset.done $0x0  }
0xaf: {  	[sflag:s1] =	ssyncadd.s32 $0xFFFFC000  }
0xb0: {  	_ =	swait.ge [sflag:s17], $0x200  }
0xb1: {  	s22 =	simm.s32 $0x100;
	s21 =	simm.s32 $0x80;
	[sflag:s17] =	ssyncset.done $0x0  }
.LBB2_4:
0xb2: {  	s26 =	sadd.s32 s21, s23  }
0xb3: {  	[sflag:s17] =	ssyncadd.s32 $0xFFFFFE00;
	s28 =	smov.u32 s22;
	s25 =	sadd.s32 $0x80, s22  }
0xb4: {  	[tilespmem:s7], [sflag:$0x1] =	stream.linear.gather [hbm4b:s26+s3], $0x200, $0x38;
	[tilespmem:$0x1D400] =	vst v63  }
0xb5: {  	p0 =	sne.s32 s22, $0x900  }
0xb6: {  	[tilespmem:s10], [sflag:$0x2] =	stream.indirect.gather [hbm4b:s4+s8], $0x80, s0, s8, $0xb8;
	[tilespmem:$0x1D400] =	vst v63  }
0xb7: {  	_ = 	snop  }
0xb8: {  	[tilespmem:s12], [sflag:$0x3] =	stream.indirect.gather [hbm4b:s4+s8], $0x80, s11, s8, $0xb8;
	[tilespmem:$0x1D400] =	vst v63  }
0xb9: {  	_ =	swait.ge [sflag:s13], $0x4000  }
0xba: {  	[sflag:s13] =	ssyncset.done $0x0  }
0xbb: {  	[sflag:s13] =	ssyncadd.s32 $0xFFFFC000  }
0xbc: {  	[spmem:s2] =	stream.indirect.scatter.add.f32 [tilespmem:s10], [sflag:$0x4], $0x80, s14, s8, $0xb8;
	[tilespmem:$0x1D400] =	vst v63  }
0xbd: {  	_ =	swait.ge [sflag:s1], $0x4000  }
0xbe: {  	[sflag:s1] =	ssyncset.done $0x0  }
0xbf: {  	[sflag:s1] =	ssyncadd.s32 $0xFFFFC000  }
0xc0: {  	_ =	swait.ge [sflag:s15], $0x4000  }
0xc1: {  	[sflag:s15] =	ssyncset.done $0x0  }
0xc2: {  	[sflag:s15] =	ssyncadd.s32 $0xFFFFC000  }
0xc3: {  	[spmem:s2] =	stream.indirect.scatter.add.f32 [tilespmem:s12], [sflag:$0x4], $0x80, s16, s8, $0xb8;
	[tilespmem:$0x1D400] =	vst v63  }
0xc4: {  	_ =	swait.ge [sflag:s1], $0x4000  }
0xc5: {  	[sflag:s1] =	ssyncset.done $0x0  }
0xc6: {  	[sflag:s1] =	ssyncadd.s32 $0xFFFFC000  }
0xc7: {  	_ =	swait.ge [sflag:s17], $0x200  }
0xc8: {  	[sflag:s17] =	ssyncset.done $0x0  }
0xc9: {  	s22 =	sadd.s32 s21, s24;
	s21 =	smov.u32 s28;
	[sflag:s17] =	ssyncadd.s32 $0xFFFFFE00  }
0xca: {  	[tilespmem:s0], [sflag:$0x1] =	stream.linear.gather [hbm4b:s22+s3], $0x200, $0x38;
	[tilespmem:$0x1D400] =	vst v63  }
0xcb: {  	_ = 	snop  }
0xcc: {  	[tilespmem:s10], [sflag:$0x2] =	stream.indirect.gather [hbm4b:s4+s8], $0x80, s7, s8, $0xb8;
	[tilespmem:$0x1D400] =	vst v63  }
0xcd: {  	_ = 	snop  }
0xce: {  	[tilespmem:s12], [sflag:$0x3] =	stream.indirect.gather [hbm4b:s4+s8], $0x80, s18, s8, $0xb8;
	[tilespmem:$0x1D400] =	vst v63  }
0xcf: {  	_ =	swait.ge [sflag:s13], $0x4000  }
0xd0: {  	[sflag:s13] =	ssyncset.done $0x0  }
0xd1: {  	[sflag:s13] =	ssyncadd.s32 $0xFFFFC000  }
0xd2: {  	[spmem:s2] =	stream.indirect.scatter.add.f32 [tilespmem:s10], [sflag:$0x4], $0x80, s6, s8, $0xb8;
	[tilespmem:$0x1D400] =	vst v63  }
0xd3: {  	_ =	swait.ge [sflag:s1], $0x4000  }
0xd4: {  	[sflag:s1] =	ssyncset.done $0x0  }
0xd5: {  	[sflag:s1] =	ssyncadd.s32 $0xFFFFC000  }
0xd6: {  	_ =	swait.ge [sflag:s15], $0x4000  }
0xd7: {  	[sflag:s15] =	ssyncset.done $0x0  }
0xd8: {  	[sflag:s15] =	ssyncadd.s32 $0xFFFFC000  }
0xd9: {  	[spmem:s2] =	stream.indirect.scatter.add.f32 [tilespmem:s12], [sflag:$0x4], $0x80, s19, s8, $0xb8;
	[tilespmem:$0x1D400] =	vst v63  }
.Ltmp1:
0xda: {  	_ =	swait.ge [sflag:s1], $0x4000;
	(pc) =	sbr.rel @p0 .LBB2_4-.Ltmp1, $4  }
0xdb: {  	[sflag:s1] =	ssyncset.done $0x0  }
0xdc: {  	[sflag:s1] =	ssyncadd.s32 $0xFFFFC000  }
0xdd: {  	_ =	swait.ge [sflag:s17], $0x200  }
0xde: {  	s22 =	smov.u32 s25;
	[sflag:s17] =	ssyncset.done $0x0  }
0xdf: {  	s22 =	sadd.s32 s21, s23;
	[sflag:s17] =	ssyncadd.s32 $0xFFFFFE00  }
0xe0: {  	[tilespmem:s7], [sflag:$0x1] =	stream.linear.gather [hbm4b:s22+s3], $0x200, $0x38;
	[tilespmem:$0x1D400] =	vst v63  }
0xe1: {  	_ = 	snop  }
0xe2: {  	[tilespmem:s10], [sflag:$0x2] =	stream.indirect.gather [hbm4b:s4+s8], $0x80, s0, s8, $0xb8;
	[tilespmem:$0x1D400] =	vst v63  }
0xe3: {  	_ = 	snop  }
0xe4: {  	[tilespmem:s12], [sflag:$0x3] =	stream.indirect.gather [hbm4b:s4+s8], $0x80, s11, s8, $0xb8;
	[tilespmem:$0x1D400] =	vst v63  }
0xe5: {  	_ =	swait.ge [sflag:s13], $0x4000  }
0xe6: {  	[sflag:s13] =	ssyncset.done $0x0  }
0xe7: {  	[sflag:s13] =	ssyncadd.s32 $0xFFFFC000  }
0xe8: {  	[spmem:s2] =	stream.indirect.scatter.add.f32 [tilespmem:s10], [sflag:$0x4], $0x80, s14, s8, $0xb8;
	[tilespmem:$0x1D400] =	vst v63  }
0xe9: {  	_ =	swait.ge [sflag:s1], $0x4000  }
0xea: {  	[sflag:s1] =	ssyncset.done $0x0  }
0xeb: {  	[sflag:s1] =	ssyncadd.s32 $0xFFFFC000  }
0xec: {  	_ =	swait.ge [sflag:s15], $0x4000  }
0xed: {  	[sflag:s15] =	ssyncset.done $0x0  }
0xee: {  	[sflag:s15] =	ssyncadd.s32 $0xFFFFC000  }
0xef: {  	[spmem:s2] =	stream.indirect.scatter.add.f32 [tilespmem:s12], [sflag:$0x4], $0x80, s16, s8, $0xb8;
	[tilespmem:$0x1D400] =	vst v63  }
0xf0: {  	_ =	swait.ge [sflag:s1], $0x4000  }
0xf1: {  	[sflag:s1] =	ssyncset.done $0x0  }
0xf2: {  	[sflag:s1] =	ssyncadd.s32 $0xFFFFC000  }
0xf3: {  	_ =	swait.ge [sflag:s17], $0x200  }
0xf4: {  	[sflag:s17] =	ssyncset.done $0x0  }
0xf5: {  	s22 =	sadd.s32 s21, s24;
	[sflag:s17] =	ssyncadd.s32 $0xFFFFFE00  }
0xf6: {  	[tilespmem:s0], [sflag:$0x1] =	stream.linear.gather [hbm4b:s22+s3], $0x200, $0x38;
	[tilespmem:$0x1D400] =	vst v63  }
0xf7: {  	_ = 	snop  }
0xf8: {  	[tilespmem:s10], [sflag:$0x2] =	stream.indirect.gather [hbm4b:s4+s8], $0x80, s7, s8, $0xb8;
	[tilespmem:$0x1D400] =	vst v63  }
0xf9: {  	_ = 	snop  }
0xfa: {  	[tilespmem:s12], [sflag:$0x3] =	stream.indirect.gather [hbm4b:s4+s8], $0x80, s18, s8, $0xb8;
	[tilespmem:$0x1D400] =	vst v63  }
0xfb: {  	_ =	swait.ge [sflag:s13], $0x4000  }
0xfc: {  	[sflag:s13] =	ssyncset.done $0x0  }
0xfd: {  	[sflag:s13] =	ssyncadd.s32 $0xFFFFC000  }
0xfe: {  	[spmem:s2] =	stream.indirect.scatter.add.f32 [tilespmem:s10], [sflag:$0x4], $0x80, s6, s8, $0xb8;
	[tilespmem:$0x1D400] =	vst v63  }
0xff: {  	_ =	swait.ge [sflag:s1], $0x4000  }
0x100: {  	[sflag:s1] =	ssyncset.done $0x0  }
0x101: {  	[sflag:s1] =	ssyncadd.s32 $0xFFFFC000  }
0x102: {  	_ =	swait.ge [sflag:s15], $0x4000  }
0x103: {  	[sflag:s15] =	ssyncset.done $0x0  }
0x104: {  	[sflag:s15] =	ssyncadd.s32 $0xFFFFC000  }
0x105: {  	[spmem:s2] =	stream.indirect.scatter.add.f32 [tilespmem:s12], [sflag:$0x4], $0x80, s19, s8, $0xb8;
	[tilespmem:$0x1D400] =	vst v63  }
0x106: {  	_ =	swait.ge [sflag:s1], $0x4000  }
0x107: {  	[sflag:s1] =	ssyncset.done $0x0  }
0x108: {  	[sflag:s1] =	ssyncadd.s32 $0xFFFFC000  }
0x109: {  	_ =	swait.ge [sflag:s17], $0x200  }
0x10a: {  	[sflag:s17] =	ssyncset.done $0x0  }
0x10b: {  	[sflag:s17] =	ssyncadd.s32 $0xFFFFFE00  }
0x10c: {  	[tilespmem:s7], [sflag:$0x1] =	stream.linear.gather [hbm4b:s9+s3], $0x200, $0x38;
	[tilespmem:$0x1D400] =	vst v63  }
0x10d: {  	_ = 	snop  }
0x10e: {  	[tilespmem:s10], [sflag:$0x2] =	stream.indirect.gather [hbm4b:s4+s8], $0x80, s0, s8, $0xb8;
	[tilespmem:$0x1D400] =	vst v63  }
0x10f: {  	_ = 	snop  }
0x110: {  	[tilespmem:s12], [sflag:$0x3] =	stream.indirect.gather [hbm4b:s4+s8], $0x80, s11, s8, $0xb8;
	[tilespmem:$0x1D400] =	vst v63  }
0x111: {  	_ =	swait.ge [sflag:s13], $0x4000  }
0x112: {  	[sflag:s13] =	ssyncset.done $0x0  }
0x113: {  	[sflag:s13] =	ssyncadd.s32 $0xFFFFC000  }
0x114: {  	[spmem:s2] =	stream.indirect.scatter.add.f32 [tilespmem:s10], [sflag:$0x4], $0x80, s14, s8, $0xb8;
	[tilespmem:$0x1D400] =	vst v63  }
0x115: {  	_ =	swait.ge [sflag:s1], $0x4000  }
0x116: {  	[sflag:s1] =	ssyncset.done $0x0  }
0x117: {  	[sflag:s1] =	ssyncadd.s32 $0xFFFFC000  }
0x118: {  	_ =	swait.ge [sflag:s15], $0x4000  }
0x119: {  	[sflag:s15] =	ssyncset.done $0x0  }
0x11a: {  	[sflag:s15] =	ssyncadd.s32 $0xFFFFC000  }
0x11b: {  	[spmem:s2] =	stream.indirect.scatter.add.f32 [tilespmem:s12], [sflag:$0x4], $0x80, s16, s8, $0xb8;
	[tilespmem:$0x1D400] =	vst v63  }
0x11c: {  	_ =	swait.ge [sflag:s1], $0x4000  }
0x11d: {  	[sflag:s1] =	ssyncset.done $0x0  }
0x11e: {  	[sflag:s1] =	ssyncadd.s32 $0xFFFFC000  }
0x11f: {  	_ =	swait.ge [sflag:s17], $0x200  }
0x120: {  	[sflag:s17] =	ssyncset.done $0x0  }
0x121: {  	[sflag:s17] =	ssyncadd.s32 $0xFFFFFE00  }
0x122: {  	[tilespmem:s0], [sflag:$0x1] =	stream.linear.gather [hbm4b:s9+s3], $0x200, $0x38;
	[tilespmem:$0x1D400] =	vst v63  }
0x123: {  	_ = 	snop  }
0x124: {  	[tilespmem:s10], [sflag:$0x2] =	stream.indirect.gather [hbm4b:s4+s8], $0x80, s7, s8, $0xb8;
	[tilespmem:$0x1D400] =	vst v63  }
0x125: {  	_ = 	snop  }
0x126: {  	[tilespmem:s12], [sflag:$0x3] =	stream.indirect.gather [hbm4b:s4+s8], $0x80, s18, s8, $0xb8;
	[tilespmem:$0x1D400] =	vst v63  }
0x127: {  	_ =	swait.ge [sflag:s13], $0x4000  }
0x128: {  	[sflag:s13] =	ssyncset.done $0x0  }
0x129: {  	[sflag:s13] =	ssyncadd.s32 $0xFFFFC000  }
0x12a: {  	[spmem:s2] =	stream.indirect.scatter.add.f32 [tilespmem:s10], [sflag:$0x4], $0x80, s6, s8, $0xb8;
	[tilespmem:$0x1D400] =	vst v63  }
0x12b: {  	_ =	swait.ge [sflag:s1], $0x4000  }
0x12c: {  	[sflag:s1] =	ssyncset.done $0x0  }
0x12d: {  	[sflag:s1] =	ssyncadd.s32 $0xFFFFC000  }
0x12e: {  	_ =	swait.ge [sflag:s15], $0x4000  }
0x12f: {  	[sflag:s15] =	ssyncset.done $0x0  }
0x130: {  	[sflag:s15] =	ssyncadd.s32 $0xFFFFC000  }
0x131: {  	[spmem:s2] =	stream.indirect.scatter.add.f32 [tilespmem:s12], [sflag:$0x4], $0x80, s19, s8, $0xb8;
	[tilespmem:$0x1D400] =	vst v63  }
0x132: {  	_ =	swait.ge [sflag:s1], $0x4000  }
0x133: {  	[sflag:s1] =	ssyncset.done $0x0  }
0x134: {  	[sflag:s1] =	ssyncadd.s32 $0xFFFFC000  }
0x135: {  	_ =	swait.ge [sflag:s17], $0x200  }
0x136: {  	[sflag:s17] =	ssyncset.done $0x0  }
0x137: {  	s25 =	stileid.u32;
	[sflag:s17] =	ssyncadd.s32 $0xFFFFFE00  }
0x138: {  	s21 =	sshll.u32 s25, $0x6;
	[bflag:$0x0] =	sbarrier.arrive $0xFFFF  }
0x139: {  	s26 =	sshrl.u32 s5, $0x3;
	s21 =	sor.u32 $0x1C04, s21;
	s25 =	rddreg [dreg:$0x5]  }
0x13a: {  	[hbm:s25], [sflag:s21] =	dma.local [spmem:s26], $0x2800  }
0x13b: {  	_ =	swait.ge [sflag:s1], $0x2800  }
0x13c: {  	s20 =	sadd.s32 $0x1, s20;
	s28 =	rddreg [dreg:$0x6]  }
0x13d: {  	p0 =	sne.s32 s20, s28  }
.Ltmp2:
0x13e: {  	_ = 	snop;
	(pc) =	sbr.rel @p0 .LBB2_1-.Ltmp2, $3  }
0x13f: {  	_ =	sdelay $0x1  }
0x140: {  	[sflag:s1] =	ssyncset.done $0x0  }
0x141: {  	[sflag:s1] =	ssyncadd.s32 $0xFFFFD800  }
0x142: {  	_ =	sfence.sel $0x180000  }
0x143: {  	[bflag:$0x0] =	sbarrier.arrive $0xFFFF  }
0x144: {  	_ =	strace $0x9000004D  }
0x145: {  	s0 =	stileid.u32;
	[bflag:$0x2] =	sbarrier.arrive $0xFFFF  }
0x146: {  	p0 =	sne.s32 s0, $0x0;
	s0 =	rddreg [dreg:$0x3]  }
0x147: {  	s0 =	sadd.s32 @!p0 $0x100000, s0  }
0x148: {  	[sflag:s0] =	ssyncadd.tile.s32 @!p0 $0x1;
	_ =	shalt  }
.Lfunc_end2:
_tile_overlayer_lowered:
.L_overlay_start_2:
0x149: {  	(tag) =	ssettag $0x2  }
0x14a: {  	s0 =	rddreg [dreg:$0x0];
	s2 =	stileid.u32  }
0x14b: {  	s1 =	rddreg [dreg:$0x1];
	p0 =	sne.s32 s2, $0x0  }
0x14c: {  	s3 =	rddreg [dreg:$0x2];
	[bflag:$0x3] =	sbarrier.arrive $0xFFFF;
	s2 =	simm.s32 @!p0 $0x1C04  }
0x14d: {  	[timem:s3], [sflag:s2] =	dma.local @!p0 [hbm:s0], s1  }
0x14e: {  	s0 =	simm.s32 @!p0 $0x4  }
0x14f: {  	_ =	swait.ge @!p0 [sflag:s0], s1  }
0x150: {  	s1 =	ssub.s32 @!p0 $0x0, s1;
	[sflag:s0] =	ssyncset.done @!p0 $0x0  }
0x151: {  	[sflag:s0] =	ssyncadd.s32 @!p0 s1  }
0x152: {  	[bflag:$0x3] =	sbarrier.arrive $0xFFFF  }
0x153: {  	_ =	shalt  }

// kernel: kernel.8.cloned.1.call-start
scs
__scs_entry_jumppad:
0x0: {  	(pc) =	sbr.rel $0x88, $3  }
0x1: {  	(tag) =	ssettag $0x0;
	lr =	simm.s32 $0x1  }
0x2: {  	[smem:$0x3F9B] =	sst lr;
	_ =	strace $0xD0000000  }
0x3: {  	_ = 	snop  }
0x4: {  	_ = 	snop  }
0x5: {  	_ = 	snop  }
0x6: {  	_ = 	snop  }
0x7: {  	_ = 	snop  }
__scs_overlays_trampoline_lowered:
0x8: {  	[smem:$0x3FAA] =	sst s0  }
0x9: {  	[smem:$0x3FAB] =	sst s1  }
0xa: {  	[smem:$0x3FAC] =	sst s2  }
0xb: {  	[smem:$0x3FAD] =	sst s3  }
0xc: {  	[smem:$0x3FAE] =	sst s4  }
0xd: {  	[smem:$0x3FAF] =	sst s5  }
0xe: {  	[smem:$0x3FB0] =	sst s6  }
0xf: {  	[smem:$0x3FB1] =	sst s7  }
0x10: {  	[smem:$0x3FB2] =	sst s8  }
0x11: {  	[smem:$0x3FB3] =	sst s9;
	s0 =	simm.s32 @!p0 $0x0  }
0x12: {  	s1 =	sld [smem:$0x3F99];
	s0 =	simm.s32 @p0 $0x1  }
0x13: {  	[smem:$0x3FB4] =	sst s0;
	s0 =	simm.s32 @!p1 $0x0  }
0x14: {  	s2 =	sld [smem:$0x3F98];
	s0 =	simm.s32 @p1 $0x1  }
0x15: {  	[smem:$0x3FB5] =	sst s0;
	s0 =	simm.s32 @!p2 $0x0  }
0x16: {  	s3 =	sld [smem:$0x3FDB];
	s0 =	simm.s32 @p2 $0x1  }
0x17: {  	s4 =	simm.s32 $0x1BF5;
	[smem:$0x3FB7] =	sst s0  }
0x18: {  	s0 =	sld [smem:$0x3F9A];
	_ =	swait.ge [sflag:s4], $0x0  }
0x19: {  	s7 =	sld [smem:$0x3F9B]  }
0x1a: {  	s8 =	sadd.s32 $0xFFFFE003, lr  }
0x1b: {  	s9 =	sadd.s32 $0xFFFFFEF7, lr;
	s5 =	simm.s32 $0xFFFFFFFF;
	p2 =	slt.u32 s8, $0xFFFFF086  }
0x1c: {  	p1 =	slt.u32 s9, $0xF7A;
	s5 =	simm.s32 @!p2 $0x0  }
0x1d: {  	s5 =	simm.s32 @p1 $0x1;
	p0 =	seq.s32 s7, s2  }
0x1e: {  	s7 =	smul.u32 @!p0 $0xF7A, s2;
	p2 =	seq.s32 @!p0 s5, $0x0  }
0x1f: {  	s9 =	smul.u32 $0xF7A, s1;
	s8 =	simm.s32 @!p0 $0x1BF5;
	p2 =	por !p2, p0  }
0x20: {  	[sflag:s8] =	ssyncset.s32 @!p0 $0xFFFFF086;
	s6 =	sadd.s32 @!p0 s3, s7;
	s7 =	simm.s32 @!p0 $0x108  }
0x21: {  	s3 =	sadd.s32 s3, s9;
	s6 =	sadd.s32 @!p0 $0x88, s6;
	s7 =	simm.s32 @p2 $0x1082  }
0x22: {  	[simem:s7], [sflag:s8] =	dma.local @!p0 [hbm:s6], $0xF7A  }
0x23: {  	s9 =	sor.u32 $0xD0000000, s2;
	s6 =	simm.s32 $0x108;
	_ =	swait.ge @!p0 [sflag:s8], $0x0  }
0x24: {  	s3 =	sadd.s32 $0x88, s3;
	s6 =	simm.s32 @!p1 $0x1082;
	[sflag:s4] =	ssyncset.s32 $0xFFFFF086  }
0x25: {  	[simem:s6], [sflag:s4] =	dma.local [hbm:s3], $0xF7A  }
0x26: {  	[smem:$0x3F9B] =	sst s1;
	(tag) =	ssettag s2;
	_ =	strace s9  }
0x27: {  	s1 =	sld [smem:$0x3FAB]  }
0x28: {  	s2 =	sld [smem:$0x3FAC]  }
0x29: {  	s4 =	sld [smem:$0x3FAE]  }
0x2a: {  	p0 =	seq.s32 s5, $0x0;
	s5 =	sld [smem:$0x3FAF]  }
0x2b: {  	s6 =	sld [smem:$0x3FB0]  }
0x2c: {  	s7 =	sld [smem:$0x3FB1]  }
0x2d: {  	s3 =	simm.s32 $0x108;
	s8 =	sld [smem:$0x3FB2]  }
0x2e: {  	s3 =	simm.s32 @!p0 $0x1082;
	s9 =	sld [smem:$0x3FB3]  }
0x2f: {  	lr =	sadd.s32 s0, s3;
	s0 =	sld [smem:$0x3FAA]  }
0x30: {  	s3 =	sld [smem:$0x3FAD]  }
0x31: {  	[smem:$0x3FB6] =	sst s10  }
0x32: {  	s10 =	sld [smem:$0x3FB4];
	_ =	sdelay $0x3  }
0x33: {  	p0 =	seq.s32 s10, $0x1;
	s10 =	sld [smem:$0x3FB6];
	_ =	sdelay $0x3  }
0x34: {  	[smem:$0x3FB6] =	sst s10  }
0x35: {  	s10 =	sld [smem:$0x3FB5];
	_ =	sdelay $0x3  }
0x36: {  	p1 =	seq.s32 s10, $0x1;
	s10 =	sld [smem:$0x3FB6];
	_ =	sdelay $0x3  }
0x37: {  	[smem:$0x3FB6] =	sst s10  }
0x38: {  	s10 =	sld [smem:$0x3FB7]  }
0x39: {  	_ = 	snop;
	(pc) =	sbr.ind lr, $3  }
0x3a: {  	_ = 	snop  }
0x3b: {  	_ = 	snop  }
0x3c: {  	p2 =	seq.s32 s10, $0x1;
	s10 =	sld [smem:$0x3FB6]  }
0x3d: {  	_ =	shalt  }
0x3e: {  	_ =	shalt  }
0x3f: {  	_ =	shalt  }
0x40: {  	_ =	shalt  }
0x41: {  	_ =	shalt  }
0x42: {  	_ =	shalt  }
0x43: {  	_ =	shalt  }
0x44: {  	_ =	shalt  }
0x45: {  	_ =	shalt  }
0x46: {  	_ =	shalt  }
0x47: {  	_ =	shalt  }
0x48: {  	_ =	shalt  }
0x49: {  	_ =	shalt  }
0x4a: {  	_ =	shalt  }
0x4b: {  	_ =	shalt  }
0x4c: {  	_ =	shalt  }
0x4d: {  	_ =	shalt  }
0x4e: {  	_ =	shalt  }
0x4f: {  	_ =	shalt  }
0x50: {  	_ =	shalt  }
0x51: {  	_ =	shalt  }
0x52: {  	_ =	shalt  }
0x53: {  	_ =	shalt  }
0x54: {  	_ =	shalt  }
0x55: {  	_ =	shalt  }
0x56: {  	_ =	shalt  }
0x57: {  	_ =	shalt  }
0x58: {  	_ =	shalt  }
0x59: {  	_ =	shalt  }
0x5a: {  	_ =	shalt  }
0x5b: {  	_ =	shalt  }
0x5c: {  	_ =	shalt  }
0x5d: {  	_ =	shalt  }
0x5e: {  	_ =	shalt  }
0x5f: {  	_ =	shalt  }
0x60: {  	_ =	shalt  }
0x61: {  	_ =	shalt  }
0x62: {  	_ =	shalt  }
0x63: {  	_ =	shalt  }
0x64: {  	_ =	shalt  }
0x65: {  	_ =	shalt  }
0x66: {  	_ =	shalt  }
0x67: {  	_ =	shalt  }
0x68: {  	_ =	shalt  }
0x69: {  	_ =	shalt  }
0x6a: {  	_ =	shalt  }
0x6b: {  	_ =	shalt  }
0x6c: {  	_ =	shalt  }
0x6d: {  	_ =	shalt  }
0x6e: {  	_ =	shalt  }
0x6f: {  	_ =	shalt  }
0x70: {  	_ =	shalt  }
0x71: {  	_ =	shalt  }
0x72: {  	_ =	shalt  }
0x73: {  	_ =	shalt  }
0x74: {  	_ =	shalt  }
0x75: {  	_ =	shalt  }
0x76: {  	_ =	shalt  }
0x77: {  	_ =	shalt  }
0x78: {  	_ =	shalt  }
0x79: {  	_ =	shalt  }
0x7a: {  	_ =	shalt  }
0x7b: {  	_ =	shalt  }
0x7c: {  	_ =	shalt  }
0x7d: {  	_ =	shalt  }
0x7e: {  	_ =	shalt  }
0x7f: {  	_ =	shalt  }
0x80: {  	_ =	shalt  }
0x81: {  	_ =	shalt  }
0x82: {  	_ =	shalt  }
0x83: {  	_ =	shalt  }
0x84: {  	_ =	shalt  }
0x85: {  	_ =	shalt  }
0x86: {  	_ =	shalt  }
0x87: {  	_ =	shalt  }
.Lfunc_end0:
.L_simem_size_0:
called_computation_lowered:
.L_overlay_start_0:
0x88: {  	s2 =	sld [smem:$0x3FD9]  }
0x89: {  	s3 =	sld [smem:$0x3FFE];
	_ =	sdelay $0x1  }
0x8a: {  	s1 =	srdreg.scid  }
0x8b: {  	s0 =	sand.u32 $0x1, s1  }
0x8c: {  	s17 =	sshll.u32 s0, $0xA;
	s2 =	sadd.s32 s3, s2  }
0x8d: {  	s2 =	sadd.s32 s2, s17  }
0x8e: {  	[smem:$0x3FC2] =	sst s2  }
0x8f: {  	_ = 	snop  }
0x90: {  	s2 =	sld [smem:$0x3FD0];
	(tm) =	ssettm $0x1  }
0x91: {  	s18 =	sld [smem:$0x3FFB];
	_ =	sdelay $0x3  }
0x92: {  	_ =	strace s18  }
0x93: {  	s3 =	sld [smem:$0x3FFC];
	_ =	sdelay $0x3  }
0x94: {  	_ =	strace s3  }
0x95: {  	s3 =	sld [smem:$0x3FFD];
	_ =	sdelay $0x3  }
0x96: {  	_ =	strace s3  }
0x97: {  	_ =	strace $0x8FFFFFFF  }
0x98: {  	s19 =	sld [smem:$0x3FDB];
	_ =	sdelay $0x1  }
0x99: {  	s4 =	simm.s32 $_scs_section_size  }
0x9a: {  	s5 =	simm.s32 $_size__tile_overlayer_lowered;
	s6 =	simm.s32 $_tile_overlayer_lowered  }
0x9b: {  	s22 =	simm.s32 $0x1BFF;
	s21 =	sshll.u32 s6, $0x1;
	s3 =	sadd.s32 s4, s19  }
0x9c: {  	s7 =	simm.s32 $0x0;
	s20 =	sshll.u32 s5, $0x1;
	s5 =	sadd.s32 s21, s3  }
0x9d: {  	[timem:s7], [sflag:s22] =	dma.local [hbm:s5], s20  }
0x9e: {  	_ =	swait.ge [sflag:s22], s20  }
0x9f: {  	s4 =	ssub.s32 $0x0, s20;
	[sflag:s22] =	ssyncset.done $0x0  }
0xa0: {  	[sflag:s22] =	ssyncadd.s32 s4;
	_ =	sdelay $0x1  }
0xa1: {  	s23 =	simm.s32 $0x1B8B  }
0xa2: {  	_ =	swait.ge [sflag:s23], $0x1  }
0xa3: {  	[sflag:s23] =	ssyncset.done $0x0  }
0xa4: {  	s25 =	simm.s32 $0x1B8E;
	s24 =	sld [smem:$0x3FFE];
	[sflag:s23] =	ssyncadd.s32 $0xFFFFFFFF  }
0xa5: {  	s26 =	simm.s32 $execute0_lowered;
	[smem:$0x3FD2] =	sst s25  }
0xa6: {  	s5 =	sshll.u32 s26, $0x1;
	_ =	strace $0x80000046;
	[dreg:$0x1] =	wrdreg $0xFFFFFFFF  }
0xa7: {  	s28 =	simm.s32 $_size_execute0_lowered;
	s3 =	sadd.s32 s3, s5;
	[dreg:$0x0] =	wrdreg $0x0  }
0xa8: {  	s5 =	sshll.u32 s28, $0x1;
	[dreg:$0x2] =	wrdreg s3  }
0xa9: {  	[dreg:$0x3] =	wrdreg s5  }
0xaa: {  	[dreg:$0x4] =	wrdreg $0xC0  }
0xab: {  	_ =	task [dreg:s7], $0x5FFFF  }
0xac: {  	[dreg:$0x1] =	wrdreg $0xFFFFFFFF  }
0xad: {  	[dreg:$0x0] =	wrdreg $0x60  }
0xae: {  	[dreg:$0x2] =	wrdreg s2  }
0xaf: {  	[dreg:$0x3] =	wrdreg s24  }
0xb0: {  	[dreg:$0x4] =	wrdreg $0x92000  }
0xb1: {  	[dreg:$0x5] =	wrdreg $0x9  }
0xb2: {  	_ =	task.clear_ibuf [dreg:s7], $0x6FFFF;
	_ =	strace $0x90000046  }
0xb3: {  	s29 =	simm.s32 $0x9;
	_ =	strace $0x80000048  }
0xb4: {  	_ =	swait.ge [sflag:s29], $0x1  }
0xb5: {  	[sflag:s29] =	ssyncadd.s32 $0xFFFFFFFF  }
0xb6: {  	_ =	strace $0x90000048  }
0xb7: {  	_ =	sfence  }
0xb8: {  	s30 =	sld [smem:$0x0];
	_ =	sdelay $0x2  }
0xb9: {  	s31 =	sshll.u32 s1, $0xD;
	s1 =	sshrl.u32 s1, $0x2  }
0xba: {  	s3 =	sand.u32 $0x4000, s31;
	s1 =	sadd.s32 s1, s30  }
0xbb: {  	s0 =	sor.u32 s3, s0;
	s1 =	sshll.u32 s1, $0x11  }
0xbc: {  	s0 =	sor.u32 s1, s0  }
0xbd: {  	s0 =	sadd.s32 $0x8F2B, s0  }
0xbe: {  	[sflag:s0] =	ssyncadd.remote.s32 $0x1  }
0xbf: {  	_ =	sfence.sel $0xFFFF  }
0xc0: {  	[dreg:$0x0] =	wrdreg $0xFFFFFFFF;
	(pc) =	sbr.abs _section_cstart, $3  }
0xc1: {  	[dreg:$0x1] =	wrdreg $0xFFFFFFFF  }
0xc2: {  	_ =	task.clear_ibuf [dreg:s7], $0x2FFFF;
	_ =	strace $0x9FFFFFFF  }
0xc3: {  	(tm) =	ssettm $0x7FFFFFFF  }
tec
execute0_lowered:
.L_overlay_start_1:
0x0: {  	(tag) =	ssettag $0x1  }
0x1: {  	s0 =	rddreg [dreg:$0x0];
	s1 =	srdreg.scid  }
0x2: {  	s4 =	rddreg [dreg:$0x1];
	s8 =	stileid.u32  }
0x3: {  	s2 =	rddreg [dreg:$0x2];
	s6 =	smul.u32 $0x14000, s8  }
0x4: {  	s3 =	simm.s32 $0x0;
	s31 =	simm.s32 $0x2;
	s7 =	smul.u32 $0x50000, s8  }
0x5: {  	s10 =	simm.s32 $0x5000;
	s1 =	sand.u32 $0x1, s1;
	s8 =	smul.u32 $0x5000, s8  }
0x6: {  	s11 =	simm.s32 $0x1;
	[smem:$0x7FF] =	sst s3;
	s5 =	smul.u32 $0x140000, s1  }
0x7: {  	s12 =	smul.u32 $0x50000, s1;
	_ =	strace $0x80000047;
	s1 =	ssub.s32 $0x2, s1  }
0x8: {  	s13 =	sshrl.u32 s1, $0x1;
	s14 =	sshrl.u32 s7, $0x2;
	s7 =	simm.s32 $0x1000  }
0x9: {  	s5 =	sadd.s32 s6, s5;
	s6 =	sadd.s32 s8, s12;
	s1 =	ssub.s32 s1, s13  }
0xa: {  	s12 =	simm.s32 $0x9180;
	s13 =	simm.s32 $0x0;
	s5 =	sshrl.u32 s5, $0x3  }
0xb: {  	s15 =	sshrl.u32 s6, $0x3;
	s1 =	smax.u32 s1, $0x1;
	s26 =	sor.u32 $0x100, s6  }
0xc: {  	s9 =	sadd.s32 s5, s4;
	s5 =	sadd.s32 s0, s15;
	[dreg:$0x6] =	wrdreg s1  }
0xd: {  	s4 =	sadd.s32 s14, s2;
	s16 =	sadd.s32 $0x2600, s9;
	[dreg:$0x4] =	wrdreg s5  }
0xe: {  	s6 =	sor.u32 $0x200, s6;
	s17 =	sadd.s32 $0x1000, s4;
	[dreg:$0x5] =	wrdreg s16  }
0xf: {  	s1 =	sshrl.u32 s26, $0x3;
	s18 =	sadd.s32 $0x2000, s4;
	[dreg:$0x7] =	wrdreg s17  }
0x10: {  	s6 =	sshrl.u32 s6, $0x3;
	s19 =	sadd.s32 $0x3000, s4;
	[dreg:$0x8] =	wrdreg s18  }
0x11: {  	s8 =	sadd.s32 $0x9E0, s5;
	s20 =	sadd.s32 $0x4000, s4;
	[dreg:$0x9] =	wrdreg s19  }
0x12: {  	s21 =	sadd.s32 $0x5000, s4;
	s22 =	sadd.s32 $0x6000, s4;
	[dreg:$0xa] =	wrdreg s20  }
0x13: {  	s23 =	sadd.s32 $0x7000, s4;
	s24 =	sadd.s32 $0x8000, s4;
	[dreg:$0xb] =	wrdreg s21  }
0x14: {  	s25 =	sadd.s32 $0x9000, s4;
	s26 =	sadd.s32 $0x10000, s4;
	[dreg:$0xc] =	wrdreg s22  }
0x15: {  	s28 =	sadd.s32 $0x11000, s4;
	s29 =	sadd.s32 $0x12000, s4;
	[dreg:$0xd] =	wrdreg s23  }
0x16: {  	s30 =	sadd.s32 $0x13000, s4;
	s9 =	simm.s32 $0x9080;
	[dreg:$0xe] =	wrdreg s24  }
0x17: {  	[dreg:$0xf] =	wrdreg s25;
	s18 =	sadd.s32 $0xA000, s4;
	s19 =	sadd.s32 $0xB000, s4  }
0x18: {  	s20 =	sadd.s32 $0xC000, s4;
	s21 =	sadd.s32 $0xD000, s4;
	s22 =	sadd.s32 $0xE000, s4  }
0x19: {  	s23 =	sadd.s32 s1, s0;
	s24 =	sadd.s32 s6, s0;
	s25 =	sadd.s32 $0xF000, s4  }
0x1a: {  	v0 =	vimm.f32 $0.0e+00;
	v1 =	vimm.f32 $1.000000000e+00;
	s1 =	simm.s32 $0x9000;
	s0 =	simm.s32 $0x9100;
	s6 =	simm.s32 $0x80  }
.LBB2_1:
0x1b: {  	s14 =	simm.s32 $0x0;
	s15 =	simm.s32 $0x200  }
.LBB2_2:
0x1c: {  	p0 =	sne.s32 s15, $0x3E00;
	[tilespmem:s14+$0x70] =	vst v0  }
0x1d: {  	[tilespmem:s14+$0x0] =	vst v0  }
0x1e: {  	[tilespmem:s14+$0x10] =	vst v0  }
.Ltmp0:
0x1f: {  	[tilespmem:s14+$0x20] =	vst v0;
	(pc) =	sbr.rel @p0 .LBB2_2-.Ltmp0, $4  }
0x20: {  	[tilespmem:s14+$0x30] =	vst v0  }
0x21: {  	[tilespmem:s14+$0x40] =	vst v0  }
0x22: {  	[tilespmem:s14+$0x50] =	vst v0  }
0x23: {  	[tilespmem:s14+$0x60] =	vst v0;
	s14 =	sshra.s32 s15, $0x2;
	s15 =	sadd.s32 $0x200, s15  }
0x24: {  	[tilespmem:s14+$0x70] =	vst v0  }
0x25: {  	[tilespmem:s14+$0x0] =	vst v0  }
0x26: {  	[tilespmem:s14+$0x10] =	vst v0  }
0x27: {  	[tilespmem:s14+$0x20] =	vst v0  }
0x28: {  	[tilespmem:s14+$0x30] =	vst v0  }
0x29: {  	[tilespmem:s14+$0x40] =	vst v0  }
0x2a: {  	[tilespmem:s14+$0x50] =	vst v0  }
0x2b: {  	[tilespmem:s14+$0x60] =	vst v0;
	s14 =	simm.s32 $0x0;
	s15 =	simm.s32 $0x200  }
.LBB2_4:
0x2c: {  	p0 =	sne.s32 s15, $0xFE00;
	[tilespmem:s14+$0x5010] =	vst v1  }
0x2d: {  	[tilespmem:s14+$0x5000] =	vst v0  }
0x2e: {  	[tilespmem:s14+$0x1010] =	vst v0  }
0x2f: {  	[tilespmem:s14+$0x1020] =	vst v0  }
0x30: {  	[tilespmem:s14+$0x5020] =	vst v0  }
0x31: {  	[tilespmem:s14+$0x1030] =	vst v0  }
0x32: {  	[tilespmem:s14+$0x5030] =	vst v0  }
0x33: {  	[tilespmem:s14+$0x1040] =	vst v0  }
0x34: {  	[tilespmem:s14+$0x5040] =	vst v0  }
0x35: {  	[tilespmem:s14+$0x1050] =	vst v0  }
0x36: {  	[tilespmem:s14+$0x5050] =	vst v0  }
.Ltmp1:
0x37: {  	[tilespmem:s14+$0x1060] =	vst v0;
	(pc) =	sbr.rel @p0 .LBB2_4-.Ltmp1, $4  }
0x38: {  	[tilespmem:s14+$0x5060] =	vst v0  }
0x39: {  	[tilespmem:s14+$0x1070] =	vst v0  }
0x3a: {  	[tilespmem:s14+$0x5070] =	vst v0  }
0x3b: {  	[tilespmem:s14+$0x1000] =	vst v1;
	s14 =	sshra.s32 s15, $0x2;
	s15 =	sadd.s32 $0x200, s15  }
0x3c: {  	[tilespmem:s14+$0x5010] =	vst v1  }
0x3d: {  	[tilespmem:s14+$0x5000] =	vst v0  }
0x3e: {  	[tilespmem:s14+$0x1010] =	vst v0  }
0x3f: {  	[tilespmem:s14+$0x1020] =	vst v0  }
0x40: {  	[tilespmem:s14+$0x5020] =	vst v0  }
0x41: {  	[tilespmem:s14+$0x1030] =	vst v0  }
0x42: {  	[tilespmem:s14+$0x5030] =	vst v0  }
0x43: {  	[tilespmem:s14+$0x1040] =	vst v0  }
0x44: {  	[tilespmem:s14+$0x5040] =	vst v0  }
0x45: {  	[tilespmem:s14+$0x1050] =	vst v0  }
0x46: {  	[tilespmem:s14+$0x5050] =	vst v0  }
0x47: {  	[tilespmem:s14+$0x1060] =	vst v0  }
0x48: {  	[tilespmem:s14+$0x5060] =	vst v0  }
0x49: {  	[tilespmem:s14+$0x1070] =	vst v0  }
0x4a: {  	[tilespmem:s14+$0x5070] =	vst v0  }
0x4b: {  	[tilespmem:s14+$0x1000] =	vst v1;
	s14 =	simm.s32 $0x0  }
0x4c: {  	[spmem:s4] =	stream.linear.scatter [tilespmem:s14], [sflag:$0x2], $0x1000, $0x38;
	[tilespmem:$0x1D200] =	vst v63  }
0x4d: {  	_ =	swait.ge [sflag:s31], $0x1000  }
0x4e: {  	[sflag:s31] =	ssyncset.done $0x0  }
0x4f: {  	s5 =	rddreg [dreg:$0x7];
	[sflag:s31] =	ssyncadd.s32 $0xFFFFF000  }
0x50: {  	[spmem:s5] =	stream.linear.scatter [tilespmem:s14], [sflag:$0x2], $0x1000, $0x38;
	[tilespmem:$0x1D200] =	vst v63  }
0x51: {  	_ =	swait.ge [sflag:s31], $0x1000  }
0x52: {  	[sflag:s31] =	ssyncset.done $0x0  }
0x53: {  	s16 =	rddreg [dreg:$0x8];
	[sflag:s31] =	ssyncadd.s32 $0xFFFFF000  }
0x54: {  	[spmem:s16] =	stream.linear.scatter [tilespmem:s14], [sflag:$0x2], $0x1000, $0x38;
	[tilespmem:$0x1D200] =	vst v63  }
0x55: {  	_ =	swait.ge [sflag:s31], $0x1000  }
0x56: {  	[sflag:s31] =	ssyncset.done $0x0  }
0x57: {  	s17 =	rddreg [dreg:$0x9];
	[sflag:s31] =	ssyncadd.s32 $0xFFFFF000  }
0x58: {  	[spmem:s17] =	stream.linear.scatter [tilespmem:s14], [sflag:$0x2], $0x1000, $0x38;
	[tilespmem:$0x1D200] =	vst v63  }
0x59: {  	_ =	swait.ge [sflag:s31], $0x1000  }
0x5a: {  	[sflag:s31] =	ssyncset.done $0x0  }
0x5b: {  	s15 =	rddreg [dreg:$0xa];
	[sflag:s31] =	ssyncadd.s32 $0xFFFFF000  }
0x5c: {  	[spmem:s15] =	stream.linear.scatter [tilespmem:s14], [sflag:$0x2], $0x1000, $0x38;
	[tilespmem:$0x1D200] =	vst v63  }
0x5d: {  	_ =	swait.ge [sflag:s31], $0x1000  }
0x5e: {  	[sflag:s31] =	ssyncset.done $0x0  }
0x5f: {  	s16 =	rddreg [dreg:$0xb];
	[sflag:s31] =	ssyncadd.s32 $0xFFFFF000  }
0x60: {  	[spmem:s16] =	stream.linear.scatter [tilespmem:s14], [sflag:$0x2], $0x1000, $0x38;
	[tilespmem:$0x1D200] =	vst v63  }
0x61: {  	_ =	swait.ge [sflag:s31], $0x1000  }
0x62: {  	[sflag:s31] =	ssyncset.done $0x0  }
0x63: {  	s17 =	rddreg [dreg:$0xc];
	[sflag:s31] =	ssyncadd.s32 $0xFFFFF000  }
0x64: {  	[spmem:s17] =	stream.linear.scatter [tilespmem:s14], [sflag:$0x2], $0x1000, $0x38;
	[tilespmem:$0x1D200] =	vst v63  }
0x65: {  	_ =	swait.ge [sflag:s31], $0x1000  }
0x66: {  	[sflag:s31] =	ssyncset.done $0x0  }
0x67: {  	s15 =	rddreg [dreg:$0xd];
	[sflag:s31] =	ssyncadd.s32 $0xFFFFF000  }
0x68: {  	[spmem:s15] =	stream.linear.scatter [tilespmem:s14], [sflag:$0x2], $0x1000, $0x38;
	[tilespmem:$0x1D200] =	vst v63  }
0x69: {  	_ =	swait.ge [sflag:s31], $0x1000  }
0x6a: {  	[sflag:s31] =	ssyncset.done $0x0  }
0x6b: {  	s16 =	rddreg [dreg:$0xe];
	[sflag:s31] =	ssyncadd.s32 $0xFFFFF000  }
0x6c: {  	[spmem:s16] =	stream.linear.scatter [tilespmem:s14], [sflag:$0x2], $0x1000, $0x38;
	[tilespmem:$0x1D200] =	vst v63  }
0x6d: {  	_ =	swait.ge [sflag:s31], $0x1000  }
0x6e: {  	[sflag:s31] =	ssyncset.done $0x0  }
0x6f: {  	s17 =	rddreg [dreg:$0xf];
	[sflag:s31] =	ssyncadd.s32 $0xFFFFF000  }
0x70: {  	[spmem:s17] =	stream.linear.scatter [tilespmem:s14], [sflag:$0x2], $0x1000, $0x38;
	[tilespmem:$0x1D200] =	vst v63  }
0x71: {  	_ =	swait.ge [sflag:s31], $0x1000  }
0x72: {  	[sflag:s31] =	ssyncset.done $0x0  }
0x73: {  	[sflag:s31] =	ssyncadd.s32 $0xFFFFF000  }
0x74: {  	[spmem:s18] =	stream.linear.scatter [tilespmem:s14], [sflag:$0x2], $0x1000, $0x38;
	[tilespmem:$0x1D200] =	vst v63  }
0x75: {  	_ =	swait.ge [sflag:s31], $0x1000  }
0x76: {  	[sflag:s31] =	ssyncset.done $0x0  }
0x77: {  	[sflag:s31] =	ssyncadd.s32 $0xFFFFF000  }
0x78: {  	[spmem:s19] =	stream.linear.scatter [tilespmem:s14], [sflag:$0x2], $0x1000, $0x38;
	[tilespmem:$0x1D200] =	vst v63  }
0x79: {  	_ =	swait.ge [sflag:s31], $0x1000  }
0x7a: {  	[sflag:s31] =	ssyncset.done $0x0  }
0x7b: {  	[sflag:s31] =	ssyncadd.s32 $0xFFFFF000  }
0x7c: {  	[spmem:s20] =	stream.linear.scatter [tilespmem:s14], [sflag:$0x2], $0x1000, $0x38;
	[tilespmem:$0x1D200] =	vst v63  }
0x7d: {  	_ =	swait.ge [sflag:s31], $0x1000  }
0x7e: {  	[sflag:s31] =	ssyncset.done $0x0  }
0x7f: {  	[sflag:s31] =	ssyncadd.s32 $0xFFFFF000  }
0x80: {  	[spmem:s21] =	stream.linear.scatter [tilespmem:s14], [sflag:$0x2], $0x1000, $0x38;
	[tilespmem:$0x1D200] =	vst v63  }
0x81: {  	_ =	swait.ge [sflag:s31], $0x1000  }
0x82: {  	[sflag:s31] =	ssyncset.done $0x0  }
0x83: {  	[sflag:s31] =	ssyncadd.s32 $0xFFFFF000  }
0x84: {  	[spmem:s22] =	stream.linear.scatter [tilespmem:s14], [sflag:$0x2], $0x1000, $0x38;
	[tilespmem:$0x1D200] =	vst v63  }
0x85: {  	_ =	swait.ge [sflag:s31], $0x1000  }
0x86: {  	[sflag:s31] =	ssyncset.done $0x0  }
0x87: {  	[sflag:s31] =	ssyncadd.s32 $0xFFFFF000  }
0x88: {  	[spmem:s25] =	stream.linear.scatter [tilespmem:s14], [sflag:$0x2], $0x1000, $0x38;
	[tilespmem:$0x1D200] =	vst v63  }
0x89: {  	_ =	swait.ge [sflag:s31], $0x1000  }
0x8a: {  	[sflag:s31] =	ssyncset.done $0x0  }
0x8b: {  	[sflag:s31] =	ssyncadd.s32 $0xFFFFF000  }
0x8c: {  	[spmem:s26] =	stream.linear.scatter [tilespmem:s14], [sflag:$0x2], $0x1000, $0x38;
	[tilespmem:$0x1D200] =	vst v63  }
0x8d: {  	_ =	swait.ge [sflag:s31], $0x1000  }
0x8e: {  	[sflag:s31] =	ssyncset.done $0x0  }
0x8f: {  	[sflag:s31] =	ssyncadd.s32 $0xFFFFF000  }
0x90: {  	[spmem:s28] =	stream.linear.scatter [tilespmem:s14], [sflag:$0x2], $0x1000, $0x38;
	[tilespmem:$0x1D200] =	vst v63  }
0x91: {  	_ =	swait.ge [sflag:s31], $0x1000  }
0x92: {  	[sflag:s31] =	ssyncset.done $0x0  }
0x93: {  	[sflag:s31] =	ssyncadd.s32 $0xFFFFF000  }
0x94: {  	[spmem:s29] =	stream.linear.scatter [tilespmem:s14], [sflag:$0x2], $0x1000, $0x38;
	[tilespmem:$0x1D200] =	vst v63  }
0x95: {  	_ =	swait.ge [sflag:s31], $0x1000  }
0x96: {  	[sflag:s31] =	ssyncset.done $0x0  }
0x97: {  	[sflag:s31] =	ssyncadd.s32 $0xFFFFF000  }
0x98: {  	[spmem:s30] =	stream.linear.scatter [tilespmem:s14], [sflag:$0x2], $0x1000, $0x38;
	[tilespmem:$0x1D200] =	vst v63  }
0x99: {  	_ =	swait.ge [sflag:s31], $0x1000  }
0x9a: {  	[sflag:s31] =	ssyncset.done $0x0  }
0x9b: {  	[sflag:s31] =	ssyncadd.s32 $0xFFFFF000  }
0x9c: {  	[bflag:$0x0] =	sbarrier.arrive $0xFFFF  }
0x9d: {  	s15 =	rddreg [dreg:$0x4]  }
0x9e: {  	[tilespmem:s1], [sflag:$0x2] =	stream.linear.gather [hbm4b:s15+s14], $0x100, $0x38;
	[tilespmem:$0x1D200] =	vst v63  }
0x9f: {  	_ =	swait.ge [sflag:s31], $0x100  }
0xa0: {  	[sflag:s31] =	ssyncset.done $0x0  }
0xa1: {  	s16 =	sadd.s32 $0x0, s23;
	[sflag:s31] =	ssyncadd.s32 $0xFFFFFF00  }
0xa2: {  	[tilespmem:s0], [sflag:$0x1] =	stream.linear.gather [hbm4b:s16+s3], $0x100, $0x38;
	[tilespmem:$0x1D200] =	vst v63  }
0xa3: {  	_ = 	snop  }
0xa4: {  	[spmem:s2] =	stream.indirect.scatter.add.f32 [tilespmem:s7], [sflag:$0x2], $0x80, s1, s6, $0xb8;
	[tilespmem:$0x1D200] =	vst v63  }
0xa5: {  	_ =	swait.ge [sflag:s31], $0x4000  }
0xa6: {  	[sflag:s31] =	ssyncset.done $0x0  }
0xa7: {  	[sflag:s31] =	ssyncadd.s32 $0xFFFFC000  }
0xa8: {  	[spmem:s2] =	stream.indirect.scatter.add.f32 [tilespmem:s10], [sflag:$0x2], $0x80, s9, s6, $0xb8;
	[tilespmem:$0x1D200] =	vst v63  }
0xa9: {  	_ =	swait.ge [sflag:s31], $0x4000  }
0xaa: {  	[sflag:s31] =	ssyncset.done $0x0  }
0xab: {  	[sflag:s31] =	ssyncadd.s32 $0xFFFFC000  }
0xac: {  	_ =	swait.ge [sflag:s11], $0x100  }
0xad: {  	[sflag:s11] =	ssyncset.done $0x0  }
0xae: {  	s17 =	sadd.s32 $0x0, s24;
	[sflag:s11] =	ssyncadd.s32 $0xFFFFFF00  }
0xaf: {  	[tilespmem:s1], [sflag:$0x1] =	stream.linear.gather [hbm4b:s17+s3], $0x100, $0x38;
	[tilespmem:$0x1D200] =	vst v63  }
0xb0: {  	_ = 	snop  }
0xb1: {  	[spmem:s2] =	stream.indirect.scatter.add.f32 [tilespmem:s7], [sflag:$0x2], $0x80, s0, s6, $0xb8;
	[tilespmem:$0x1D200] =	vst v63  }
0xb2: {  	_ =	swait.ge [sflag:s31], $0x4000  }
0xb3: {  	[sflag:s31] =	ssyncset.done $0x0  }
0xb4: {  	[sflag:s31] =	ssyncadd.s32 $0xFFFFC000  }
0xb5: {  	[spmem:s2] =	stream.indirect.scatter.add.f32 [tilespmem:s10], [sflag:$0x2], $0x80, s12, s6, $0xb8;
	[tilespmem:$0x1D200] =	vst v63  }
0xb6: {  	_ =	swait.ge [sflag:s31], $0x4000  }
0xb7: {  	[sflag:s31] =	ssyncset.done $0x0  }
0xb8: {  	[sflag:s31] =	ssyncadd.s32 $0xFFFFC000  }
0xb9: {  	_ =	swait.ge [sflag:s11], $0x100  }
0xba: {  	s14 =	simm.s32 $0x40;
	s15 =	simm.s32 $0x80;
	[sflag:s11] =	ssyncset.done $0x0  }
.LBB2_6:
0xbb: {  	s16 =	sadd.s32 s14, s23  }
0xbc: {  	[sflag:s11] =	ssyncadd.s32 $0xFFFFFF00;
	s5 =	smov.u32 s15;
	s17 =	sadd.s32 $0x40, s15  }
0xbd: {  	[tilespmem:s0], [sflag:$0x1] =	stream.linear.gather [hbm4b:s16+s3], $0x100, $0x38;
	[tilespmem:$0x1D200] =	vst v63  }
0xbe: {  	p0 =	sne.s32 s15, $0x980  }
0xbf: {  	[spmem:s2] =	stream.indirect.scatter.add.f32 [tilespmem:s7], [sflag:$0x2], $0x80, s1, s6, $0xb8;
	[tilespmem:$0x1D200] =	vst v63  }
0xc0: {  	_ =	swait.ge [sflag:s31], $0x4000  }
0xc1: {  	[sflag:s31] =	ssyncset.done $0x0  }
0xc2: {  	[sflag:s31] =	ssyncadd.s32 $0xFFFFC000  }
0xc3: {  	[spmem:s2] =	stream.indirect.scatter.add.f32 [tilespmem:s10], [sflag:$0x2], $0x80, s9, s6, $0xb8;
	[tilespmem:$0x1D200] =	vst v63  }
0xc4: {  	_ =	swait.ge [sflag:s31], $0x4000  }
0xc5: {  	[sflag:s31] =	ssyncset.done $0x0  }
0xc6: {  	[sflag:s31] =	ssyncadd.s32 $0xFFFFC000  }
0xc7: {  	_ =	swait.ge [sflag:s11], $0x100  }
0xc8: {  	[sflag:s11] =	ssyncset.done $0x0  }
0xc9: {  	s15 =	sadd.s32 s14, s24;
	s14 =	smov.u32 s5;
	[sflag:s11] =	ssyncadd.s32 $0xFFFFFF00  }
0xca: {  	[tilespmem:s1], [sflag:$0x1] =	stream.linear.gather [hbm4b:s15+s3], $0x100, $0x38;
	[tilespmem:$0x1D200] =	vst v63  }
0xcb: {  	_ = 	snop  }
0xcc: {  	[spmem:s2] =	stream.indirect.scatter.add.f32 [tilespmem:s7], [sflag:$0x2], $0x80, s0, s6, $0xb8;
	[tilespmem:$0x1D200] =	vst v63  }
0xcd: {  	_ =	swait.ge [sflag:s31], $0x4000  }
0xce: {  	[sflag:s31] =	ssyncset.done $0x0  }
0xcf: {  	[sflag:s31] =	ssyncadd.s32 $0xFFFFC000  }
0xd0: {  	[spmem:s2] =	stream.indirect.scatter.add.f32 [tilespmem:s10], [sflag:$0x2], $0x80, s12, s6, $0xb8;
	[tilespmem:$0x1D200] =	vst v63  }
.Ltmp2:
0xd1: {  	_ =	swait.ge [sflag:s31], $0x4000;
	(pc) =	sbr.rel @p0 .LBB2_6-.Ltmp2, $4  }
0xd2: {  	[sflag:s31] =	ssyncset.done $0x0  }
0xd3: {  	[sflag:s31] =	ssyncadd.s32 $0xFFFFC000  }
0xd4: {  	_ =	swait.ge [sflag:s11], $0x100  }
0xd5: {  	s15 =	smov.u32 s17;
	[sflag:s11] =	ssyncset.done $0x0  }
0xd6: {  	s5 =	sadd.s32 s14, s23;
	[sflag:s11] =	ssyncadd.s32 $0xFFFFFF00  }
0xd7: {  	[tilespmem:s0], [sflag:$0x1] =	stream.linear.gather [hbm4b:s5+s3], $0x100, $0x38;
	[tilespmem:$0x1D200] =	vst v63  }
0xd8: {  	_ = 	snop  }
0xd9: {  	[spmem:s2] =	stream.indirect.scatter.add.f32 [tilespmem:s7], [sflag:$0x2], $0x80, s1, s6, $0xb8;
	[tilespmem:$0x1D200] =	vst v63  }
0xda: {  	_ =	swait.ge [sflag:s31], $0x4000  }
0xdb: {  	[sflag:s31] =	ssyncset.done $0x0  }
0xdc: {  	[sflag:s31] =	ssyncadd.s32 $0xFFFFC000  }
0xdd: {  	[spmem:s2] =	stream.indirect.scatter.add.f32 [tilespmem:s10], [sflag:$0x2], $0x80, s9, s6, $0xb8;
	[tilespmem:$0x1D200] =	vst v63  }
0xde: {  	_ =	swait.ge [sflag:s31], $0x4000  }
0xdf: {  	[sflag:s31] =	ssyncset.done $0x0  }
0xe0: {  	[sflag:s31] =	ssyncadd.s32 $0xFFFFC000  }
0xe1: {  	_ =	swait.ge [sflag:s11], $0x100  }
0xe2: {  	[sflag:s11] =	ssyncset.done $0x0  }
0xe3: {  	s14 =	sadd.s32 s14, s24;
	[sflag:s11] =	ssyncadd.s32 $0xFFFFFF00  }
0xe4: {  	[tilespmem:s1], [sflag:$0x1] =	stream.linear.gather [hbm4b:s14+s3], $0x100, $0x38;
	[tilespmem:$0x1D200] =	vst v63  }
0xe5: {  	_ = 	snop  }
0xe6: {  	[spmem:s2] =	stream.indirect.scatter.add.f32 [tilespmem:s7], [sflag:$0x2], $0x80, s0, s6, $0xb8;
	[tilespmem:$0x1D200] =	vst v63  }
0xe7: {  	_ =	swait.ge [sflag:s31], $0x4000  }
0xe8: {  	[sflag:s31] =	ssyncset.done $0x0  }
0xe9: {  	[sflag:s31] =	ssyncadd.s32 $0xFFFFC000  }
0xea: {  	[spmem:s2] =	stream.indirect.scatter.add.f32 [tilespmem:s10], [sflag:$0x2], $0x80, s12, s6, $0xb8;
	[tilespmem:$0x1D200] =	vst v63  }
0xeb: {  	_ =	swait.ge [sflag:s31], $0x4000  }
0xec: {  	[sflag:s31] =	ssyncset.done $0x0  }
0xed: {  	[sflag:s31] =	ssyncadd.s32 $0xFFFFC000  }
0xee: {  	_ =	swait.ge [sflag:s11], $0x100  }
0xef: {  	[sflag:s11] =	ssyncset.done $0x0  }
0xf0: {  	[sflag:s11] =	ssyncadd.s32 $0xFFFFFF00  }
0xf1: {  	[tilespmem:s0], [sflag:$0x1] =	stream.linear.gather [hbm4b:s8+s3], $0x100, $0x38;
	[tilespmem:$0x1D200] =	vst v63  }
0xf2: {  	_ = 	snop  }
0xf3: {  	[spmem:s2] =	stream.indirect.scatter.add.f32 [tilespmem:s7], [sflag:$0x2], $0x80, s1, s6, $0xb8;
	[tilespmem:$0x1D200] =	vst v63  }
0xf4: {  	_ =	swait.ge [sflag:s31], $0x4000  }
0xf5: {  	[sflag:s31] =	ssyncset.done $0x0  }
0xf6: {  	[sflag:s31] =	ssyncadd.s32 $0xFFFFC000  }
0xf7: {  	[spmem:s2] =	stream.indirect.scatter.add.f32 [tilespmem:s10], [sflag:$0x2], $0x80, s9, s6, $0xb8;
	[tilespmem:$0x1D200] =	vst v63  }
0xf8: {  	_ =	swait.ge [sflag:s31], $0x4000  }
0xf9: {  	[sflag:s31] =	ssyncset.done $0x0  }
0xfa: {  	[sflag:s31] =	ssyncadd.s32 $0xFFFFC000  }
0xfb: {  	_ =	swait.ge [sflag:s11], $0x100  }
0xfc: {  	[sflag:s11] =	ssyncset.done $0x0  }
0xfd: {  	[sflag:s11] =	ssyncadd.s32 $0xFFFFFF00  }
0xfe: {  	[tilespmem:s1], [sflag:$0x1] =	stream.linear.gather [hbm4b:s8+s3], $0x100, $0x38;
	[tilespmem:$0x1D200] =	vst v63  }
0xff: {  	_ = 	snop  }
0x100: {  	[spmem:s2] =	stream.indirect.scatter.add.f32 [tilespmem:s7], [sflag:$0x2], $0x80, s0, s6, $0xb8;
	[tilespmem:$0x1D200] =	vst v63  }
0x101: {  	_ =	swait.ge [sflag:s31], $0x4000  }
0x102: {  	[sflag:s31] =	ssyncset.done $0x0  }
0x103: {  	[sflag:s31] =	ssyncadd.s32 $0xFFFFC000  }
0x104: {  	[spmem:s2] =	stream.indirect.scatter.add.f32 [tilespmem:s10], [sflag:$0x2], $0x80, s12, s6, $0xb8;
	[tilespmem:$0x1D200] =	vst v63  }
0x105: {  	_ =	swait.ge [sflag:s31], $0x4000  }
0x106: {  	[sflag:s31] =	ssyncset.done $0x0  }
0x107: {  	[sflag:s31] =	ssyncadd.s32 $0xFFFFC000  }
0x108: {  	_ =	swait.ge [sflag:s11], $0x100  }
0x109: {  	[sflag:s11] =	ssyncset.done $0x0  }
0x10a: {  	s15 =	stileid.u32;
	[sflag:s11] =	ssyncadd.s32 $0xFFFFFF00  }
0x10b: {  	s5 =	sshll.u32 s15, $0x6;
	[bflag:$0x0] =	sbarrier.arrive $0xFFFF  }
0x10c: {  	s16 =	sshrl.u32 s4, $0x3;
	s5 =	sor.u32 $0x1C02, s5;
	s15 =	rddreg [dreg:$0x5]  }
0x10d: {  	[hbm:s15], [sflag:s5] =	dma.local [spmem:s16], $0x2800  }
0x10e: {  	_ =	swait.ge [sflag:s31], $0x2800  }
0x10f: {  	s13 =	sadd.s32 $0x1, s13;
	s17 =	rddreg [dreg:$0x6]  }
0x110: {  	p0 =	sne.s32 s13, s17  }
.Ltmp3:
0x111: {  	_ = 	snop;
	(pc) =	sbr.rel @p0 .LBB2_1-.Ltmp3, $3  }
0x112: {  	_ =	sdelay $0x1  }
0x113: {  	[sflag:s31] =	ssyncset.done $0x0  }
0x114: {  	[sflag:s31] =	ssyncadd.s32 $0xFFFFD800  }
0x115: {  	_ =	sfence.sel $0x180000  }
0x116: {  	[bflag:$0x0] =	sbarrier.arrive $0xFFFF  }
0x117: {  	_ =	strace $0x90000047  }
0x118: {  	s0 =	stileid.u32;
	[bflag:$0x2] =	sbarrier.arrive $0xFFFF  }
0x119: {  	p0 =	sne.s32 s0, $0x0;
	s0 =	rddreg [dreg:$0x3]  }
0x11a: {  	s0 =	sadd.s32 @!p0 $0x100000, s0  }
0x11b: {  	[sflag:s0] =	ssyncadd.tile.s32 @!p0 $0x1;
	_ =	shalt  }
.Lfunc_end2:
_tile_overlayer_lowered:
.L_overlay_start_2:
0x11c: {  	(tag) =	ssettag $0x2  }
0x11d: {  	s0 =	rddreg [dreg:$0x0];
	s2 =	stileid.u32  }
0x11e: {  	s1 =	rddreg [dreg:$0x1];
	p0 =	sne.s32 s2, $0x0  }
0x11f: {  	s3 =	rddreg [dreg:$0x2];
	[bflag:$0x3] =	sbarrier.arrive $0xFFFF;
	s2 =	simm.s32 @!p0 $0x1C02  }
0x120: {  	[timem:s3], [sflag:s2] =	dma.local @!p0 [hbm:s0], s1  }
0x121: {  	s0 =	simm.s32 @!p0 $0x2  }
0x122: {  	_ =	swait.ge @!p0 [sflag:s0], s1  }
0x123: {  	s1 =	ssub.s32 @!p0 $0x0, s1;
	[sflag:s0] =	ssyncset.done @!p0 $0x0  }
0x124: {  	[sflag:s0] =	ssyncadd.s32 @!p0 s1  }
0x125: {  	[bflag:$0x3] =	sbarrier.arrive $0xFFFF  }
0x126: {  	_ =	shalt  }

</sc_bundles>
